<compile_context>
chip_gen: v7x
topology: tpu7x:2x2x1
jax: 0.10.2.dev20260603
libtpu: 0.0.44.dev20260713+nightly
codegen_flags: <defaults>
</compile_context>

<pallas_src>
import functools
import jax
import jax.numpy as jnp
from jax import lax
from jax.experimental import pallas as pl
from jax.experimental.pallas import tpu as pltpu
from jax.experimental.pallas import tpu_sc as plsc

EPS = 1e-5
_NC, _NS, _L = 2, 16, 16
_NW = _NC * _NS


def _gather_body(ta, tb, src, dst, x_out, idxa_v, idxb_v, buf_v, sem, *, E):
    C = 2000
    per_w = E // _NW
    wid = lax.axis_index("s") * _NC + lax.axis_index("c")
    base_w = wid * per_w

    def step(i, _):
        base = base_w + i * C
        pltpu.sync_copy(src.at[pl.ds(base, C)], idxa_v)
        pltpu.sync_copy(dst.at[pl.ds(base, C)], idxb_v)
        pltpu.async_copy(ta.at[idxa_v], buf_v, sem).wait()
        pltpu.sync_copy(tb.at[idxb_v], buf_v, add=True)
        pltpu.sync_copy(buf_v, x_out.at[pl.ds(base, C)])
        return 0

    lax.fori_loop(0, per_w // C, step, 0)


def _stats1_body(x_ref, w1_ref, b1_ref, o_ref):
    x = x_ref[...].astype(jnp.bfloat16)
    w1 = w1_ref[...].astype(jnp.bfloat16)
    h1 = jnp.maximum(jnp.dot(x, w1, preferred_element_type=jnp.float32)
                     + b1_ref[...], 0.0)
    s = jnp.sum(h1, axis=0)
    q = jnp.sum(h1 * h1, axis=0)
    z = jnp.concatenate([s[None, :], q[None, :],
                         jnp.zeros((6, 32), jnp.float32)], axis=0)

    @pl.when(pl.program_id(0) == 0)
    def _():
        o_ref[...] = jnp.zeros_like(o_ref)

    o_ref[...] += z


def _h2_body(x_ref, w1_ref, b1_ref, m1_ref, s1_ref, g1_ref, t1_ref,
             w2_ref, b2_ref, eye_ref, h2t_ref, o_ref):
    x = x_ref[...].astype(jnp.bfloat16)
    w1 = w1_ref[...].astype(jnp.bfloat16)
    h1 = jnp.maximum(jnp.dot(x, w1, preferred_element_type=jnp.float32)
                     + b1_ref[...], 0.0)
    h1n = (h1 - m1_ref[...]) / s1_ref[...] * g1_ref[...] + t1_ref[...]
    w2 = w2_ref[...].astype(jnp.bfloat16)
    h2 = jnp.maximum(
        jnp.dot(h1n.astype(jnp.bfloat16), w2,
                preferred_element_type=jnp.float32) + b2_ref[...], 0.0)
    h2t_ref[...] = lax.dot_general(eye_ref[...], h2, (((1,), (1,)), ((), ())),
                                   preferred_element_type=jnp.float32,
                                   precision=jax.lax.Precision.HIGHEST)
    s = jnp.sum(h2, axis=0)
    q = jnp.sum(h2 * h2, axis=0)
    z = jnp.concatenate([s[None, :], q[None, :],
                         jnp.zeros((6, 64), jnp.float32)], axis=0)

    @pl.when(pl.program_id(0) == 0)
    def _():
        o_ref[...] = jnp.zeros_like(o_ref)

    o_ref[...] += z


def _scatter_body(h2t, dst, p_out, acc_v, idx_v, val_v, sem0, sem1, *, E, M):
    C = 2000
    Eh = E // _NC
    nchunk = Eh // C
    c = lax.axis_index("c")
    s = lax.axis_index("s")
    sems = (sem0, sem1)

    def zstep(i, _):
        acc_v[pl.ds(i * _L, _L)] = jnp.zeros((_L,), jnp.float32)
        return 0
    lax.fori_loop(0, (M * 4) // _L, zstep, 0)

    def start_fetch(i, b):
        base = c * Eh + i * C
        pltpu.async_copy(dst.at[pl.ds(base, C)], idx_v.at[b], sems[b])
        for f in range(4):
            pltpu.async_copy(h2t.at[4 * s + f, pl.ds(base, C)],
                             val_v.at[b, f], sems[b])

    def wait_fetch(b):
        pltpu.make_async_copy(dst.at[pl.ds(0, C)], idx_v.at[b],
                              sems[b]).wait()
        for f in range(4):
            pltpu.make_async_copy(h2t.at[0, pl.ds(0, C)],
                                  val_v.at[b, f], sems[b]).wait()

    def process(b):
        def vstep(j, bad):
            idx4 = idx_v[b, pl.ds(j * _L, _L)] * 4
            for f in range(4):
                fidx = idx4 + f
                v = val_v[b, f, pl.ds(j * _L, _L)]
                g = plsc.load_gather(acc_v, [fidx])
                plsc.store_scatter(acc_v, [fidx], jnp.maximum(v, g))
                g2 = plsc.load_gather(acc_v, [fidx])
                bad = bad | (v > g2).astype(jnp.int32)
            return bad
        bad = lax.fori_loop(0, C // _L, vstep, jnp.zeros((_L,), jnp.int32))

        @pl.when(jnp.any(bad > 0))
        def _():
            def vfix(j, _):
                idx4 = idx_v[b, pl.ds(j * _L, _L)] * 4
                for f in range(4):
                    fidx = idx4 + f
                    v = val_v[b, f, pl.ds(j * _L, _L)]
                    g = plsc.load_gather(acc_v, [fidx])

                    def retry(nd):
                        plsc.store_scatter(acc_v, [fidx], v, mask=nd)
                        return v > plsc.load_gather(acc_v, [fidx])

                    lax.while_loop(lambda nd: jnp.any(nd), retry, v > g)
                return 0
            lax.fori_loop(0, C // _L, vfix, 0)

    start_fetch(0, 0)

    def step2(k, _):
        i = k * 2

        @pl.when(i + 1 < nchunk)
        def _():
            start_fetch(i + 1, 1)
        wait_fetch(0)
        process(0)

        @pl.when(i + 2 < nchunk)
        def _():
            start_fetch(i + 2, 0)

        @pl.when(i + 1 < nchunk)
        def _():
            wait_fetch(1)
            process(1)
        return 0

    lax.fori_loop(0, (nchunk + 1) // 2, step2, 0)
    pltpu.sync_copy(acc_v, p_out.at[c, s])


def _final_mm_body(pa_ref, pb_ref, m2_ref, s2_ref, g2_ref, t2_ref,
                   w3_ref, b3_ref, t_ref, o_ref):
    m = jnp.maximum(pa_ref[...], pb_ref[...])
    a = jnp.maximum((m - m2_ref[...]) / s2_ref[...] * g2_ref[...]
                    + t2_ref[...], 0.0)
    t = jnp.maximum(
        jnp.dot(a.astype(jnp.bfloat16), w3_ref[...].astype(jnp.bfloat16),
                preferred_element_type=jnp.float32) + b3_ref[...], 0.0)
    t_ref[...] = t
    s = jnp.sum(t, axis=0)
    q = jnp.sum(t * t, axis=0)
    z = jnp.concatenate([s[None, :], q[None, :],
                         jnp.zeros((6, 64), jnp.float32)], axis=0)

    @pl.when(pl.program_id(0) == 0)
    def _():
        o_ref[...] = jnp.zeros_like(o_ref)

    o_ref[...] += z


def _final_norm_body(t_ref, m3_ref, s3_ref, g3_ref, t3_ref, o_ref):
    o_ref[...] = ((t_ref[...] - m3_ref[...]) / s3_ref[...] * g3_ref[...]
                  + t3_ref[...])


def kernel(last_coors, last_features, current_coors, edge, W1, b1, g1, bt1,
           W2, b2, g2, bt2, W3, b3, g3, bt3):
    N = last_coors.shape[0]
    M = current_coors.shape[0]
    E = edge.shape[1]
    src = edge[1].astype(jnp.int32)
    dst = edge[0].astype(jnp.int32)

    tableA = jnp.concatenate(
        [last_features, last_coors, jnp.zeros((N, 9), jnp.float32)], axis=1)
    tableB = jnp.concatenate(
        [jnp.zeros((M, 4), jnp.float32), -current_coors,
         jnp.zeros((M, 9), jnp.float32)], axis=1)
    W1p = jnp.concatenate([W1, jnp.zeros((9, 32), jnp.float32)], axis=0)

    mesh = plsc.VectorSubcoreMesh(core_axis_name="c", subcore_axis_name="s")
    sc_params = pltpu.CompilerParams(use_tc_tiling_on_sc=False,
                                     needs_layout_passes=False)

    X = pl.kernel(
        functools.partial(_gather_body, E=E),
        out_type=jax.ShapeDtypeStruct((E, 16), jnp.float32),
        mesh=mesh,
        scratch_types=[
            pltpu.VMEM((2000,), jnp.int32),
            pltpu.VMEM((2000,), jnp.int32),
            pltpu.VMEM((2000, 16), jnp.float32),
            pltpu.SemaphoreType.DMA,
        ],
        compiler_params=sc_params,
    )(tableA, tableB, src, dst)

    Bc = 12800
    nblk = E // Bc
    stats1 = pl.pallas_call(
        _stats1_body,
        grid=(nblk,),
        in_specs=[pl.BlockSpec((Bc, 16), lambda i: (i, 0)),
                  pl.BlockSpec((16, 32), lambda i: (0, 0)),
                  pl.BlockSpec((1, 32), lambda i: (0, 0))],
        out_specs=pl.BlockSpec((8, 32), lambda i: (0, 0)),
        out_shape=jax.ShapeDtypeStruct((8, 32), jnp.float32),
    )(X, W1p, b1[None, :])

    mean1 = (stats1[0] / E)[None, :]
    var1 = stats1[1] / E - mean1[0] * mean1[0]
    sqrt1 = jnp.sqrt(var1 + EPS)[None, :]

    h2t, stats2 = pl.pallas_call(
        _h2_body,
        grid=(nblk,),
        in_specs=[pl.BlockSpec((Bc, 16), lambda i: (i, 0)),
                  pl.BlockSpec((16, 32), lambda i: (0, 0)),
                  pl.BlockSpec((1, 32), lambda i: (0, 0)),
                  pl.BlockSpec((1, 32), lambda i: (0, 0)),
                  pl.BlockSpec((1, 32), lambda i: (0, 0)),
                  pl.BlockSpec((1, 32), lambda i: (0, 0)),
                  pl.BlockSpec((1, 32), lambda i: (0, 0)),
                  pl.BlockSpec((32, 64), lambda i: (0, 0)),
                  pl.BlockSpec((1, 64), lambda i: (0, 0)),
                  pl.BlockSpec((64, 64), lambda i: (0, 0))],
        out_specs=[pl.BlockSpec((64, Bc), lambda i: (0, i)),
                   pl.BlockSpec((8, 64), lambda i: (0, 0))],
        out_shape=[jax.ShapeDtypeStruct((64, E), jnp.float32),
                   jax.ShapeDtypeStruct((8, 64), jnp.float32)],
    )(X, W1p, b1[None, :], mean1, sqrt1, g1[None, :], bt1[None, :],
      W2, b2[None, :], jnp.eye(64, dtype=jnp.float32))

    mean2 = (stats2[0] / E)[None, :]
    var2 = stats2[1] / E - mean2[0] * mean2[0]
    sqrt2 = jnp.sqrt(var2 + EPS)[None, :]

    P = pl.kernel(
        functools.partial(_scatter_body, E=E, M=M),
        out_type=jax.ShapeDtypeStruct((_NC, _NS, M * 4), jnp.float32),
        mesh=plsc.VectorSubcoreMesh(core_axis_name="c", subcore_axis_name="s"),
        scratch_types=[
            pltpu.VMEM((M * 4,), jnp.float32),
            pltpu.VMEM((2, 2000), jnp.int32),
            pltpu.VMEM((2, 4, 2000), jnp.float32),
            pltpu.SemaphoreType.DMA,
            pltpu.SemaphoreType.DMA,
        ],
        compiler_params=sc_params,
    )(h2t, dst)

    Pn = P.reshape(_NC, _NS, M, 4).transpose(0, 2, 1, 3).reshape(_NC, M, 64)

    Br = 5000
    t, stats3 = pl.pallas_call(
        _final_mm_body,
        grid=(M // Br,),
        in_specs=[pl.BlockSpec((Br, 64), lambda i: (i, 0)),
                  pl.BlockSpec((Br, 64), lambda i: (i, 0)),
                  pl.BlockSpec((1, 64), lambda i: (0, 0)),
                  pl.BlockSpec((1, 64), lambda i: (0, 0)),
                  pl.BlockSpec((1, 64), lambda i: (0, 0)),
                  pl.BlockSpec((1, 64), lambda i: (0, 0)),
                  pl.BlockSpec((64, 64), lambda i: (0, 0)),
                  pl.BlockSpec((1, 64), lambda i: (0, 0))],
        out_specs=[pl.BlockSpec((Br, 64), lambda i: (i, 0)),
                   pl.BlockSpec((8, 64), lambda i: (0, 0))],
        out_shape=[jax.ShapeDtypeStruct((M, 64), jnp.float32),
                   jax.ShapeDtypeStruct((8, 64), jnp.float32)],
    )(Pn[0], Pn[1], mean2, sqrt2, g2[None, :], bt2[None, :], W3, b3[None, :])

    mean3 = (stats3[0] / M)[None, :]
    var3 = stats3[1] / M - mean3[0] * mean3[0]
    sqrt3 = jnp.sqrt(var3 + EPS)[None, :]

    out = pl.pallas_call(
        _final_norm_body,
        grid=(M // Br,),
        in_specs=[pl.BlockSpec((Br, 64), lambda i: (i, 0)),
                  pl.BlockSpec((1, 64), lambda i: (0, 0)),
                  pl.BlockSpec((1, 64), lambda i: (0, 0)),
                  pl.BlockSpec((1, 64), lambda i: (0, 0)),
                  pl.BlockSpec((1, 64), lambda i: (0, 0))],
        out_specs=pl.BlockSpec((Br, 64), lambda i: (i, 0)),
        out_shape=jax.ShapeDtypeStruct((M, 64), jnp.float32),
    )(t, mean3, sqrt3, g3[None, :], bt3[None, :])
    return out

# --- scband reference (transcript-rebuilt; emitter-appended) ---
"""Pipeline reference for scband-hgnn-51986284151155 (READ-ONLY COPY).

The authoritative reference and input builder live on the scoring server;
editing this copy changes nothing except your own understanding.
"""

import jax, jax.numpy as jnp
import numpy as np

EPS = 1e-5

def batchnorm(x, g, b):
    mean = jnp.mean(x, axis=0)
    var = jnp.var(x, axis=0)
    return (x - mean) / jnp.sqrt(var + EPS) * g + b

def setup_inputs(seed: int = 0) -> dict:
    key = jax.random.key(seed)
    ks = jax.random.split(key, 16)
    N, M, E = 100000, 25000, 1600000
    inp = {}
    inp['last_coors'] = jax.random.normal(ks[0], (N, 3), dtype=jnp.float32)
    inp['last_features'] = jax.random.normal(ks[1], (N, 4), dtype=jnp.float32)
    inp['current_coors'] = jax.random.normal(ks[2], (M, 3), dtype=jnp.float32)
    inp['edge'] = jax.random.randint(ks[3], (2, E), 0, M, dtype=jnp.int64 if jax.config.read('jax_enable_x64') else jnp.int32)
    # DownsampleBlock params: in_linear = Linear(7,32)+ReLU+BN(32), Linear(32,64)+ReLU+BN(64); out_linear = Linear(64,64)+ReLU+BN(64)
    def lin(k, fin, fout):
        bound = 1.0 / np.sqrt(fin)
        kw, kb = jax.random.split(k)
        W = jax.random.uniform(kw, (fin, fout), minval=-bound, maxval=bound, dtype=jnp.float32)
        b = jax.random.uniform(kb, (fout,), minval=-bound, maxval=bound, dtype=jnp.float32)
        return W, b
    inp['W1'], inp['b1'] = lin(ks[4], 7, 32)
    inp['g1'] = jnp.ones((32,), jnp.float32); inp['bt1'] = jnp.zeros((32,), jnp.float32)
    inp['W2'], inp['b2'] = lin(ks[5], 32, 64)
    inp['g2'] = jnp.ones((64,), jnp.float32); inp['bt2'] = jnp.zeros((64,), jnp.float32)
    inp['W3'], inp['b3'] = lin(ks[6], 64, 64)
    inp['g3'] = jnp.ones((64,), jnp.float32); inp['bt3'] = jnp.zeros((64,), jnp.float32)
    return inp

def reference(last_coors, last_features, current_coors, edge, W1, b1, g1, bt1, W2, b2, g2, bt2, W3, b3, g3, bt3):
    current_indices = edge[0, :]
    last_indices = edge[1, :]
    center_coors = current_coors[current_indices]
    neighbor_coors = last_coors[last_indices]
    neighbor_features = last_features[last_indices]
    h = jnp.concatenate([neighbor_features, neighbor_coors - center_coors], axis=1)
    # in_linear MLP (Linear -> ReLU -> BatchNorm1d, training-mode batch stats)
    h = batchnorm(jax.nn.relu(h @ W1 + b1), g1, bt1)
    h = batchnorm(jax.nn.relu(h @ W2 + b2), g2, bt2)
    # max_aggregation_fn: scatter_max into zeros-initialized output (empty segments -> 0, max includes initial 0)
    Mn = current_coors.shape[0]
    agg = jax.ops.segment_max(h, current_indices, num_segments=Mn)
    agg = jnp.maximum(agg, 0.0)
    # out_linear MLP
    out = batchnorm(jax.nn.relu(agg @ W3 + b3), g3, bt3)
    return out

if __name__ == "__main__":
    import jax
    _d = setup_inputs()
    print(jax.jit(kernel)(*tuple(_d.values())))

</pallas_src>

<mosaic_0001>
#map = affine_map<(d0, d1) -> (0, 0)>
#map1 = affine_map<(d0, d1) -> (0)>
module attributes {stable_mosaic.version = 14 : i64} {
  func.func @_gather_body(%arg0: i32, %arg1: i32, %arg2: memref<100000x16xf32, #tpu.memory_space<hbm>>, %arg3: memref<25000x16xf32, #tpu.memory_space<hbm>>, %arg4: memref<1600000xi32, #tpu.memory_space<hbm>>, %arg5: memref<1600000xi32, #tpu.memory_space<hbm>>, %arg6: memref<1600000x16xf32, #tpu.memory_space<hbm>>, %arg7: memref<2000xi32, #tpu.memory_space<vmem>>, %arg8: memref<2000xi32, #tpu.memory_space<vmem>>, %arg9: memref<2000x16xf32, #tpu.memory_space<vmem>>, %arg10: memref<!tpu.dma_semaphore, #tpu.memory_space<semaphore_mem>>) attributes {dimension_semantics = [#tpu.dimension_semantics<core_parallel>, #tpu.dimension_semantics<subcore_parallel>], iteration_bounds = array<i64: 2, 16>, scalar_prefetch = 0 : i64, scratch_operands = 4 : i64, tpu.core_type = #tpu.core_type<sc_vector_subcore>, window_params = [{transform_indices = #map}, {transform_indices = #map}, {transform_indices = #map1}, {transform_indices = #map1}, {transform_indices = #map}]} {
    %mul3A = arith.constant 2 : i32
    %mul3A_0 = arith.muli %arg1, %mul3A : i32
    %add3A = arith.addi %mul3A_0, %arg0 : i32
    %mul3A_1 = arith.constant 50000 : i32
    %mul3A_2 = arith.muli %add3A, %mul3A_1 : i32
    %scan3A = arith.constant 0 : i32
    %scan3A_3 = arith.constant 0 : i32
    %scan3A_4 = arith.constant 25 : i32
    %scan3A_5 = arith.addi %scan3A_3, %scan3A_4 : i32
    %scan3A_6 = arith.constant 1 : i32
    %scan3A_7 = scf.for %scan3A_9 = %scan3A_3 to %scan3A_5 step %scan3A_6 iter_args(%scan3A_10 = %scan3A) -> (i32)  : i32 {
      %mul3A_11 = arith.constant 2000 : i32
      %mul3A_12 = arith.muli %scan3A_9, %mul3A_11 : i32
      %add3A_13 = arith.addi %mul3A_2, %mul3A_12 : i32
      "tpu.region"() ({
        %run_scoped3A = tpu.sem_alloc : memref<!tpu.dma_semaphore, #tpu.memory_space<semaphore_mem>>
        %dma_start3A_19 = tpu.memref_slice %arg4[%add3A_13] : memref<1600000xi32, #tpu.memory_space<hbm>> -> memref<2000xi32, #tpu.memory_space<hbm>>
        %dma_start3A_20 = tpu.memref_slice %arg4[%add3A_13] : memref<1600000xi32, #tpu.memory_space<hbm>> -> memref<2000xi32, #tpu.memory_space<hbm>>
        tpu.enqueue_dma source(%dma_start3A_20 : memref<2000xi32, #tpu.memory_space<hbm>>) target(%arg7 : memref<2000xi32, #tpu.memory_space<vmem>>) target_semaphore(%run_scoped3A : memref<!tpu.dma_semaphore, #tpu.memory_space<semaphore_mem>>)
        %dma_wait3A_21 = tpu.memref_slice %arg4[%add3A_13] : memref<1600000xi32, #tpu.memory_space<hbm>> -> memref<2000xi32, #tpu.memory_space<hbm>>
        %dma_wait3A_22 = tpu.memref_slice %arg4[%add3A_13] : memref<1600000xi32, #tpu.memory_space<hbm>> -> memref<2000xi32, #tpu.memory_space<hbm>>
        tpu.wait_dma2 semaphore(%run_scoped3A : memref<!tpu.dma_semaphore, #tpu.memory_space<semaphore_mem>>) src(%dma_wait3A_22 : memref<2000xi32, #tpu.memory_space<hbm>>) dst(%arg7 : memref<2000xi32, #tpu.memory_space<vmem>>)
        tpu.yield
      }) : () -> ()
      "tpu.region"() ({
        %run_scoped3A = tpu.sem_alloc : memref<!tpu.dma_semaphore, #tpu.memory_space<semaphore_mem>>
        %dma_start3A_19 = tpu.memref_slice %arg5[%add3A_13] : memref<1600000xi32, #tpu.memory_space<hbm>> -> memref<2000xi32, #tpu.memory_space<hbm>>
        %dma_start3A_20 = tpu.memref_slice %arg5[%add3A_13] : memref<1600000xi32, #tpu.memory_space<hbm>> -> memref<2000xi32, #tpu.memory_space<hbm>>
        tpu.enqueue_dma source(%dma_start3A_20 : memref<2000xi32, #tpu.memory_space<hbm>>) target(%arg8 : memref<2000xi32, #tpu.memory_space<vmem>>) target_semaphore(%run_scoped3A : memref<!tpu.dma_semaphore, #tpu.memory_space<semaphore_mem>>)
        %dma_wait3A_21 = tpu.memref_slice %arg5[%add3A_13] : memref<1600000xi32, #tpu.memory_space<hbm>> -> memref<2000xi32, #tpu.memory_space<hbm>>
        %dma_wait3A_22 = tpu.memref_slice %arg5[%add3A_13] : memref<1600000xi32, #tpu.memory_space<hbm>> -> memref<2000xi32, #tpu.memory_space<hbm>>
        tpu.wait_dma2 semaphore(%run_scoped3A : memref<!tpu.dma_semaphore, #tpu.memory_space<semaphore_mem>>) src(%dma_wait3A_22 : memref<2000xi32, #tpu.memory_space<hbm>>) dst(%arg8 : memref<2000xi32, #tpu.memory_space<vmem>>)
        tpu.yield
      }) : () -> ()
      %dma_start3A = arith.constant 0 : i32
      %dma_start3A_14 = arith.constant 0 : i32
      %dma_start3A_15 = tpu.memref_slice %arg2[%dma_start3A, %dma_start3A_14] : memref<100000x16xf32, #tpu.memory_space<hbm>> -> memref<100000x16xf32, #tpu.memory_space<hbm>>
      tpu.enqueue_indirect_dma source(%dma_start3A_15 : memref<100000x16xf32, #tpu.memory_space<hbm>>) target(%arg9 : memref<2000x16xf32, #tpu.memory_space<vmem>>) offsets(%arg7 : memref<2000xi32, #tpu.memory_space<vmem>>) semaphore(%arg10 : memref<!tpu.dma_semaphore, #tpu.memory_space<semaphore_mem>>)
      %dma_wait3A = arith.constant 0 : i32
      %dma_wait3A_16 = arith.constant 0 : i32
      %dma_wait3A_17 = tpu.memref_slice %arg2[%dma_wait3A, %dma_wait3A_16] : memref<100000x16xf32, #tpu.memory_space<hbm>> -> memref<100000x16xf32, #tpu.memory_space<hbm>>
      tpu.wait_indirect_dma semaphore(%arg10 : memref<!tpu.dma_semaphore, #tpu.memory_space<semaphore_mem>>) src(%dma_wait3A_17 : memref<100000x16xf32, #tpu.memory_space<hbm>>) dst(%arg9 : memref<2000x16xf32, #tpu.memory_space<vmem>>)
      "tpu.region"() ({
        %run_scoped3A = tpu.sem_alloc : memref<!tpu.dma_semaphore, #tpu.memory_space<semaphore_mem>>
        %dma_start3A_19 = arith.constant 0 : i32
        %dma_start3A_20 = arith.constant 0 : i32
        %dma_start3A_21 = tpu.memref_slice %arg3[%dma_start3A_19, %dma_start3A_20] : memref<25000x16xf32, #tpu.memory_space<hbm>> -> memref<25000x16xf32, #tpu.memory_space<hbm>>
        tpu.enqueue_indirect_dma source(%dma_start3A_21 : memref<25000x16xf32, #tpu.memory_space<hbm>>) target(%arg9 : memref<2000x16xf32, #tpu.memory_space<vmem>>) offsets(%arg8 : memref<2000xi32, #tpu.memory_space<vmem>>) semaphore(%run_scoped3A : memref<!tpu.dma_semaphore, #tpu.memory_space<semaphore_mem>>) {add = true}
        %dma_wait3A_22 = arith.constant 0 : i32
        %dma_wait3A_23 = arith.constant 0 : i32
        %dma_wait3A_24 = tpu.memref_slice %arg3[%dma_wait3A_22, %dma_wait3A_23] : memref<25000x16xf32, #tpu.memory_space<hbm>> -> memref<25000x16xf32, #tpu.memory_space<hbm>>
        tpu.wait_indirect_dma semaphore(%run_scoped3A : memref<!tpu.dma_semaphore, #tpu.memory_space<semaphore_mem>>) src(%dma_wait3A_24 : memref<25000x16xf32, #tpu.memory_space<hbm>>) dst(%arg9 : memref<2000x16xf32, #tpu.memory_space<vmem>>)
        tpu.yield
      }) : () -> ()
      "tpu.region"() ({
        %run_scoped3A = tpu.sem_alloc : memref<!tpu.dma_semaphore, #tpu.memory_space<semaphore_mem>>
        %dma_start3A_19 = arith.constant 0 : i32
        %dma_start3A_20 = tpu.memref_slice %arg6[%add3A_13, %dma_start3A_19] : memref<1600000x16xf32, #tpu.memory_space<hbm>> -> memref<2000x16xf32, #tpu.memory_space<hbm>>
        %dma_start3A_21 = arith.constant 0 : i32
        %dma_start3A_22 = tpu.memref_slice %arg6[%add3A_13, %dma_start3A_21] : memref<1600000x16xf32, #tpu.memory_space<hbm>> -> memref<2000x16xf32, #tpu.memory_space<hbm>>
        tpu.enqueue_dma source(%arg9 : memref<2000x16xf32, #tpu.memory_space<vmem>>) target(%dma_start3A_22 : memref<2000x16xf32, #tpu.memory_space<hbm>>) target_semaphore(%run_scoped3A : memref<!tpu.dma_semaphore, #tpu.memory_space<semaphore_mem>>)
        %dma_wait3A_23 = arith.constant 0 : i32
        %dma_wait3A_24 = tpu.memref_slice %arg6[%add3A_13, %dma_wait3A_23] : memref<1600000x16xf32, #tpu.memory_space<hbm>> -> memref<2000x16xf32, #tpu.memory_space<hbm>>
        %dma_wait3A_25 = arith.constant 0 : i32
        %dma_wait3A_26 = tpu.memref_slice %arg6[%add3A_13, %dma_wait3A_25] : memref<1600000x16xf32, #tpu.memory_space<hbm>> -> memref<2000x16xf32, #tpu.memory_space<hbm>>
        tpu.wait_dma2 semaphore(%run_scoped3A : memref<!tpu.dma_semaphore, #tpu.memory_space<semaphore_mem>>) src(%arg9 : memref<2000x16xf32, #tpu.memory_space<vmem>>) dst(%dma_wait3A_26 : memref<2000x16xf32, #tpu.memory_space<hbm>>)
        tpu.yield
      }) : () -> ()
      %scan3A_18 = arith.constant 0 : i32
      scf.yield %scan3A_18 : i32
    }
    %scan3A_8 = arith.constant 25 : i32
    return
  }
}

#map = affine_map<(d0, d1) -> (0, 0)>
#map1 = affine_map<(d0, d1) -> (0)>
#map2 = affine_map<(d0, d1) -> (0, 0, 0)>
module attributes {stable_mosaic.version = 14 : i64} {
  func.func @_scatter_body(%arg0: i32, %arg1: i32, %arg2: memref<64x1600000xf32, #tpu.memory_space<hbm>>, %arg3: memref<1600000xi32, #tpu.memory_space<hbm>>, %arg4: memref<2x16x100000xf32, #tpu.memory_space<hbm>>, %arg5: memref<100000xf32, #tpu.memory_space<vmem>>, %arg6: memref<2x2000xi32, #tpu.memory_space<vmem>>, %arg7: memref<2x4x2000xf32, #tpu.memory_space<vmem>>, %arg8: memref<!tpu.dma_semaphore, #tpu.memory_space<semaphore_mem>>, %arg9: memref<!tpu.dma_semaphore, #tpu.memory_space<semaphore_mem>>) attributes {dimension_semantics = [#tpu.dimension_semantics<core_parallel>, #tpu.dimension_semantics<subcore_parallel>], iteration_bounds = array<i64: 2, 16>, scalar_prefetch = 0 : i64, scratch_operands = 5 : i64, tpu.core_type = #tpu.core_type<sc_vector_subcore>, window_params = [{transform_indices = #map}, {transform_indices = #map1}, {transform_indices = #map2}]} {
    %scan3A = arith.constant 0 : i32
    %scan3A_0 = arith.constant 0 : i32
    %scan3A_1 = arith.constant 6250 : i32
    %scan3A_2 = arith.addi %scan3A_0, %scan3A_1 : i32
    %scan3A_3 = arith.constant 1 : i32
    %scan3A_4 = scf.for %scan3A_87 = %scan3A_0 to %scan3A_2 step %scan3A_3 iter_args(%scan3A_88 = %scan3A) -> (i32)  : i32 {
      %broadcast_in_dim3A = arith.constant 0.000000e+00 : f32
      %broadcast_in_dim3A_89 = vector.broadcast %broadcast_in_dim3A : f32 to vector<16xf32>
      %mul3A_90 = arith.constant 16 : i32
      %mul3A_91 = arith.muli %scan3A_87, %mul3A_90 : i32
      %swap3A = arith.index_cast %mul3A_91 : i32 to index
      %swap3A_92 = tpu.vector_load %arg5[%swap3A] {strides = array<i32>} : memref<100000xf32, #tpu.memory_space<vmem>>, vector<16xf32>,
      tpu.vector_store %arg5[%swap3A], %broadcast_in_dim3A_89 {strides = array<i32>} : memref<100000xf32, #tpu.memory_space<vmem>>, vector<16xf32>,
      %scan3A_93 = arith.constant 0 : i32
      scf.yield %scan3A_93 : i32
    }
    %scan3A_5 = arith.constant 6250 : i32
    %mul3A = arith.constant 800000 : i32
    %mul3A_6 = arith.muli %arg0, %mul3A : i32
    %add3A = arith.constant 0 : i32
    %add3A_7 = arith.addi %mul3A_6, %add3A : i32
    %dma_start3A = arith.constant 0 : i32
    %dma_start3A_8 = arith.constant 0 : i32
    %dma_start3A_9 = tpu.memref_slice %arg6[%dma_start3A, %dma_start3A_8] : memref<2x2000xi32, #tpu.memory_space<vmem>> -> memref<1x2000xi32, #tpu.memory_space<vmem>>
    %dma_start3A_10 = tpu.memref_squeeze %dma_start3A_9 : memref<1x2000xi32, #tpu.memory_space<vmem>> -> memref<2000xi32, #tpu.memory_space<vmem>>
    %dma_start3A_11 = tpu.memref_slice %arg3[%add3A_7] : memref<1600000xi32, #tpu.memory_space<hbm>> -> memref<2000xi32, #tpu.memory_space<hbm>>
    %dma_start3A_12 = arith.constant 0 : i32
    %dma_start3A_13 = tpu.memref_slice %arg6[%dma_start3A, %dma_start3A_12] : memref<2x2000xi32, #tpu.memory_space<vmem>> -> memref<1x2000xi32, #tpu.memory_space<vmem>>
    %dma_start3A_14 = tpu.memref_squeeze %dma_start3A_13 : memref<1x2000xi32, #tpu.memory_space<vmem>> -> memref<2000xi32, #tpu.memory_space<vmem>>
    %dma_start3A_15 = tpu.memref_slice %arg3[%add3A_7] : memref<1600000xi32, #tpu.memory_space<hbm>> -> memref<2000xi32, #tpu.memory_space<hbm>>
    tpu.enqueue_dma source(%dma_start3A_15 : memref<2000xi32, #tpu.memory_space<hbm>>) target(%dma_start3A_14 : memref<2000xi32, #tpu.memory_space<vmem>>) target_semaphore(%arg8 : memref<!tpu.dma_semaphore, #tpu.memory_space<semaphore_mem>>)
    %mul3A_16 = arith.constant 4 : i32
    %mul3A_17 = arith.muli %mul3A_16, %arg1 : i32
    %add3A_18 = arith.constant 0 : i32
    %add3A_19 = arith.addi %mul3A_17, %add3A_18 : i32
    %dma_start3A_20 = arith.constant 0 : i32
    %dma_start3A_21 = arith.constant 0 : i32
    %dma_start3A_22 = arith.constant 0 : i32
    %dma_start3A_23 = tpu.memref_slice %arg7[%dma_start3A_20, %dma_start3A_21, %dma_start3A_22] : memref<2x4x2000xf32, #tpu.memory_space<vmem>> -> memref<1x1x2000xf32, #tpu.memory_space<vmem>>
    %dma_start3A_24 = tpu.memref_squeeze %dma_start3A_23 : memref<1x1x2000xf32, #tpu.memory_space<vmem>> -> memref<2000xf32, #tpu.memory_space<vmem>>
    %dma_start3A_25 = tpu.memref_slice %arg2[%add3A_19, %add3A_7] : memref<64x1600000xf32, #tpu.memory_space<hbm>> -> memref<1x2000xf32, #tpu.memory_space<hbm>>
    %dma_start3A_26 = tpu.memref_squeeze %dma_start3A_25 : memref<1x2000xf32, #tpu.memory_space<hbm>> -> memref<2000xf32, #tpu.memory_space<hbm>>
    %dma_start3A_27 = arith.constant 0 : i32
    %dma_start3A_28 = tpu.memref_slice %arg7[%dma_start3A_20, %dma_start3A_21, %dma_start3A_27] : memref<2x4x2000xf32, #tpu.memory_space<vmem>> -> memref<1x1x2000xf32, #tpu.memory_space<vmem>>
    %dma_start3A_29 = tpu.memref_squeeze %dma_start3A_28 : memref<1x1x2000xf32, #tpu.memory_space<vmem>> -> memref<2000xf32, #tpu.memory_space<vmem>>
    %dma_start3A_30 = tpu.memref_slice %arg2[%add3A_19, %add3A_7] : memref<64x1600000xf32, #tpu.memory_space<hbm>> -> memref<1x2000xf32, #tpu.memory_space<hbm>>
    %dma_start3A_31 = tpu.memref_squeeze %dma_start3A_30 : memref<1x2000xf32, #tpu.memory_space<hbm>> -> memref<2000xf32, #tpu.memory_space<hbm>>
    tpu.enqueue_dma source(%dma_start3A_31 : memref<2000xf32, #tpu.memory_space<hbm>>) target(%dma_start3A_29 : memref<2000xf32, #tpu.memory_space<vmem>>) target_semaphore(%arg8 : memref<!tpu.dma_semaphore, #tpu.memory_space<semaphore_mem>>)
    %mul3A_32 = arith.constant 4 : i32
    %mul3A_33 = arith.muli %mul3A_32, %arg1 : i32
    %add3A_34 = arith.constant 1 : i32
    %add3A_35 = arith.addi %mul3A_33, %add3A_34 : i32
    %dma_start3A_36 = arith.constant 0 : i32
    %dma_start3A_37 = arith.constant 1 : i32
    %dma_start3A_38 = arith.constant 0 : i32
    %dma_start3A_39 = tpu.memref_slice %arg7[%dma_start3A_36, %dma_start3A_37, %dma_start3A_38] : memref<2x4x2000xf32, #tpu.memory_space<vmem>> -> memref<1x1x2000xf32, #tpu.memory_space<vmem>>
    %dma_start3A_40 = tpu.memref_squeeze %dma_start3A_39 : memref<1x1x2000xf32, #tpu.memory_space<vmem>> -> memref<2000xf32, #tpu.memory_space<vmem>>
    %dma_start3A_41 = tpu.memref_slice %arg2[%add3A_35, %add3A_7] : memref<64x1600000xf32, #tpu.memory_space<hbm>> -> memref<1x2000xf32, #tpu.memory_space<hbm>>
    %dma_start3A_42 = tpu.memref_squeeze %dma_start3A_41 : memref<1x2000xf32, #tpu.memory_space<hbm>> -> memref<2000xf32, #tpu.memory_space<hbm>>
    %dma_start3A_43 = arith.constant 0 : i32
    %dma_start3A_44 = tpu.memref_slice %arg7[%dma_start3A_36, %dma_start3A_37, %dma_start3A_43] : memref<2x4x2000xf32, #tpu.memory_space<vmem>> -> memref<1x1x2000xf32, #tpu.memory_space<vmem>>
    %dma_start3A_45 = tpu.memref_squeeze %dma_start3A_44 : memref<1x1x2000xf32, #tpu.memory_space<vmem>> -> memref<2000xf32, #tpu.memory_space<vmem>>
    %dma_start3A_46 = tpu.memref_slice %arg2[%add3A_35, %add3A_7] : memref<64x1600000xf32, #tpu.memory_space<hbm>> -> memref<1x2000xf32, #tpu.memory_space<hbm>>
    %dma_start3A_47 = tpu.memref_squeeze %dma_start3A_46 : memref<1x2000xf32, #tpu.memory_space<hbm>> -> memref<2000xf32, #tpu.memory_space<hbm>>
    tpu.enqueue_dma source(%dma_start3A_47 : memref<2000xf32, #tpu.memory_space<hbm>>) target(%dma_start3A_45 : memref<2000xf32, #tpu.memory_space<vmem>>) target_semaphore(%arg8 : memref<!tpu.dma_semaphore, #tpu.memory_space<semaphore_mem>>)
    %mul3A_48 = arith.constant 4 : i32
    %mul3A_49 = arith.muli %mul3A_48, %arg1 : i32
    %add3A_50 = arith.constant 2 : i32
    %add3A_51 = arith.addi %mul3A_49, %add3A_50 : i32
    %dma_start3A_52 = arith.constant 0 : i32
    %dma_start3A_53 = arith.constant 2 : i32
    %dma_start3A_54 = arith.constant 0 : i32
    %dma_start3A_55 = tpu.memref_slice %arg7[%dma_start3A_52, %dma_start3A_53, %dma_start3A_54] : memref<2x4x2000xf32, #tpu.memory_space<vmem>> -> memref<1x1x2000xf32, #tpu.memory_space<vmem>>
    %dma_start3A_56 = tpu.memref_squeeze %dma_start3A_55 : memref<1x1x2000xf32, #tpu.memory_space<vmem>> -> memref<2000xf32, #tpu.memory_space<vmem>>
    %dma_start3A_57 = tpu.memref_slice %arg2[%add3A_51, %add3A_7] : memref<64x1600000xf32, #tpu.memory_space<hbm>> -> memref<1x2000xf32, #tpu.memory_space<hbm>>
    %dma_start3A_58 = tpu.memref_squeeze %dma_start3A_57 : memref<1x2000xf32, #tpu.memory_space<hbm>> -> memref<2000xf32, #tpu.memory_space<hbm>>
    %dma_start3A_59 = arith.constant 0 : i32
    %dma_start3A_60 = tpu.memref_slice %arg7[%dma_start3A_52, %dma_start3A_53, %dma_start3A_59] : memref<2x4x2000xf32, #tpu.memory_space<vmem>> -> memref<1x1x2000xf32, #tpu.memory_space<vmem>>
    %dma_start3A_61 = tpu.memref_squeeze %dma_start3A_60 : memref<1x1x2000xf32, #tpu.memory_space<vmem>> -> memref<2000xf32, #tpu.memory_space<vmem>>
    %dma_start3A_62 = tpu.memref_slice %arg2[%add3A_51, %add3A_7] : memref<64x1600000xf32, #tpu.memory_space<hbm>> -> memref<1x2000xf32, #tpu.memory_space<hbm>>
    %dma_start3A_63 = tpu.memref_squeeze %dma_start3A_62 : memref<1x2000xf32, #tpu.memory_space<hbm>> -> memref<2000xf32, #tpu.memory_space<hbm>>
    tpu.enqueue_dma source(%dma_start3A_63 : memref<2000xf32, #tpu.memory_space<hbm>>) target(%dma_start3A_61 : memref<2000xf32, #tpu.memory_space<vmem>>) target_semaphore(%arg8 : memref<!tpu.dma_semaphore, #tpu.memory_space<semaphore_mem>>)
    %mul3A_64 = arith.constant 4 : i32
    %mul3A_65 = arith.muli %mul3A_64, %arg1 : i32
    %add3A_66 = arith.constant 3 : i32
    %add3A_67 = arith.addi %mul3A_65, %add3A_66 : i32
    %dma_start3A_68 = arith.constant 0 : i32
    %dma_start3A_69 = arith.constant 3 : i32
    %dma_start3A_70 = arith.constant 0 : i32
    %dma_start3A_71 = tpu.memref_slice %arg7[%dma_start3A_68, %dma_start3A_69, %dma_start3A_70] : memref<2x4x2000xf32, #tpu.memory_space<vmem>> -> memref<1x1x2000xf32, #tpu.memory_space<vmem>>
    %dma_start3A_72 = tpu.memref_squeeze %dma_start3A_71 : memref<1x1x2000xf32, #tpu.memory_space<vmem>> -> memref<2000xf32, #tpu.memory_space<vmem>>
    %dma_start3A_73 = tpu.memref_slice %arg2[%add3A_67, %add3A_7] : memref<64x1600000xf32, #tpu.memory_space<hbm>> -> memref<1x2000xf32, #tpu.memory_space<hbm>>
    %dma_start3A_74 = tpu.memref_squeeze %dma_start3A_73 : memref<1x2000xf32, #tpu.memory_space<hbm>> -> memref<2000xf32, #tpu.memory_space<hbm>>
    %dma_start3A_75 = arith.constant 0 : i32
    %dma_start3A_76 = tpu.memref_slice %arg7[%dma_start3A_68, %dma_start3A_69, %dma_start3A_75] : memref<2x4x2000xf32, #tpu.memory_space<vmem>> -> memref<1x1x2000xf32, #tpu.memory_space<vmem>>
    %dma_start3A_77 = tpu.memref_squeeze %dma_start3A_76 : memref<1x1x2000xf32, #tpu.memory_space<vmem>> -> memref<2000xf32, #tpu.memory_space<vmem>>
    %dma_start3A_78 = tpu.memref_slice %arg2[%add3A_67, %add3A_7] : memref<64x1600000xf32, #tpu.memory_space<hbm>> -> memref<1x2000xf32, #tpu.memory_space<hbm>>
    %dma_start3A_79 = tpu.memref_squeeze %dma_start3A_78 : memref<1x2000xf32, #tpu.memory_space<hbm>> -> memref<2000xf32, #tpu.memory_space<hbm>>
    tpu.enqueue_dma source(%dma_start3A_79 : memref<2000xf32, #tpu.memory_space<hbm>>) target(%dma_start3A_77 : memref<2000xf32, #tpu.memory_space<vmem>>) target_semaphore(%arg8 : memref<!tpu.dma_semaphore, #tpu.memory_space<semaphore_mem>>)
    %scan3A_80 = arith.constant 0 : i32
    %scan3A_81 = arith.constant 0 : i32
    %scan3A_82 = arith.constant 200 : i32
    %scan3A_83 = arith.addi %scan3A_81, %scan3A_82 : i32
    %scan3A_84 = arith.constant 1 : i32
    %scan3A_85 = scf.for %scan3A_87 = %scan3A_81 to %scan3A_83 step %scan3A_84 iter_args(%scan3A_88 = %scan3A_80) -> (i32)  : i32 {
      %mul3A_89 = arith.constant 2 : i32
      %mul3A_90 = arith.muli %scan3A_87, %mul3A_89 : i32
      %add3A_91 = arith.constant 1 : i32
      %add3A_92 = arith.addi %mul3A_90, %add3A_91 : i32
      %lt3A = arith.constant 400 : i32
      %lt3A_93 = arith.cmpi slt, %add3A_92, %lt3A : i32
      %convert_element_type3A = arith.extui %lt3A_93 : i1 to i32
      %cond3A = arith.constant 0 : i32
      %cond3A_94 = arith.cmpi ne, %convert_element_type3A, %cond3A : i32
      scf.if %cond3A_94 {
        %add3A_202 = arith.constant 1 : i32
        %add3A_203 = arith.addi %mul3A_90, %add3A_202 : i32
        %mul3A_204 = arith.constant 800000 : i32
        %mul3A_205 = arith.muli %arg0, %mul3A_204 : i32
        %mul3A_206 = arith.constant 2000 : i32
        %mul3A_207 = arith.muli %add3A_203, %mul3A_206 : i32
        %add3A_208 = arith.addi %mul3A_205, %mul3A_207 : i32
        %dma_start3A_209 = arith.constant 1 : i32
        %dma_start3A_210 = arith.constant 0 : i32
        %dma_start3A_211 = tpu.memref_slice %arg6[%dma_start3A_209, %dma_start3A_210] : memref<2x2000xi32, #tpu.memory_space<vmem>> -> memref<1x2000xi32, #tpu.memory_space<vmem>>
        %dma_start3A_212 = tpu.memref_squeeze %dma_start3A_211 : memref<1x2000xi32, #tpu.memory_space<vmem>> -> memref<2000xi32, #tpu.memory_space<vmem>>
        %dma_start3A_213 = tpu.memref_slice %arg3[%add3A_208] : memref<1600000xi32, #tpu.memory_space<hbm>> -> memref<2000xi32, #tpu.memory_space<hbm>>
        %dma_start3A_214 = arith.constant 0 : i32
        %dma_start3A_215 = tpu.memref_slice %arg6[%dma_start3A_209, %dma_start3A_214] : memref<2x2000xi32, #tpu.memory_space<vmem>> -> memref<1x2000xi32, #tpu.memory_space<vmem>>
        %dma_start3A_216 = tpu.memref_squeeze %dma_start3A_215 : memref<1x2000xi32, #tpu.memory_space<vmem>> -> memref<2000xi32, #tpu.memory_space<vmem>>
        %dma_start3A_217 = tpu.memref_slice %arg3[%add3A_208] : memref<1600000xi32, #tpu.memory_space<hbm>> -> memref<2000xi32, #tpu.memory_space<hbm>>
        tpu.enqueue_dma source(%dma_start3A_217 : memref<2000xi32, #tpu.memory_space<hbm>>) target(%dma_start3A_216 : memref<2000xi32, #tpu.memory_space<vmem>>) target_semaphore(%arg9 : memref<!tpu.dma_semaphore, #tpu.memory_space<semaphore_mem>>)
        %mul3A_218 = arith.constant 4 : i32
        %mul3A_219 = arith.muli %mul3A_218, %arg1 : i32
        %add3A_220 = arith.constant 0 : i32
        %add3A_221 = arith.addi %mul3A_219, %add3A_220 : i32
        %dma_start3A_222 = arith.constant 1 : i32
        %dma_start3A_223 = arith.constant 0 : i32
        %dma_start3A_224 = arith.constant 0 : i32
        %dma_start3A_225 = tpu.memref_slice %arg7[%dma_start3A_222, %dma_start3A_223, %dma_start3A_224] : memref<2x4x2000xf32, #tpu.memory_space<vmem>> -> memref<1x1x2000xf32, #tpu.memory_space<vmem>>
        %dma_start3A_226 = tpu.memref_squeeze %dma_start3A_225 : memref<1x1x2000xf32, #tpu.memory_space<vmem>> -> memref<2000xf32, #tpu.memory_space<vmem>>
        %dma_start3A_227 = tpu.memref_slice %arg2[%add3A_221, %add3A_208] : memref<64x1600000xf32, #tpu.memory_space<hbm>> -> memref<1x2000xf32, #tpu.memory_space<hbm>>
        %dma_start3A_228 = tpu.memref_squeeze %dma_start3A_227 : memref<1x2000xf32, #tpu.memory_space<hbm>> -> memref<2000xf32, #tpu.memory_space<hbm>>
        %dma_start3A_229 = arith.constant 0 : i32
        %dma_start3A_230 = tpu.memref_slice %arg7[%dma_start3A_222, %dma_start3A_223, %dma_start3A_229] : memref<2x4x2000xf32, #tpu.memory_space<vmem>> -> memref<1x1x2000xf32, #tpu.memory_space<vmem>>
        %dma_start3A_231 = tpu.memref_squeeze %dma_start3A_230 : memref<1x1x2000xf32, #tpu.memory_space<vmem>> -> memref<2000xf32, #tpu.memory_space<vmem>>
        %dma_start3A_232 = tpu.memref_slice %arg2[%add3A_221, %add3A_208] : memref<64x1600000xf32, #tpu.memory_space<hbm>> -> memref<1x2000xf32, #tpu.memory_space<hbm>>
        %dma_start3A_233 = tpu.memref_squeeze %dma_start3A_232 : memref<1x2000xf32, #tpu.memory_space<hbm>> -> memref<2000xf32, #tpu.memory_space<hbm>>
        tpu.enqueue_dma source(%dma_start3A_233 : memref<2000xf32, #tpu.memory_space<hbm>>) target(%dma_start3A_231 : memref<2000xf32, #tpu.memory_space<vmem>>) target_semaphore(%arg9 : memref<!tpu.dma_semaphore, #tpu.memory_space<semaphore_mem>>)
        %mul3A_234 = arith.constant 4 : i32
        %mul3A_235 = arith.muli %mul3A_234, %arg1 : i32
        %add3A_236 = arith.constant 1 : i32
        %add3A_237 = arith.addi %mul3A_235, %add3A_236 : i32
        %dma_start3A_238 = arith.constant 1 : i32
        %dma_start3A_239 = arith.constant 1 : i32
        %dma_start3A_240 = arith.constant 0 : i32
        %dma_start3A_241 = tpu.memref_slice %arg7[%dma_start3A_238, %dma_start3A_239, %dma_start3A_240] : memref<2x4x2000xf32, #tpu.memory_space<vmem>> -> memref<1x1x2000xf32, #tpu.memory_space<vmem>>
        %dma_start3A_242 = tpu.memref_squeeze %dma_start3A_241 : memref<1x1x2000xf32, #tpu.memory_space<vmem>> -> memref<2000xf32, #tpu.memory_space<vmem>>
        %dma_start3A_243 = tpu.memref_slice %arg2[%add3A_237, %add3A_208] : memref<64x1600000xf32, #tpu.memory_space<hbm>> -> memref<1x2000xf32, #tpu.memory_space<hbm>>
        %dma_start3A_244 = tpu.memref_squeeze %dma_start3A_243 : memref<1x2000xf32, #tpu.memory_space<hbm>> -> memref<2000xf32, #tpu.memory_space<hbm>>
        %dma_start3A_245 = arith.constant 0 : i32
        %dma_start3A_246 = tpu.memref_slice %arg7[%dma_start3A_238, %dma_start3A_239, %dma_start3A_245] : memref<2x4x2000xf32, #tpu.memory_space<vmem>> -> memref<1x1x2000xf32, #tpu.memory_space<vmem>>
        %dma_start3A_247 = tpu.memref_squeeze %dma_start3A_246 : memref<1x1x2000xf32, #tpu.memory_space<vmem>> -> memref<2000xf32, #tpu.memory_space<vmem>>
        %dma_start3A_248 = tpu.memref_slice %arg2[%add3A_237, %add3A_208] : memref<64x1600000xf32, #tpu.memory_space<hbm>> -> memref<1x2000xf32, #tpu.memory_space<hbm>>
        %dma_start3A_249 = tpu.memref_squeeze %dma_start3A_248 : memref<1x2000xf32, #tpu.memory_space<hbm>> -> memref<2000xf32, #tpu.memory_space<hbm>>
        tpu.enqueue_dma source(%dma_start3A_249 : memref<2000xf32, #tpu.memory_space<hbm>>) target(%dma_start3A_247 : memref<2000xf32, #tpu.memory_space<vmem>>) target_semaphore(%arg9 : memref<!tpu.dma_semaphore, #tpu.memory_space<semaphore_mem>>)
        %mul3A_250 = arith.constant 4 : i32
        %mul3A_251 = arith.muli %mul3A_250, %arg1 : i32
        %add3A_252 = arith.constant 2 : i32
        %add3A_253 = arith.addi %mul3A_251, %add3A_252 : i32
        %dma_start3A_254 = arith.constant 1 : i32
        %dma_start3A_255 = arith.constant 2 : i32
        %dma_start3A_256 = arith.constant 0 : i32
        %dma_start3A_257 = tpu.memref_slice %arg7[%dma_start3A_254, %dma_start3A_255, %dma_start3A_256] : memref<2x4x2000xf32, #tpu.memory_space<vmem>> -> memref<1x1x2000xf32, #tpu.memory_space<vmem>>
        %dma_start3A_258 = tpu.memref_squeeze %dma_start3A_257 : memref<1x1x2000xf32, #tpu.memory_space<vmem>> -> memref<2000xf32, #tpu.memory_space<vmem>>
        %dma_start3A_259 = tpu.memref_slice %arg2[%add3A_253, %add3A_208] : memref<64x1600000xf32, #tpu.memory_space<hbm>> -> memref<1x2000xf32, #tpu.memory_space<hbm>>
        %dma_start3A_260 = tpu.memref_squeeze %dma_start3A_259 : memref<1x2000xf32, #tpu.memory_space<hbm>> -> memref<2000xf32, #tpu.memory_space<hbm>>
        %dma_start3A_261 = arith.constant 0 : i32
        %dma_start3A_262 = tpu.memref_slice %arg7[%dma_start3A_254, %dma_start3A_255, %dma_start3A_261] : memref<2x4x2000xf32, #tpu.memory_space<vmem>> -> memref<1x1x2000xf32, #tpu.memory_space<vmem>>
        %dma_start3A_263 = tpu.memref_squeeze %dma_start3A_262 : memref<1x1x2000xf32, #tpu.memory_space<vmem>> -> memref<2000xf32, #tpu.memory_space<vmem>>
        %dma_start3A_264 = tpu.memref_slice %arg2[%add3A_253, %add3A_208] : memref<64x1600000xf32, #tpu.memory_space<hbm>> -> memref<1x2000xf32, #tpu.memory_space<hbm>>
        %dma_start3A_265 = tpu.memref_squeeze %dma_start3A_264 : memref<1x2000xf32, #tpu.memory_space<hbm>> -> memref<2000xf32, #tpu.memory_space<hbm>>
        tpu.enqueue_dma source(%dma_start3A_265 : memref<2000xf32, #tpu.memory_space<hbm>>) target(%dma_start3A_263 : memref<2000xf32, #tpu.memory_space<vmem>>) target_semaphore(%arg9 : memref<!tpu.dma_semaphore, #tpu.memory_space<semaphore_mem>>)
        %mul3A_266 = arith.constant 4 : i32
        %mul3A_267 = arith.muli %mul3A_266, %arg1 : i32
        %add3A_268 = arith.constant 3 : i32
        %add3A_269 = arith.addi %mul3A_267, %add3A_268 : i32
        %dma_start3A_270 = arith.constant 1 : i32
        %dma_start3A_271 = arith.constant 3 : i32
        %dma_start3A_272 = arith.constant 0 : i32
        %dma_start3A_273 = tpu.memref_slice %arg7[%dma_start3A_270, %dma_start3A_271, %dma_start3A_272] : memref<2x4x2000xf32, #tpu.memory_space<vmem>> -> memref<1x1x2000xf32, #tpu.memory_space<vmem>>
        %dma_start3A_274 = tpu.memref_squeeze %dma_start3A_273 : memref<1x1x2000xf32, #tpu.memory_space<vmem>> -> memref<2000xf32, #tpu.memory_space<vmem>>
        %dma_start3A_275 = tpu.memref_slice %arg2[%add3A_269, %add3A_208] : memref<64x1600000xf32, #tpu.memory_space<hbm>> -> memref<1x2000xf32, #tpu.memory_space<hbm>>
        %dma_start3A_276 = tpu.memref_squeeze %dma_start3A_275 : memref<1x2000xf32, #tpu.memory_space<hbm>> -> memref<2000xf32, #tpu.memory_space<hbm>>
        %dma_start3A_277 = arith.constant 0 : i32
        %dma_start3A_278 = tpu.memref_slice %arg7[%dma_start3A_270, %dma_start3A_271, %dma_start3A_277] : memref<2x4x2000xf32, #tpu.memory_space<vmem>> -> memref<1x1x2000xf32, #tpu.memory_space<vmem>>
        %dma_start3A_279 = tpu.memref_squeeze %dma_start3A_278 : memref<1x1x2000xf32, #tpu.memory_space<vmem>> -> memref<2000xf32, #tpu.memory_space<vmem>>
        %dma_start3A_280 = tpu.memref_slice %arg2[%add3A_269, %add3A_208] : memref<64x1600000xf32, #tpu.memory_space<hbm>> -> memref<1x2000xf32, #tpu.memory_space<hbm>>
        %dma_start3A_281 = tpu.memref_squeeze %dma_start3A_280 : memref<1x2000xf32, #tpu.memory_space<hbm>> -> memref<2000xf32, #tpu.memory_space<hbm>>
        tpu.enqueue_dma source(%dma_start3A_281 : memref<2000xf32, #tpu.memory_space<hbm>>) target(%dma_start3A_279 : memref<2000xf32, #tpu.memory_space<vmem>>) target_semaphore(%arg9 : memref<!tpu.dma_semaphore, #tpu.memory_space<semaphore_mem>>)
      } else {
      }
      %dma_wait3A = arith.constant 0 : i32
      %dma_wait3A_95 = arith.constant 0 : i32
      %dma_wait3A_96 = tpu.memref_slice %arg6[%dma_wait3A, %dma_wait3A_95] : memref<2x2000xi32, #tpu.memory_space<vmem>> -> memref<1x2000xi32, #tpu.memory_space<vmem>>
      %dma_wait3A_97 = tpu.memref_squeeze %dma_wait3A_96 : memref<1x2000xi32, #tpu.memory_space<vmem>> -> memref<2000xi32, #tpu.memory_space<vmem>>
      %dma_wait3A_98 = arith.constant 0 : i32
      %dma_wait3A_99 = tpu.memref_slice %arg3[%dma_wait3A_98] : memref<1600000xi32, #tpu.memory_space<hbm>> -> memref<2000xi32, #tpu.memory_space<hbm>>
      %dma_wait3A_100 = arith.constant 0 : i32
      %dma_wait3A_101 = tpu.memref_slice %arg6[%dma_wait3A, %dma_wait3A_100] : memref<2x2000xi32, #tpu.memory_space<vmem>> -> memref<1x2000xi32, #tpu.memory_space<vmem>>
      %dma_wait3A_102 = tpu.memref_squeeze %dma_wait3A_101 : memref<1x2000xi32, #tpu.memory_space<vmem>> -> memref<2000xi32, #tpu.memory_space<vmem>>
      %dma_wait3A_103 = arith.constant 0 : i32
      %dma_wait3A_104 = tpu.memref_slice %arg3[%dma_wait3A_103] : memref<1600000xi32, #tpu.memory_space<hbm>> -> memref<2000xi32, #tpu.memory_space<hbm>>
      tpu.wait_dma2 semaphore(%arg8 : memref<!tpu.dma_semaphore, #tpu.memory_space<semaphore_mem>>) src(%dma_wait3A_104 : memref<2000xi32, #tpu.memory_space<hbm>>) dst(%dma_wait3A_102 : memref<2000xi32, #tpu.memory_space<vmem>>)
      %dma_wait3A_105 = arith.constant 0 : i32
      %dma_wait3A_106 = arith.constant 0 : i32
      %dma_wait3A_107 = arith.constant 0 : i32
      %dma_wait3A_108 = arith.constant 0 : i32
      %dma_wait3A_109 = tpu.memref_slice %arg7[%dma_wait3A_106, %dma_wait3A_107, %dma_wait3A_108] : memref<2x4x2000xf32, #tpu.memory_space<vmem>> -> memref<1x1x2000xf32, #tpu.memory_space<vmem>>
      %dma_wait3A_110 = tpu.memref_squeeze %dma_wait3A_109 : memref<1x1x2000xf32, #tpu.memory_space<vmem>> -> memref<2000xf32, #tpu.memory_space<vmem>>
      %dma_wait3A_111 = arith.constant 0 : i32
      %dma_wait3A_112 = tpu.memref_slice %arg2[%dma_wait3A_105, %dma_wait3A_111] : memref<64x1600000xf32, #tpu.memory_space<hbm>> -> memref<1x2000xf32, #tpu.memory_space<hbm>>
      %dma_wait3A_113 = tpu.memref_squeeze %dma_wait3A_112 : memref<1x2000xf32, #tpu.memory_space<hbm>> -> memref<2000xf32, #tpu.memory_space<hbm>>
      %dma_wait3A_114 = arith.constant 0 : i32
      %dma_wait3A_115 = tpu.memref_slice %arg7[%dma_wait3A_106, %dma_wait3A_107, %dma_wait3A_114] : memref<2x4x2000xf32, #tpu.memory_space<vmem>> -> memref<1x1x2000xf32, #tpu.memory_space<vmem>>
      %dma_wait3A_116 = tpu.memref_squeeze %dma_wait3A_115 : memref<1x1x2000xf32, #tpu.memory_space<vmem>> -> memref<2000xf32, #tpu.memory_space<vmem>>
      %dma_wait3A_117 = arith.constant 0 : i32
      %dma_wait3A_118 = tpu.memref_slice %arg2[%dma_wait3A_105, %dma_wait3A_117] : memref<64x1600000xf32, #tpu.memory_space<hbm>> -> memref<1x2000xf32, #tpu.memory_space<hbm>>
      %dma_wait3A_119 = tpu.memref_squeeze %dma_wait3A_118 : memref<1x2000xf32, #tpu.memory_space<hbm>> -> memref<2000xf32, #tpu.memory_space<hbm>>
      tpu.wait_dma2 semaphore(%arg8 : memref<!tpu.dma_semaphore, #tpu.memory_space<semaphore_mem>>) src(%dma_wait3A_119 : memref<2000xf32, #tpu.memory_space<hbm>>) dst(%dma_wait3A_116 : memref<2000xf32, #tpu.memory_space<vmem>>)
      %dma_wait3A_120 = arith.constant 0 : i32
      %dma_wait3A_121 = arith.constant 0 : i32
      %dma_wait3A_122 = arith.constant 1 : i32
      %dma_wait3A_123 = arith.constant 0 : i32
      %dma_wait3A_124 = tpu.memref_slice %arg7[%dma_wait3A_121, %dma_wait3A_122, %dma_wait3A_123] : memref<2x4x2000xf32, #tpu.memory_space<vmem>> -> memref<1x1x2000xf32, #tpu.memory_space<vmem>>
      %dma_wait3A_125 = tpu.memref_squeeze %dma_wait3A_124 : memref<1x1x2000xf32, #tpu.memory_space<vmem>> -> memref<2000xf32, #tpu.memory_space<vmem>>
      %dma_wait3A_126 = arith.constant 0 : i32
      %dma_wait3A_127 = tpu.memref_slice %arg2[%dma_wait3A_120, %dma_wait3A_126] : memref<64x1600000xf32, #tpu.memory_space<hbm>> -> memref<1x2000xf32, #tpu.memory_space<hbm>>
      %dma_wait3A_128 = tpu.memref_squeeze %dma_wait3A_127 : memref<1x2000xf32, #tpu.memory_space<hbm>> -> memref<2000xf32, #tpu.memory_space<hbm>>
      %dma_wait3A_129 = arith.constant 0 : i32
      %dma_wait3A_130 = tpu.memref_slice %arg7[%dma_wait3A_121, %dma_wait3A_122, %dma_wait3A_129] : memref<2x4x2000xf32, #tpu.memory_space<vmem>> -> memref<1x1x2000xf32, #tpu.memory_space<vmem>>
      %dma_wait3A_131 = tpu.memref_squeeze %dma_wait3A_130 : memref<1x1x2000xf32, #tpu.memory_space<vmem>> -> memref<2000xf32, #tpu.memory_space<vmem>>
      %dma_wait3A_132 = arith.constant 0 : i32
      %dma_wait3A_133 = tpu.memref_slice %arg2[%dma_wait3A_120, %dma_wait3A_132] : memref<64x1600000xf32, #tpu.memory_space<hbm>> -> memref<1x2000xf32, #tpu.memory_space<hbm>>
      %dma_wait3A_134 = tpu.memref_squeeze %dma_wait3A_133 : memref<1x2000xf32, #tpu.memory_space<hbm>> -> memref<2000xf32, #tpu.memory_space<hbm>>
      tpu.wait_dma2 semaphore(%arg8 : memref<!tpu.dma_semaphore, #tpu.memory_space<semaphore_mem>>) src(%dma_wait3A_134 : memref<2000xf32, #tpu.memory_space<hbm>>) dst(%dma_wait3A_131 : memref<2000xf32, #tpu.memory_space<vmem>>)
      %dma_wait3A_135 = arith.constant 0 : i32
      %dma_wait3A_136 = arith.constant 0 : i32
      %dma_wait3A_137 = arith.constant 2 : i32
      %dma_wait3A_138 = arith.constant 0 : i32
      %dma_wait3A_139 = tpu.memref_slice %arg7[%dma_wait3A_136, %dma_wait3A_137, %dma_wait3A_138] : memref<2x4x2000xf32, #tpu.memory_space<vmem>> -> memref<1x1x2000xf32, #tpu.memory_space<vmem>>
      %dma_wait3A_140 = tpu.memref_squeeze %dma_wait3A_139 : memref<1x1x2000xf32, #tpu.memory_space<vmem>> -> memref<2000xf32, #tpu.memory_space<vmem>>
      %dma_wait3A_141 = arith.constant 0 : i32
      %dma_wait3A_142 = tpu.memref_slice %arg2[%dma_wait3A_135, %dma_wait3A_141] : memref<64x1600000xf32, #tpu.memory_space<hbm>> -> memref<1x2000xf32, #tpu.memory_space<hbm>>
      %dma_wait3A_143 = tpu.memref_squeeze %dma_wait3A_142 : memref<1x2000xf32, #tpu.memory_space<hbm>> -> memref<2000xf32, #tpu.memory_space<hbm>>
      %dma_wait3A_144 = arith.constant 0 : i32
      %dma_wait3A_145 = tpu.memref_slice %arg7[%dma_wait3A_136, %dma_wait3A_137, %dma_wait3A_144] : memref<2x4x2000xf32, #tpu.memory_space<vmem>> -> memref<1x1x2000xf32, #tpu.memory_space<vmem>>
      %dma_wait3A_146 = tpu.memref_squeeze %dma_wait3A_145 : memref<1x1x2000xf32, #tpu.memory_space<vmem>> -> memref<2000xf32, #tpu.memory_space<vmem>>
      %dma_wait3A_147 = arith.constant 0 : i32
      %dma_wait3A_148 = tpu.memref_slice %arg2[%dma_wait3A_135, %dma_wait3A_147] : memref<64x1600000xf32, #tpu.memory_space<hbm>> -> memref<1x2000xf32, #tpu.memory_space<hbm>>
      %dma_wait3A_149 = tpu.memref_squeeze %dma_wait3A_148 : memref<1x2000xf32, #tpu.memory_space<hbm>> -> memref<2000xf32, #tpu.memory_space<hbm>>
      tpu.wait_dma2 semaphore(%arg8 : memref<!tpu.dma_semaphore, #tpu.memory_space<semaphore_mem>>) src(%dma_wait3A_149 : memref<2000xf32, #tpu.memory_space<hbm>>) dst(%dma_wait3A_146 : memref<2000xf32, #tpu.memory_space<vmem>>)
      %dma_wait3A_150 = arith.constant 0 : i32
      %dma_wait3A_151 = arith.constant 0 : i32
      %dma_wait3A_152 = arith.constant 3 : i32
      %dma_wait3A_153 = arith.constant 0 : i32
      %dma_wait3A_154 = tpu.memref_slice %arg7[%dma_wait3A_151, %dma_wait3A_152, %dma_wait3A_153] : memref<2x4x2000xf32, #tpu.memory_space<vmem>> -> memref<1x1x2000xf32, #tpu.memory_space<vmem>>
      %dma_wait3A_155 = tpu.memref_squeeze %dma_wait3A_154 : memref<1x1x2000xf32, #tpu.memory_space<vmem>> -> memref<2000xf32, #tpu.memory_space<vmem>>
      %dma_wait3A_156 = arith.constant 0 : i32
      %dma_wait3A_157 = tpu.memref_slice %arg2[%dma_wait3A_150, %dma_wait3A_156] : memref<64x1600000xf32, #tpu.memory_space<hbm>> -> memref<1x2000xf32, #tpu.memory_space<hbm>>
      %dma_wait3A_158 = tpu.memref_squeeze %dma_wait3A_157 : memref<1x2000xf32, #tpu.memory_space<hbm>> -> memref<2000xf32, #tpu.memory_space<hbm>>
      %dma_wait3A_159 = arith.constant 0 : i32
      %dma_wait3A_160 = tpu.memref_slice %arg7[%dma_wait3A_151, %dma_wait3A_152, %dma_wait3A_159] : memref<2x4x2000xf32, #tpu.memory_space<vmem>> -> memref<1x1x2000xf32, #tpu.memory_space<vmem>>
      %dma_wait3A_161 = tpu.memref_squeeze %dma_wait3A_160 : memref<1x1x2000xf32, #tpu.memory_space<vmem>> -> memref<2000xf32, #tpu.memory_space<vmem>>
      %dma_wait3A_162 = arith.constant 0 : i32
      %dma_wait3A_163 = tpu.memref_slice %arg2[%dma_wait3A_150, %dma_wait3A_162] : memref<64x1600000xf32, #tpu.memory_space<hbm>> -> memref<1x2000xf32, #tpu.memory_space<hbm>>
      %dma_wait3A_164 = tpu.memref_squeeze %dma_wait3A_163 : memref<1x2000xf32, #tpu.memory_space<hbm>> -> memref<2000xf32, #tpu.memory_space<hbm>>
      tpu.wait_dma2 semaphore(%arg8 : memref<!tpu.dma_semaphore, #tpu.memory_space<semaphore_mem>>) src(%dma_wait3A_164 : memref<2000xf32, #tpu.memory_space<hbm>>) dst(%dma_wait3A_161 : memref<2000xf32, #tpu.memory_space<vmem>>)
      %broadcast_in_dim3A = arith.constant 0 : i32
      %broadcast_in_dim3A_165 = vector.broadcast %broadcast_in_dim3A : i32 to vector<16xi32>
      %scan3A_166 = arith.constant 0 : i32
      %scan3A_167 = arith.constant 125 : i32
      %scan3A_168 = arith.addi %scan3A_166, %scan3A_167 : i32
      %scan3A_169 = arith.constant 1 : i32
      %scan3A_170 = scf.for %scan3A_202 = %scan3A_166 to %scan3A_168 step %scan3A_169 iter_args(%scan3A_203 = %broadcast_in_dim3A_165) -> (vector<16xi32>)  : i32 {
        %mul3A_204 = arith.constant 16 : i32
        %mul3A_205 = arith.muli %scan3A_202, %mul3A_204 : i32
        %get3A = arith.constant 0 : i32
        %get3A_206 = arith.index_cast %get3A : i32 to index
        %get3A_207 = arith.index_cast %mul3A_205 : i32 to index
        %get3A_208 = tpu.vector_load %arg6[%get3A_206, %get3A_207] {strides = array<i32>} : memref<2x2000xi32, #tpu.memory_space<vmem>>, vector<16xi32>,
        %mul3A_209 = arith.constant 4 : i32
        %mul3A_210 = vector.broadcast %mul3A_209 : i32 to vector<16xi32>
        %mul3A_211 = arith.muli %get3A_208, %mul3A_210 : vector<16xi32>
        %add3A_212 = arith.constant 0 : i32
        %add3A_213 = vector.broadcast %add3A_212 : i32 to vector<16xi32>
        %add3A_214 = arith.addi %mul3A_211, %add3A_213 : vector<16xi32>
        %mul3A_215 = arith.constant 16 : i32
        %mul3A_216 = arith.muli %scan3A_202, %mul3A_215 : i32
        %get3A_217 = arith.constant 0 : i32
        %get3A_218 = arith.constant 0 : i32
        %get3A_219 = arith.index_cast %get3A_217 : i32 to index
        %get3A_220 = arith.index_cast %get3A_218 : i32 to index
        %get3A_221 = arith.index_cast %mul3A_216 : i32 to index
        %get3A_222 = tpu.vector_load %arg7[%get3A_219, %get3A_220, %get3A_221] {strides = array<i32>} : memref<2x4x2000xf32, #tpu.memory_space<vmem>>, vector<16xf32>,
        %gather3A = tpu.vector_load_idx %arg5[%add3A_214] : memref<100000xf32, #tpu.memory_space<vmem>>[vector<16xi32>], vector<16xf32>,
        %max3A = arith.maximumf %get3A_222, %gather3A : vector<16xf32>
        tpu.vector_store_idx %arg5[%add3A_214], %max3A : memref<100000xf32, #tpu.memory_space<vmem>>[vector<16xi32>], vector<16xf32>,
        %gather3A_223 = tpu.vector_load_idx %arg5[%add3A_214] : memref<100000xf32, #tpu.memory_space<vmem>>[vector<16xi32>], vector<16xf32>,
        %gt3A_224 = arith.cmpf ogt, %get3A_222, %gather3A_223 : vector<16xf32>
        %convert_element_type3A_225 = arith.extui %gt3A_224 : vector<16xi1> to vector<16xi32>
        %or3A = arith.ori %scan3A_203, %convert_element_type3A_225 : vector<16xi32>
        %add3A_226 = arith.constant 1 : i32
        %add3A_227 = vector.broadcast %add3A_226 : i32 to vector<16xi32>
        %add3A_228 = arith.addi %mul3A_211, %add3A_227 : vector<16xi32>
        %mul3A_229 = arith.constant 16 : i32
        %mul3A_230 = arith.muli %scan3A_202, %mul3A_229 : i32
        %get3A_231 = arith.constant 0 : i32
        %get3A_232 = arith.constant 1 : i32
        %get3A_233 = arith.index_cast %get3A_231 : i32 to index
        %get3A_234 = arith.index_cast %get3A_232 : i32 to index
        %get3A_235 = arith.index_cast %mul3A_230 : i32 to index
        %get3A_236 = tpu.vector_load %arg7[%get3A_233, %get3A_234, %get3A_235] {strides = array<i32>} : memref<2x4x2000xf32, #tpu.memory_space<vmem>>, vector<16xf32>,
        %gather3A_237 = tpu.vector_load_idx %arg5[%add3A_228] : memref<100000xf32, #tpu.memory_space<vmem>>[vector<16xi32>], vector<16xf32>,
        %max3A_238 = arith.maximumf %get3A_236, %gather3A_237 : vector<16xf32>
        tpu.vector_store_idx %arg5[%add3A_228], %max3A_238 : memref<100000xf32, #tpu.memory_space<vmem>>[vector<16xi32>], vector<16xf32>,
        %gather3A_239 = tpu.vector_load_idx %arg5[%add3A_228] : memref<100000xf32, #tpu.memory_space<vmem>>[vector<16xi32>], vector<16xf32>,
        %gt3A_240 = arith.cmpf ogt, %get3A_236, %gather3A_239 : vector<16xf32>
        %convert_element_type3A_241 = arith.extui %gt3A_240 : vector<16xi1> to vector<16xi32>
        %or3A_242 = arith.ori %or3A, %convert_element_type3A_241 : vector<16xi32>
        %add3A_243 = arith.constant 2 : i32
        %add3A_244 = vector.broadcast %add3A_243 : i32 to vector<16xi32>
        %add3A_245 = arith.addi %mul3A_211, %add3A_244 : vector<16xi32>
        %mul3A_246 = arith.constant 16 : i32
        %mul3A_247 = arith.muli %scan3A_202, %mul3A_246 : i32
        %get3A_248 = arith.constant 0 : i32
        %get3A_249 = arith.constant 2 : i32
        %get3A_250 = arith.index_cast %get3A_248 : i32 to index
        %get3A_251 = arith.index_cast %get3A_249 : i32 to index
        %get3A_252 = arith.index_cast %mul3A_247 : i32 to index
        %get3A_253 = tpu.vector_load %arg7[%get3A_250, %get3A_251, %get3A_252] {strides = array<i32>} : memref<2x4x2000xf32, #tpu.memory_space<vmem>>, vector<16xf32>,
        %gather3A_254 = tpu.vector_load_idx %arg5[%add3A_245] : memref<100000xf32, #tpu.memory_space<vmem>>[vector<16xi32>], vector<16xf32>,
        %max3A_255 = arith.maximumf %get3A_253, %gather3A_254 : vector<16xf32>
        tpu.vector_store_idx %arg5[%add3A_245], %max3A_255 : memref<100000xf32, #tpu.memory_space<vmem>>[vector<16xi32>], vector<16xf32>,
        %gather3A_256 = tpu.vector_load_idx %arg5[%add3A_245] : memref<100000xf32, #tpu.memory_space<vmem>>[vector<16xi32>], vector<16xf32>,
        %gt3A_257 = arith.cmpf ogt, %get3A_253, %gather3A_256 : vector<16xf32>
        %convert_element_type3A_258 = arith.extui %gt3A_257 : vector<16xi1> to vector<16xi32>
        %or3A_259 = arith.ori %or3A_242, %convert_element_type3A_258 : vector<16xi32>
        %add3A_260 = arith.constant 3 : i32
        %add3A_261 = vector.broadcast %add3A_260 : i32 to vector<16xi32>
        %add3A_262 = arith.addi %mul3A_211, %add3A_261 : vector<16xi32>
        %mul3A_263 = arith.constant 16 : i32
        %mul3A_264 = arith.muli %scan3A_202, %mul3A_263 : i32
        %get3A_265 = arith.constant 0 : i32
        %get3A_266 = arith.constant 3 : i32
        %get3A_267 = arith.index_cast %get3A_265 : i32 to index
        %get3A_268 = arith.index_cast %get3A_266 : i32 to index
        %get3A_269 = arith.index_cast %mul3A_264 : i32 to index
        %get3A_270 = tpu.vector_load %arg7[%get3A_267, %get3A_268, %get3A_269] {strides = array<i32>} : memref<2x4x2000xf32, #tpu.memory_space<vmem>>, vector<16xf32>,
        %gather3A_271 = tpu.vector_load_idx %arg5[%add3A_262] : memref<100000xf32, #tpu.memory_space<vmem>>[vector<16xi32>], vector<16xf32>,
        %max3A_272 = arith.maximumf %get3A_270, %gather3A_271 : vector<16xf32>
        tpu.vector_store_idx %arg5[%add3A_262], %max3A_272 : memref<100000xf32, #tpu.memory_space<vmem>>[vector<16xi32>], vector<16xf32>,
        %gather3A_273 = tpu.vector_load_idx %arg5[%add3A_262] : memref<100000xf32, #tpu.memory_space<vmem>>[vector<16xi32>], vector<16xf32>,
        %gt3A_274 = arith.cmpf ogt, %get3A_270, %gather3A_273 : vector<16xf32>
        %convert_element_type3A_275 = arith.extui %gt3A_274 : vector<16xi1> to vector<16xi32>
        %or3A_276 = arith.ori %or3A_259, %convert_element_type3A_275 : vector<16xi32>
        scf.yield %or3A_276 : vector<16xi32>
      }
      %scan3A_171 = arith.constant 125 : i32
      %gt3A = arith.constant 0 : i32
      %gt3A_172 = vector.broadcast %gt3A : i32 to vector<16xi32>
      %gt3A_173 = arith.cmpi sgt, %scan3A_170, %gt3A_172 : vector<16xi32>
      %reduce_or3A = arith.constant 1.000000e+00 : f32
      %reduce_or3A_174 = arith.constant 0.000000e+00 : f32
      %reduce_or3A_175 = vector.broadcast %reduce_or3A : f32 to vector<16xf32>
      %reduce_or3A_176 = vector.broadcast %reduce_or3A_174 : f32 to vector<16xf32>
      %reduce_or3A_177 = arith.select %gt3A_173, %reduce_or3A_175, %reduce_or3A_176 : vector<16xi1>, vector<16xf32>
      %reduce_or3A_178 = arith.constant true
      %reduce_or3A_179 = vector.broadcast %reduce_or3A_178 : i1 to vector<16xi1>
      %reduce_or3A_180 = tpu.scan <max>, %reduce_or3A_177 masked %reduce_or3A_179 : vector<16xf32>, vector<16xi1> -> vector<16xf32>
      %reduce_or3A_181 = vector.extract %reduce_or3A_180[15] : f32 from vector<16xf32>
      %reduce_or3A_182 = arith.constant 0.000000e+00 : f32
      %reduce_or3A_183 = arith.cmpf ogt, %reduce_or3A_181, %reduce_or3A_182 : f32
      %convert_element_type3A_184 = arith.extui %reduce_or3A_183 : i1 to i32
      %cond3A_185 = arith.constant 0 : i32
      %cond3A_186 = arith.cmpi ne, %convert_element_type3A_184, %cond3A_185 : i32
      scf.if %cond3A_186 {
        %scan3A_202 = arith.constant 0 : i32
        %scan3A_203 = arith.constant 0 : i32
        %scan3A_204 = arith.constant 125 : i32
        %scan3A_205 = arith.addi %scan3A_203, %scan3A_204 : i32
        %scan3A_206 = arith.constant 1 : i32
        %scan3A_207 = scf.for %scan3A_209 = %scan3A_203 to %scan3A_205 step %scan3A_206 iter_args(%scan3A_210 = %scan3A_202) -> (i32)  : i32 {
          %mul3A_211 = arith.constant 16 : i32
          %mul3A_212 = arith.muli %scan3A_209, %mul3A_211 : i32
          %get3A = arith.constant 0 : i32
          %get3A_213 = arith.index_cast %get3A : i32 to index
          %get3A_214 = arith.index_cast %mul3A_212 : i32 to index
          %get3A_215 = tpu.vector_load %arg6[%get3A_213, %get3A_214] {strides = array<i32>} : memref<2x2000xi32, #tpu.memory_space<vmem>>, vector<16xi32>,
          %mul3A_216 = arith.constant 4 : i32
          %mul3A_217 = vector.broadcast %mul3A_216 : i32 to vector<16xi32>
          %mul3A_218 = arith.muli %get3A_215, %mul3A_217 : vector<16xi32>
          %add3A_219 = arith.constant 0 : i32
          %add3A_220 = vector.broadcast %add3A_219 : i32 to vector<16xi32>
          %add3A_221 = arith.addi %mul3A_218, %add3A_220 : vector<16xi32>
          %mul3A_222 = arith.constant 16 : i32
          %mul3A_223 = arith.muli %scan3A_209, %mul3A_222 : i32
          %get3A_224 = arith.constant 0 : i32
          %get3A_225 = arith.constant 0 : i32
          %get3A_226 = arith.index_cast %get3A_224 : i32 to index
          %get3A_227 = arith.index_cast %get3A_225 : i32 to index
          %get3A_228 = arith.index_cast %mul3A_223 : i32 to index
          %get3A_229 = tpu.vector_load %arg7[%get3A_226, %get3A_227, %get3A_228] {strides = array<i32>} : memref<2x4x2000xf32, #tpu.memory_space<vmem>>, vector<16xf32>,
          %gather3A = tpu.vector_load_idx %arg5[%add3A_221] : memref<100000xf32, #tpu.memory_space<vmem>>[vector<16xi32>], vector<16xf32>,
          %gt3A_230 = arith.cmpf ogt, %get3A_229, %gather3A : vector<16xf32>
          %while3A = scf.while (%while3A_274 = %gt3A_230) : (vector<16xi1>) -> vector<16xi1> {
            %reduce_or3A_275 = arith.constant 1.000000e+00 : f32
            %reduce_or3A_276 = arith.constant 0.000000e+00 : f32
            %reduce_or3A_277 = vector.broadcast %reduce_or3A_275 : f32 to vector<16xf32>
            %reduce_or3A_278 = vector.broadcast %reduce_or3A_276 : f32 to vector<16xf32>
            %reduce_or3A_279 = arith.select %while3A_274, %reduce_or3A_277, %reduce_or3A_278 : vector<16xi1>, vector<16xf32>
            %reduce_or3A_280 = arith.constant true
            %reduce_or3A_281 = vector.broadcast %reduce_or3A_280 : i1 to vector<16xi1>
            %reduce_or3A_282 = tpu.scan <max>, %reduce_or3A_279 masked %reduce_or3A_281 : vector<16xf32>, vector<16xi1> -> vector<16xf32>
            %reduce_or3A_283 = vector.extract %reduce_or3A_282[15] : f32 from vector<16xf32>
            %reduce_or3A_284 = arith.constant 0.000000e+00 : f32
            %reduce_or3A_285 = arith.cmpf ogt, %reduce_or3A_283, %reduce_or3A_284 : f32
            scf.condition(%reduce_or3A_285) %while3A_274 : vector<16xi1>
          } do {
          ^bb0(%while3A_274: vector<16xi1>):
            tpu.vector_store_idx %arg5[%add3A_221], %get3A_229 masked %while3A_274 : memref<100000xf32, #tpu.memory_space<vmem>>[vector<16xi32>], vector<16xf32>, vector<16xi1>
            %gather3A_275 = tpu.vector_load_idx %arg5[%add3A_221] : memref<100000xf32, #tpu.memory_space<vmem>>[vector<16xi32>], vector<16xf32>,
            %gt3A_276 = arith.cmpf ogt, %get3A_229, %gather3A_275 : vector<16xf32>
            scf.yield %gt3A_276 : vector<16xi1>
          }
          %add3A_231 = arith.constant 1 : i32
          %add3A_232 = vector.broadcast %add3A_231 : i32 to vector<16xi32>
          %add3A_233 = arith.addi %mul3A_218, %add3A_232 : vector<16xi32>
          %mul3A_234 = arith.constant 16 : i32
          %mul3A_235 = arith.muli %scan3A_209, %mul3A_234 : i32
          %get3A_236 = arith.constant 0 : i32
          %get3A_237 = arith.constant 1 : i32
          %get3A_238 = arith.index_cast %get3A_236 : i32 to index
          %get3A_239 = arith.index_cast %get3A_237 : i32 to index
          %get3A_240 = arith.index_cast %mul3A_235 : i32 to index
          %get3A_241 = tpu.vector_load %arg7[%get3A_238, %get3A_239, %get3A_240] {strides = array<i32>} : memref<2x4x2000xf32, #tpu.memory_space<vmem>>, vector<16xf32>,
          %gather3A_242 = tpu.vector_load_idx %arg5[%add3A_233] : memref<100000xf32, #tpu.memory_space<vmem>>[vector<16xi32>], vector<16xf32>,
          %gt3A_243 = arith.cmpf ogt, %get3A_241, %gather3A_242 : vector<16xf32>
          %while3A_244 = scf.while (%while3A_274 = %gt3A_243) : (vector<16xi1>) -> vector<16xi1> {
            %reduce_or3A_275 = arith.constant 1.000000e+00 : f32
            %reduce_or3A_276 = arith.constant 0.000000e+00 : f32
            %reduce_or3A_277 = vector.broadcast %reduce_or3A_275 : f32 to vector<16xf32>
            %reduce_or3A_278 = vector.broadcast %reduce_or3A_276 : f32 to vector<16xf32>
            %reduce_or3A_279 = arith.select %while3A_274, %reduce_or3A_277, %reduce_or3A_278 : vector<16xi1>, vector<16xf32>
            %reduce_or3A_280 = arith.constant true
            %reduce_or3A_281 = vector.broadcast %reduce_or3A_280 : i1 to vector<16xi1>
            %reduce_or3A_282 = tpu.scan <max>, %reduce_or3A_279 masked %reduce_or3A_281 : vector<16xf32>, vector<16xi1> -> vector<16xf32>
            %reduce_or3A_283 = vector.extract %reduce_or3A_282[15] : f32 from vector<16xf32>
            %reduce_or3A_284 = arith.constant 0.000000e+00 : f32
            %reduce_or3A_285 = arith.cmpf ogt, %reduce_or3A_283, %reduce_or3A_284 : f32
            scf.condition(%reduce_or3A_285) %while3A_274 : vector<16xi1>
          } do {
          ^bb0(%while3A_274: vector<16xi1>):
            tpu.vector_store_idx %arg5[%add3A_233], %get3A_241 masked %while3A_274 : memref<100000xf32, #tpu.memory_space<vmem>>[vector<16xi32>], vector<16xf32>, vector<16xi1>
            %gather3A_275 = tpu.vector_load_idx %arg5[%add3A_233] : memref<100000xf32, #tpu.memory_space<vmem>>[vector<16xi32>], vector<16xf32>,
            %gt3A_276 = arith.cmpf ogt, %get3A_241, %gather3A_275 : vector<16xf32>
            scf.yield %gt3A_276 : vector<16xi1>
          }
          %add3A_245 = arith.constant 2 : i32
          %add3A_246 = vector.broadcast %add3A_245 : i32 to vector<16xi32>
          %add3A_247 = arith.addi %mul3A_218, %add3A_246 : vector<16xi32>
          %mul3A_248 = arith.constant 16 : i32
          %mul3A_249 = arith.muli %scan3A_209, %mul3A_248 : i32
          %get3A_250 = arith.constant 0 : i32
          %get3A_251 = arith.constant 2 : i32
          %get3A_252 = arith.index_cast %get3A_250 : i32 to index
          %get3A_253 = arith.index_cast %get3A_251 : i32 to index
          %get3A_254 = arith.index_cast %mul3A_249 : i32 to index
          %get3A_255 = tpu.vector_load %arg7[%get3A_252, %get3A_253, %get3A_254] {strides = array<i32>} : memref<2x4x2000xf32, #tpu.memory_space<vmem>>, vector<16xf32>,
          %gather3A_256 = tpu.vector_load_idx %arg5[%add3A_247] : memref<100000xf32, #tpu.memory_space<vmem>>[vector<16xi32>], vector<16xf32>,
          %gt3A_257 = arith.cmpf ogt, %get3A_255, %gather3A_256 : vector<16xf32>
          %while3A_258 = scf.while (%while3A_274 = %gt3A_257) : (vector<16xi1>) -> vector<16xi1> {
            %reduce_or3A_275 = arith.constant 1.000000e+00 : f32
            %reduce_or3A_276 = arith.constant 0.000000e+00 : f32
            %reduce_or3A_277 = vector.broadcast %reduce_or3A_275 : f32 to vector<16xf32>
            %reduce_or3A_278 = vector.broadcast %reduce_or3A_276 : f32 to vector<16xf32>
            %reduce_or3A_279 = arith.select %while3A_274, %reduce_or3A_277, %reduce_or3A_278 : vector<16xi1>, vector<16xf32>
            %reduce_or3A_280 = arith.constant true
            %reduce_or3A_281 = vector.broadcast %reduce_or3A_280 : i1 to vector<16xi1>
            %reduce_or3A_282 = tpu.scan <max>, %reduce_or3A_279 masked %reduce_or3A_281 : vector<16xf32>, vector<16xi1> -> vector<16xf32>
            %reduce_or3A_283 = vector.extract %reduce_or3A_282[15] : f32 from vector<16xf32>
            %reduce_or3A_284 = arith.constant 0.000000e+00 : f32
            %reduce_or3A_285 = arith.cmpf ogt, %reduce_or3A_283, %reduce_or3A_284 : f32
            scf.condition(%reduce_or3A_285) %while3A_274 : vector<16xi1>
          } do {
          ^bb0(%while3A_274: vector<16xi1>):
            tpu.vector_store_idx %arg5[%add3A_247], %get3A_255 masked %while3A_274 : memref<100000xf32, #tpu.memory_space<vmem>>[vector<16xi32>], vector<16xf32>, vector<16xi1>
            %gather3A_275 = tpu.vector_load_idx %arg5[%add3A_247] : memref<100000xf32, #tpu.memory_space<vmem>>[vector<16xi32>], vector<16xf32>,
            %gt3A_276 = arith.cmpf ogt, %get3A_255, %gather3A_275 : vector<16xf32>
            scf.yield %gt3A_276 : vector<16xi1>
          }
          %add3A_259 = arith.constant 3 : i32
          %add3A_260 = vector.broadcast %add3A_259 : i32 to vector<16xi32>
          %add3A_261 = arith.addi %mul3A_218, %add3A_260 : vector<16xi32>
          %mul3A_262 = arith.constant 16 : i32
          %mul3A_263 = arith.muli %scan3A_209, %mul3A_262 : i32
          %get3A_264 = arith.constant 0 : i32
          %get3A_265 = arith.constant 3 : i32
          %get3A_266 = arith.index_cast %get3A_264 : i32 to index
          %get3A_267 = arith.index_cast %get3A_265 : i32 to index
          %get3A_268 = arith.index_cast %mul3A_263 : i32 to index
          %get3A_269 = tpu.vector_load %arg7[%get3A_266, %get3A_267, %get3A_268] {strides = array<i32>} : memref<2x4x2000xf32, #tpu.memory_space<vmem>>, vector<16xf32>,
          %gather3A_270 = tpu.vector_load_idx %arg5[%add3A_261] : memref<100000xf32, #tpu.memory_space<vmem>>[vector<16xi32>], vector<16xf32>,
          %gt3A_271 = arith.cmpf ogt, %get3A_269, %gather3A_270 : vector<16xf32>
          %while3A_272 = scf.while (%while3A_274 = %gt3A_271) : (vector<16xi1>) -> vector<16xi1> {
            %reduce_or3A_275 = arith.constant 1.000000e+00 : f32
            %reduce_or3A_276 = arith.constant 0.000000e+00 : f32
            %reduce_or3A_277 = vector.broadcast %reduce_or3A_275 : f32 to vector<16xf32>
            %reduce_or3A_278 = vector.broadcast %reduce_or3A_276 : f32 to vector<16xf32>
            %reduce_or3A_279 = arith.select %while3A_274, %reduce_or3A_277, %reduce_or3A_278 : vector<16xi1>, vector<16xf32>
            %reduce_or3A_280 = arith.constant true
            %reduce_or3A_281 = vector.broadcast %reduce_or3A_280 : i1 to vector<16xi1>
            %reduce_or3A_282 = tpu.scan <max>, %reduce_or3A_279 masked %reduce_or3A_281 : vector<16xf32>, vector<16xi1> -> vector<16xf32>
            %reduce_or3A_283 = vector.extract %reduce_or3A_282[15] : f32 from vector<16xf32>
            %reduce_or3A_284 = arith.constant 0.000000e+00 : f32
            %reduce_or3A_285 = arith.cmpf ogt, %reduce_or3A_283, %reduce_or3A_284 : f32
            scf.condition(%reduce_or3A_285) %while3A_274 : vector<16xi1>
          } do {
          ^bb0(%while3A_274: vector<16xi1>):
            tpu.vector_store_idx %arg5[%add3A_261], %get3A_269 masked %while3A_274 : memref<100000xf32, #tpu.memory_space<vmem>>[vector<16xi32>], vector<16xf32>, vector<16xi1>
            %gather3A_275 = tpu.vector_load_idx %arg5[%add3A_261] : memref<100000xf32, #tpu.memory_space<vmem>>[vector<16xi32>], vector<16xf32>,
            %gt3A_276 = arith.cmpf ogt, %get3A_269, %gather3A_275 : vector<16xf32>
            scf.yield %gt3A_276 : vector<16xi1>
          }
          %scan3A_273 = arith.constant 0 : i32
          scf.yield %scan3A_273 : i32
        }
        %scan3A_208 = arith.constant 125 : i32
      } else {
      }
      %add3A_187 = arith.constant 2 : i32
      %add3A_188 = arith.addi %mul3A_90, %add3A_187 : i32
      %lt3A_189 = arith.constant 400 : i32
      %lt3A_190 = arith.cmpi slt, %add3A_188, %lt3A_189 : i32
      %convert_element_type3A_191 = arith.extui %lt3A_190 : i1 to i32
      %cond3A_192 = arith.constant 0 : i32
      %cond3A_193 = arith.cmpi ne, %convert_element_type3A_191, %cond3A_192 : i32
      scf.if %cond3A_193 {
        %add3A_202 = arith.constant 2 : i32
        %add3A_203 = arith.addi %mul3A_90, %add3A_202 : i32
        %mul3A_204 = arith.constant 800000 : i32
        %mul3A_205 = arith.muli %arg0, %mul3A_204 : i32
        %mul3A_206 = arith.constant 2000 : i32
        %mul3A_207 = arith.muli %add3A_203, %mul3A_206 : i32
        %add3A_208 = arith.addi %mul3A_205, %mul3A_207 : i32
        %dma_start3A_209 = arith.constant 0 : i32
        %dma_start3A_210 = arith.constant 0 : i32
        %dma_start3A_211 = tpu.memref_slice %arg6[%dma_start3A_209, %dma_start3A_210] : memref<2x2000xi32, #tpu.memory_space<vmem>> -> memref<1x2000xi32, #tpu.memory_space<vmem>>
        %dma_start3A_212 = tpu.memref_squeeze %dma_start3A_211 : memref<1x2000xi32, #tpu.memory_space<vmem>> -> memref<2000xi32, #tpu.memory_space<vmem>>
        %dma_start3A_213 = tpu.memref_slice %arg3[%add3A_208] : memref<1600000xi32, #tpu.memory_space<hbm>> -> memref<2000xi32, #tpu.memory_space<hbm>>
        %dma_start3A_214 = arith.constant 0 : i32
        %dma_start3A_215 = tpu.memref_slice %arg6[%dma_start3A_209, %dma_start3A_214] : memref<2x2000xi32, #tpu.memory_space<vmem>> -> memref<1x2000xi32, #tpu.memory_space<vmem>>
        %dma_start3A_216 = tpu.memref_squeeze %dma_start3A_215 : memref<1x2000xi32, #tpu.memory_space<vmem>> -> memref<2000xi32, #tpu.memory_space<vmem>>
        %dma_start3A_217 = tpu.memref_slice %arg3[%add3A_208] : memref<1600000xi32, #tpu.memory_space<hbm>> -> memref<2000xi32, #tpu.memory_space<hbm>>
        tpu.enqueue_dma source(%dma_start3A_217 : memref<2000xi32, #tpu.memory_space<hbm>>) target(%dma_start3A_216 : memref<2000xi32, #tpu.memory_space<vmem>>) target_semaphore(%arg8 : memref<!tpu.dma_semaphore, #tpu.memory_space<semaphore_mem>>)
        %mul3A_218 = arith.constant 4 : i32
        %mul3A_219 = arith.muli %mul3A_218, %arg1 : i32
        %add3A_220 = arith.constant 0 : i32
        %add3A_221 = arith.addi %mul3A_219, %add3A_220 : i32
        %dma_start3A_222 = arith.constant 0 : i32
        %dma_start3A_223 = arith.constant 0 : i32
        %dma_start3A_224 = arith.constant 0 : i32
        %dma_start3A_225 = tpu.memref_slice %arg7[%dma_start3A_222, %dma_start3A_223, %dma_start3A_224] : memref<2x4x2000xf32, #tpu.memory_space<vmem>> -> memref<1x1x2000xf32, #tpu.memory_space<vmem>>
        %dma_start3A_226 = tpu.memref_squeeze %dma_start3A_225 : memref<1x1x2000xf32, #tpu.memory_space<vmem>> -> memref<2000xf32, #tpu.memory_space<vmem>>
        %dma_start3A_227 = tpu.memref_slice %arg2[%add3A_221, %add3A_208] : memref<64x1600000xf32, #tpu.memory_space<hbm>> -> memref<1x2000xf32, #tpu.memory_space<hbm>>
        %dma_start3A_228 = tpu.memref_squeeze %dma_start3A_227 : memref<1x2000xf32, #tpu.memory_space<hbm>> -> memref<2000xf32, #tpu.memory_space<hbm>>
        %dma_start3A_229 = arith.constant 0 : i32
        %dma_start3A_230 = tpu.memref_slice %arg7[%dma_start3A_222, %dma_start3A_223, %dma_start3A_229] : memref<2x4x2000xf32, #tpu.memory_space<vmem>> -> memref<1x1x2000xf32, #tpu.memory_space<vmem>>
        %dma_start3A_231 = tpu.memref_squeeze %dma_start3A_230 : memref<1x1x2000xf32, #tpu.memory_space<vmem>> -> memref<2000xf32, #tpu.memory_space<vmem>>
        %dma_start3A_232 = tpu.memref_slice %arg2[%add3A_221, %add3A_208] : memref<64x1600000xf32, #tpu.memory_space<hbm>> -> memref<1x2000xf32, #tpu.memory_space<hbm>>
        %dma_start3A_233 = tpu.memref_squeeze %dma_start3A_232 : memref<1x2000xf32, #tpu.memory_space<hbm>> -> memref<2000xf32, #tpu.memory_space<hbm>>
        tpu.enqueue_dma source(%dma_start3A_233 : memref<2000xf32, #tpu.memory_space<hbm>>) target(%dma_start3A_231 : memref<2000xf32, #tpu.memory_space<vmem>>) target_semaphore(%arg8 : memref<!tpu.dma_semaphore, #tpu.memory_space<semaphore_mem>>)
        %mul3A_234 = arith.constant 4 : i32
        %mul3A_235 = arith.muli %mul3A_234, %arg1 : i32
        %add3A_236 = arith.constant 1 : i32
        %add3A_237 = arith.addi %mul3A_235, %add3A_236 : i32
        %dma_start3A_238 = arith.constant 0 : i32
        %dma_start3A_239 = arith.constant 1 : i32
        %dma_start3A_240 = arith.constant 0 : i32
        %dma_start3A_241 = tpu.memref_slice %arg7[%dma_start3A_238, %dma_start3A_239, %dma_start3A_240] : memref<2x4x2000xf32, #tpu.memory_space<vmem>> -> memref<1x1x2000xf32, #tpu.memory_space<vmem>>
        %dma_start3A_242 = tpu.memref_squeeze %dma_start3A_241 : memref<1x1x2000xf32, #tpu.memory_space<vmem>> -> memref<2000xf32, #tpu.memory_space<vmem>>
        %dma_start3A_243 = tpu.memref_slice %arg2[%add3A_237, %add3A_208] : memref<64x1600000xf32, #tpu.memory_space<hbm>> -> memref<1x2000xf32, #tpu.memory_space<hbm>>
        %dma_start3A_244 = tpu.memref_squeeze %dma_start3A_243 : memref<1x2000xf32, #tpu.memory_space<hbm>> -> memref<2000xf32, #tpu.memory_space<hbm>>
        %dma_start3A_245 = arith.constant 0 : i32
        %dma_start3A_246 = tpu.memref_slice %arg7[%dma_start3A_238, %dma_start3A_239, %dma_start3A_245] : memref<2x4x2000xf32, #tpu.memory_space<vmem>> -> memref<1x1x2000xf32, #tpu.memory_space<vmem>>
        %dma_start3A_247 = tpu.memref_squeeze %dma_start3A_246 : memref<1x1x2000xf32, #tpu.memory_space<vmem>> -> memref<2000xf32, #tpu.memory_space<vmem>>
        %dma_start3A_248 = tpu.memref_slice %arg2[%add3A_237, %add3A_208] : memref<64x1600000xf32, #tpu.memory_space<hbm>> -> memref<1x2000xf32, #tpu.memory_space<hbm>>
        %dma_start3A_249 = tpu.memref_squeeze %dma_start3A_248 : memref<1x2000xf32, #tpu.memory_space<hbm>> -> memref<2000xf32, #tpu.memory_space<hbm>>
        tpu.enqueue_dma source(%dma_start3A_249 : memref<2000xf32, #tpu.memory_space<hbm>>) target(%dma_start3A_247 : memref<2000xf32, #tpu.memory_space<vmem>>) target_semaphore(%arg8 : memref<!tpu.dma_semaphore, #tpu.memory_space<semaphore_mem>>)
        %mul3A_250 = arith.constant 4 : i32
        %mul3A_251 = arith.muli %mul3A_250, %arg1 : i32
        %add3A_252 = arith.constant 2 : i32
        %add3A_253 = arith.addi %mul3A_251, %add3A_252 : i32
        %dma_start3A_254 = arith.constant 0 : i32
        %dma_start3A_255 = arith.constant 2 : i32
        %dma_start3A_256 = arith.constant 0 : i32
        %dma_start3A_257 = tpu.memref_slice %arg7[%dma_start3A_254, %dma_start3A_255, %dma_start3A_256] : memref<2x4x2000xf32, #tpu.memory_space<vmem>> -> memref<1x1x2000xf32, #tpu.memory_space<vmem>>
        %dma_start3A_258 = tpu.memref_squeeze %dma_start3A_257 : memref<1x1x2000xf32, #tpu.memory_space<vmem>> -> memref<2000xf32, #tpu.memory_space<vmem>>
        %dma_start3A_259 = tpu.memref_slice %arg2[%add3A_253, %add3A_208] : memref<64x1600000xf32, #tpu.memory_space<hbm>> -> memref<1x2000xf32, #tpu.memory_space<hbm>>
        %dma_start3A_260 = tpu.memref_squeeze %dma_start3A_259 : memref<1x2000xf32, #tpu.memory_space<hbm>> -> memref<2000xf32, #tpu.memory_space<hbm>>
        %dma_start3A_261 = arith.constant 0 : i32
        %dma_start3A_262 = tpu.memref_slice %arg7[%dma_start3A_254, %dma_start3A_255, %dma_start3A_261] : memref<2x4x2000xf32, #tpu.memory_space<vmem>> -> memref<1x1x2000xf32, #tpu.memory_space<vmem>>
        %dma_start3A_263 = tpu.memref_squeeze %dma_start3A_262 : memref<1x1x2000xf32, #tpu.memory_space<vmem>> -> memref<2000xf32, #tpu.memory_space<vmem>>
        %dma_start3A_264 = tpu.memref_slice %arg2[%add3A_253, %add3A_208] : memref<64x1600000xf32, #tpu.memory_space<hbm>> -> memref<1x2000xf32, #tpu.memory_space<hbm>>
        %dma_start3A_265 = tpu.memref_squeeze %dma_start3A_264 : memref<1x2000xf32, #tpu.memory_space<hbm>> -> memref<2000xf32, #tpu.memory_space<hbm>>
        tpu.enqueue_dma source(%dma_start3A_265 : memref<2000xf32, #tpu.memory_space<hbm>>) target(%dma_start3A_263 : memref<2000xf32, #tpu.memory_space<vmem>>) target_semaphore(%arg8 : memref<!tpu.dma_semaphore, #tpu.memory_space<semaphore_mem>>)
        %mul3A_266 = arith.constant 4 : i32
        %mul3A_267 = arith.muli %mul3A_266, %arg1 : i32
        %add3A_268 = arith.constant 3 : i32
        %add3A_269 = arith.addi %mul3A_267, %add3A_268 : i32
        %dma_start3A_270 = arith.constant 0 : i32
        %dma_start3A_271 = arith.constant 3 : i32
        %dma_start3A_272 = arith.constant 0 : i32
        %dma_start3A_273 = tpu.memref_slice %arg7[%dma_start3A_270, %dma_start3A_271, %dma_start3A_272] : memref<2x4x2000xf32, #tpu.memory_space<vmem>> -> memref<1x1x2000xf32, #tpu.memory_space<vmem>>
        %dma_start3A_274 = tpu.memref_squeeze %dma_start3A_273 : memref<1x1x2000xf32, #tpu.memory_space<vmem>> -> memref<2000xf32, #tpu.memory_space<vmem>>
        %dma_start3A_275 = tpu.memref_slice %arg2[%add3A_269, %add3A_208] : memref<64x1600000xf32, #tpu.memory_space<hbm>> -> memref<1x2000xf32, #tpu.memory_space<hbm>>
        %dma_start3A_276 = tpu.memref_squeeze %dma_start3A_275 : memref<1x2000xf32, #tpu.memory_space<hbm>> -> memref<2000xf32, #tpu.memory_space<hbm>>
        %dma_start3A_277 = arith.constant 0 : i32
        %dma_start3A_278 = tpu.memref_slice %arg7[%dma_start3A_270, %dma_start3A_271, %dma_start3A_277] : memref<2x4x2000xf32, #tpu.memory_space<vmem>> -> memref<1x1x2000xf32, #tpu.memory_space<vmem>>
        %dma_start3A_279 = tpu.memref_squeeze %dma_start3A_278 : memref<1x1x2000xf32, #tpu.memory_space<vmem>> -> memref<2000xf32, #tpu.memory_space<vmem>>
        %dma_start3A_280 = tpu.memref_slice %arg2[%add3A_269, %add3A_208] : memref<64x1600000xf32, #tpu.memory_space<hbm>> -> memref<1x2000xf32, #tpu.memory_space<hbm>>
        %dma_start3A_281 = tpu.memref_squeeze %dma_start3A_280 : memref<1x2000xf32, #tpu.memory_space<hbm>> -> memref<2000xf32, #tpu.memory_space<hbm>>
        tpu.enqueue_dma source(%dma_start3A_281 : memref<2000xf32, #tpu.memory_space<hbm>>) target(%dma_start3A_279 : memref<2000xf32, #tpu.memory_space<vmem>>) target_semaphore(%arg8 : memref<!tpu.dma_semaphore, #tpu.memory_space<semaphore_mem>>)
      } else {
      }
      %add3A_194 = arith.constant 1 : i32
      %add3A_195 = arith.addi %mul3A_90, %add3A_194 : i32
      %lt3A_196 = arith.constant 400 : i32
      %lt3A_197 = arith.cmpi slt, %add3A_195, %lt3A_196 : i32
      %convert_element_type3A_198 = arith.extui %lt3A_197 : i1 to i32
      %cond3A_199 = arith.constant 0 : i32
      %cond3A_200 = arith.cmpi ne, %convert_element_type3A_198, %cond3A_199 : i32
      scf.if %cond3A_200 {
        %dma_wait3A_202 = arith.constant 1 : i32
        %dma_wait3A_203 = arith.constant 0 : i32
        %dma_wait3A_204 = tpu.memref_slice %arg6[%dma_wait3A_202, %dma_wait3A_203] : memref<2x2000xi32, #tpu.memory_space<vmem>> -> memref<1x2000xi32, #tpu.memory_space<vmem>>
        %dma_wait3A_205 = tpu.memref_squeeze %dma_wait3A_204 : memref<1x2000xi32, #tpu.memory_space<vmem>> -> memref<2000xi32, #tpu.memory_space<vmem>>
        %dma_wait3A_206 = arith.constant 0 : i32
        %dma_wait3A_207 = tpu.memref_slice %arg3[%dma_wait3A_206] : memref<1600000xi32, #tpu.memory_space<hbm>> -> memref<2000xi32, #tpu.memory_space<hbm>>
        %dma_wait3A_208 = arith.constant 0 : i32
        %dma_wait3A_209 = tpu.memref_slice %arg6[%dma_wait3A_202, %dma_wait3A_208] : memref<2x2000xi32, #tpu.memory_space<vmem>> -> memref<1x2000xi32, #tpu.memory_space<vmem>>
        %dma_wait3A_210 = tpu.memref_squeeze %dma_wait3A_209 : memref<1x2000xi32, #tpu.memory_space<vmem>> -> memref<2000xi32, #tpu.memory_space<vmem>>
        %dma_wait3A_211 = arith.constant 0 : i32
        %dma_wait3A_212 = tpu.memref_slice %arg3[%dma_wait3A_211] : memref<1600000xi32, #tpu.memory_space<hbm>> -> memref<2000xi32, #tpu.memory_space<hbm>>
        tpu.wait_dma2 semaphore(%arg9 : memref<!tpu.dma_semaphore, #tpu.memory_space<semaphore_mem>>) src(%dma_wait3A_212 : memref<2000xi32, #tpu.memory_space<hbm>>) dst(%dma_wait3A_210 : memref<2000xi32, #tpu.memory_space<vmem>>)
        %dma_wait3A_213 = arith.constant 0 : i32
        %dma_wait3A_214 = arith.constant 1 : i32
        %dma_wait3A_215 = arith.constant 0 : i32
        %dma_wait3A_216 = arith.constant 0 : i32
        %dma_wait3A_217 = tpu.memref_slice %arg7[%dma_wait3A_214, %dma_wait3A_215, %dma_wait3A_216] : memref<2x4x2000xf32, #tpu.memory_space<vmem>> -> memref<1x1x2000xf32, #tpu.memory_space<vmem>>
        %dma_wait3A_218 = tpu.memref_squeeze %dma_wait3A_217 : memref<1x1x2000xf32, #tpu.memory_space<vmem>> -> memref<2000xf32, #tpu.memory_space<vmem>>
        %dma_wait3A_219 = arith.constant 0 : i32
        %dma_wait3A_220 = tpu.memref_slice %arg2[%dma_wait3A_213, %dma_wait3A_219] : memref<64x1600000xf32, #tpu.memory_space<hbm>> -> memref<1x2000xf32, #tpu.memory_space<hbm>>
        %dma_wait3A_221 = tpu.memref_squeeze %dma_wait3A_220 : memref<1x2000xf32, #tpu.memory_space<hbm>> -> memref<2000xf32, #tpu.memory_space<hbm>>
        %dma_wait3A_222 = arith.constant 0 : i32
        %dma_wait3A_223 = tpu.memref_slice %arg7[%dma_wait3A_214, %dma_wait3A_215, %dma_wait3A_222] : memref<2x4x2000xf32, #tpu.memory_space<vmem>> -> memref<1x1x2000xf32, #tpu.memory_space<vmem>>
        %dma_wait3A_224 = tpu.memref_squeeze %dma_wait3A_223 : memref<1x1x2000xf32, #tpu.memory_space<vmem>> -> memref<2000xf32, #tpu.memory_space<vmem>>
        %dma_wait3A_225 = arith.constant 0 : i32
        %dma_wait3A_226 = tpu.memref_slice %arg2[%dma_wait3A_213, %dma_wait3A_225] : memref<64x1600000xf32, #tpu.memory_space<hbm>> -> memref<1x2000xf32, #tpu.memory_space<hbm>>
        %dma_wait3A_227 = tpu.memref_squeeze %dma_wait3A_226 : memref<1x2000xf32, #tpu.memory_space<hbm>> -> memref<2000xf32, #tpu.memory_space<hbm>>
        tpu.wait_dma2 semaphore(%arg9 : memref<!tpu.dma_semaphore, #tpu.memory_space<semaphore_mem>>) src(%dma_wait3A_227 : memref<2000xf32, #tpu.memory_space<hbm>>) dst(%dma_wait3A_224 : memref<2000xf32, #tpu.memory_space<vmem>>)
        %dma_wait3A_228 = arith.constant 0 : i32
        %dma_wait3A_229 = arith.constant 1 : i32
        %dma_wait3A_230 = arith.constant 1 : i32
        %dma_wait3A_231 = arith.constant 0 : i32
        %dma_wait3A_232 = tpu.memref_slice %arg7[%dma_wait3A_229, %dma_wait3A_230, %dma_wait3A_231] : memref<2x4x2000xf32, #tpu.memory_space<vmem>> -> memref<1x1x2000xf32, #tpu.memory_space<vmem>>
        %dma_wait3A_233 = tpu.memref_squeeze %dma_wait3A_232 : memref<1x1x2000xf32, #tpu.memory_space<vmem>> -> memref<2000xf32, #tpu.memory_space<vmem>>
        %dma_wait3A_234 = arith.constant 0 : i32
        %dma_wait3A_235 = tpu.memref_slice %arg2[%dma_wait3A_228, %dma_wait3A_234] : memref<64x1600000xf32, #tpu.memory_space<hbm>> -> memref<1x2000xf32, #tpu.memory_space<hbm>>
        %dma_wait3A_236 = tpu.memref_squeeze %dma_wait3A_235 : memref<1x2000xf32, #tpu.memory_space<hbm>> -> memref<2000xf32, #tpu.memory_space<hbm>>
        %dma_wait3A_237 = arith.constant 0 : i32
        %dma_wait3A_238 = tpu.memref_slice %arg7[%dma_wait3A_229, %dma_wait3A_230, %dma_wait3A_237] : memref<2x4x2000xf32, #tpu.memory_space<vmem>> -> memref<1x1x2000xf32, #tpu.memory_space<vmem>>
        %dma_wait3A_239 = tpu.memref_squeeze %dma_wait3A_238 : memref<1x1x2000xf32, #tpu.memory_space<vmem>> -> memref<2000xf32, #tpu.memory_space<vmem>>
        %dma_wait3A_240 = arith.constant 0 : i32
        %dma_wait3A_241 = tpu.memref_slice %arg2[%dma_wait3A_228, %dma_wait3A_240] : memref<64x1600000xf32, #tpu.memory_space<hbm>> -> memref<1x2000xf32, #tpu.memory_space<hbm>>
        %dma_wait3A_242 = tpu.memref_squeeze %dma_wait3A_241 : memref<1x2000xf32, #tpu.memory_space<hbm>> -> memref<2000xf32, #tpu.memory_space<hbm>>
        tpu.wait_dma2 semaphore(%arg9 : memref<!tpu.dma_semaphore, #tpu.memory_space<semaphore_mem>>) src(%dma_wait3A_242 : memref<2000xf32, #tpu.memory_space<hbm>>) dst(%dma_wait3A_239 : memref<2000xf32, #tpu.memory_space<vmem>>)
        %dma_wait3A_243 = arith.constant 0 : i32
        %dma_wait3A_244 = arith.constant 1 : i32
        %dma_wait3A_245 = arith.constant 2 : i32
        %dma_wait3A_246 = arith.constant 0 : i32
        %dma_wait3A_247 = tpu.memref_slice %arg7[%dma_wait3A_244, %dma_wait3A_245, %dma_wait3A_246] : memref<2x4x2000xf32, #tpu.memory_space<vmem>> -> memref<1x1x2000xf32, #tpu.memory_space<vmem>>
        %dma_wait3A_248 = tpu.memref_squeeze %dma_wait3A_247 : memref<1x1x2000xf32, #tpu.memory_space<vmem>> -> memref<2000xf32, #tpu.memory_space<vmem>>
        %dma_wait3A_249 = arith.constant 0 : i32
        %dma_wait3A_250 = tpu.memref_slice %arg2[%dma_wait3A_243, %dma_wait3A_249] : memref<64x1600000xf32, #tpu.memory_space<hbm>> -> memref<1x2000xf32, #tpu.memory_space<hbm>>
        %dma_wait3A_251 = tpu.memref_squeeze %dma_wait3A_250 : memref<1x2000xf32, #tpu.memory_space<hbm>> -> memref<2000xf32, #tpu.memory_space<hbm>>
        %dma_wait3A_252 = arith.constant 0 : i32
        %dma_wait3A_253 = tpu.memref_slice %arg7[%dma_wait3A_244, %dma_wait3A_245, %dma_wait3A_252] : memref<2x4x2000xf32, #tpu.memory_space<vmem>> -> memref<1x1x2000xf32, #tpu.memory_space<vmem>>
        %dma_wait3A_254 = tpu.memref_squeeze %dma_wait3A_253 : memref<1x1x2000xf32, #tpu.memory_space<vmem>> -> memref<2000xf32, #tpu.memory_space<vmem>>
        %dma_wait3A_255 = arith.constant 0 : i32
        %dma_wait3A_256 = tpu.memref_slice %arg2[%dma_wait3A_243, %dma_wait3A_255] : memref<64x1600000xf32, #tpu.memory_space<hbm>> -> memref<1x2000xf32, #tpu.memory_space<hbm>>
        %dma_wait3A_257 = tpu.memref_squeeze %dma_wait3A_256 : memref<1x2000xf32, #tpu.memory_space<hbm>> -> memref<2000xf32, #tpu.memory_space<hbm>>
        tpu.wait_dma2 semaphore(%arg9 : memref<!tpu.dma_semaphore, #tpu.memory_space<semaphore_mem>>) src(%dma_wait3A_257 : memref<2000xf32, #tpu.memory_space<hbm>>) dst(%dma_wait3A_254 : memref<2000xf32, #tpu.memory_space<vmem>>)
        %dma_wait3A_258 = arith.constant 0 : i32
        %dma_wait3A_259 = arith.constant 1 : i32
        %dma_wait3A_260 = arith.constant 3 : i32
        %dma_wait3A_261 = arith.constant 0 : i32
        %dma_wait3A_262 = tpu.memref_slice %arg7[%dma_wait3A_259, %dma_wait3A_260, %dma_wait3A_261] : memref<2x4x2000xf32, #tpu.memory_space<vmem>> -> memref<1x1x2000xf32, #tpu.memory_space<vmem>>
        %dma_wait3A_263 = tpu.memref_squeeze %dma_wait3A_262 : memref<1x1x2000xf32, #tpu.memory_space<vmem>> -> memref<2000xf32, #tpu.memory_space<vmem>>
        %dma_wait3A_264 = arith.constant 0 : i32
        %dma_wait3A_265 = tpu.memref_slice %arg2[%dma_wait3A_258, %dma_wait3A_264] : memref<64x1600000xf32, #tpu.memory_space<hbm>> -> memref<1x2000xf32, #tpu.memory_space<hbm>>
        %dma_wait3A_266 = tpu.memref_squeeze %dma_wait3A_265 : memref<1x2000xf32, #tpu.memory_space<hbm>> -> memref<2000xf32, #tpu.memory_space<hbm>>
        %dma_wait3A_267 = arith.constant 0 : i32
        %dma_wait3A_268 = tpu.memref_slice %arg7[%dma_wait3A_259, %dma_wait3A_260, %dma_wait3A_267] : memref<2x4x2000xf32, #tpu.memory_space<vmem>> -> memref<1x1x2000xf32, #tpu.memory_space<vmem>>
        %dma_wait3A_269 = tpu.memref_squeeze %dma_wait3A_268 : memref<1x1x2000xf32, #tpu.memory_space<vmem>> -> memref<2000xf32, #tpu.memory_space<vmem>>
        %dma_wait3A_270 = arith.constant 0 : i32
        %dma_wait3A_271 = tpu.memref_slice %arg2[%dma_wait3A_258, %dma_wait3A_270] : memref<64x1600000xf32, #tpu.memory_space<hbm>> -> memref<1x2000xf32, #tpu.memory_space<hbm>>
        %dma_wait3A_272 = tpu.memref_squeeze %dma_wait3A_271 : memref<1x2000xf32, #tpu.memory_space<hbm>> -> memref<2000xf32, #tpu.memory_space<hbm>>
        tpu.wait_dma2 semaphore(%arg9 : memref<!tpu.dma_semaphore, #tpu.memory_space<semaphore_mem>>) src(%dma_wait3A_272 : memref<2000xf32, #tpu.memory_space<hbm>>) dst(%dma_wait3A_269 : memref<2000xf32, #tpu.memory_space<vmem>>)
        %broadcast_in_dim3A_273 = arith.constant 0 : i32
        %broadcast_in_dim3A_274 = vector.broadcast %broadcast_in_dim3A_273 : i32 to vector<16xi32>
        %scan3A_275 = arith.constant 0 : i32
        %scan3A_276 = arith.constant 125 : i32
        %scan3A_277 = arith.addi %scan3A_275, %scan3A_276 : i32
        %scan3A_278 = arith.constant 1 : i32
        %scan3A_279 = scf.for %scan3A_298 = %scan3A_275 to %scan3A_277 step %scan3A_278 iter_args(%scan3A_299 = %broadcast_in_dim3A_274) -> (vector<16xi32>)  : i32 {
          %mul3A_300 = arith.constant 16 : i32
          %mul3A_301 = arith.muli %scan3A_298, %mul3A_300 : i32
          %get3A = arith.constant 1 : i32
          %get3A_302 = arith.index_cast %get3A : i32 to index
          %get3A_303 = arith.index_cast %mul3A_301 : i32 to index
          %get3A_304 = tpu.vector_load %arg6[%get3A_302, %get3A_303] {strides = array<i32>} : memref<2x2000xi32, #tpu.memory_space<vmem>>, vector<16xi32>,
          %mul3A_305 = arith.constant 4 : i32
          %mul3A_306 = vector.broadcast %mul3A_305 : i32 to vector<16xi32>
          %mul3A_307 = arith.muli %get3A_304, %mul3A_306 : vector<16xi32>
          %add3A_308 = arith.constant 0 : i32
          %add3A_309 = vector.broadcast %add3A_308 : i32 to vector<16xi32>
          %add3A_310 = arith.addi %mul3A_307, %add3A_309 : vector<16xi32>
          %mul3A_311 = arith.constant 16 : i32
          %mul3A_312 = arith.muli %scan3A_298, %mul3A_311 : i32
          %get3A_313 = arith.constant 1 : i32
          %get3A_314 = arith.constant 0 : i32
          %get3A_315 = arith.index_cast %get3A_313 : i32 to index
          %get3A_316 = arith.index_cast %get3A_314 : i32 to index
          %get3A_317 = arith.index_cast %mul3A_312 : i32 to index
          %get3A_318 = tpu.vector_load %arg7[%get3A_315, %get3A_316, %get3A_317] {strides = array<i32>} : memref<2x4x2000xf32, #tpu.memory_space<vmem>>, vector<16xf32>,
          %gather3A = tpu.vector_load_idx %arg5[%add3A_310] : memref<100000xf32, #tpu.memory_space<vmem>>[vector<16xi32>], vector<16xf32>,
          %max3A = arith.maximumf %get3A_318, %gather3A : vector<16xf32>
          tpu.vector_store_idx %arg5[%add3A_310], %max3A : memref<100000xf32, #tpu.memory_space<vmem>>[vector<16xi32>], vector<16xf32>,
          %gather3A_319 = tpu.vector_load_idx %arg5[%add3A_310] : memref<100000xf32, #tpu.memory_space<vmem>>[vector<16xi32>], vector<16xf32>,
          %gt3A_320 = arith.cmpf ogt, %get3A_318, %gather3A_319 : vector<16xf32>
          %convert_element_type3A_321 = arith.extui %gt3A_320 : vector<16xi1> to vector<16xi32>
          %or3A = arith.ori %scan3A_299, %convert_element_type3A_321 : vector<16xi32>
          %add3A_322 = arith.constant 1 : i32
          %add3A_323 = vector.broadcast %add3A_322 : i32 to vector<16xi32>
          %add3A_324 = arith.addi %mul3A_307, %add3A_323 : vector<16xi32>
          %mul3A_325 = arith.constant 16 : i32
          %mul3A_326 = arith.muli %scan3A_298, %mul3A_325 : i32
          %get3A_327 = arith.constant 1 : i32
          %get3A_328 = arith.constant 1 : i32
          %get3A_329 = arith.index_cast %get3A_327 : i32 to index
          %get3A_330 = arith.index_cast %get3A_328 : i32 to index
          %get3A_331 = arith.index_cast %mul3A_326 : i32 to index
          %get3A_332 = tpu.vector_load %arg7[%get3A_329, %get3A_330, %get3A_331] {strides = array<i32>} : memref<2x4x2000xf32, #tpu.memory_space<vmem>>, vector<16xf32>,
          %gather3A_333 = tpu.vector_load_idx %arg5[%add3A_324] : memref<100000xf32, #tpu.memory_space<vmem>>[vector<16xi32>], vector<16xf32>,
          %max3A_334 = arith.maximumf %get3A_332, %gather3A_333 : vector<16xf32>
          tpu.vector_store_idx %arg5[%add3A_324], %max3A_334 : memref<100000xf32, #tpu.memory_space<vmem>>[vector<16xi32>], vector<16xf32>,
          %gather3A_335 = tpu.vector_load_idx %arg5[%add3A_324] : memref<100000xf32, #tpu.memory_space<vmem>>[vector<16xi32>], vector<16xf32>,
          %gt3A_336 = arith.cmpf ogt, %get3A_332, %gather3A_335 : vector<16xf32>
          %convert_element_type3A_337 = arith.extui %gt3A_336 : vector<16xi1> to vector<16xi32>
          %or3A_338 = arith.ori %or3A, %convert_element_type3A_337 : vector<16xi32>
          %add3A_339 = arith.constant 2 : i32
          %add3A_340 = vector.broadcast %add3A_339 : i32 to vector<16xi32>
          %add3A_341 = arith.addi %mul3A_307, %add3A_340 : vector<16xi32>
          %mul3A_342 = arith.constant 16 : i32
          %mul3A_343 = arith.muli %scan3A_298, %mul3A_342 : i32
          %get3A_344 = arith.constant 1 : i32
          %get3A_345 = arith.constant 2 : i32
          %get3A_346 = arith.index_cast %get3A_344 : i32 to index
          %get3A_347 = arith.index_cast %get3A_345 : i32 to index
          %get3A_348 = arith.index_cast %mul3A_343 : i32 to index
          %get3A_349 = tpu.vector_load %arg7[%get3A_346, %get3A_347, %get3A_348] {strides = array<i32>} : memref<2x4x2000xf32, #tpu.memory_space<vmem>>, vector<16xf32>,
          %gather3A_350 = tpu.vector_load_idx %arg5[%add3A_341] : memref<100000xf32, #tpu.memory_space<vmem>>[vector<16xi32>], vector<16xf32>,
          %max3A_351 = arith.maximumf %get3A_349, %gather3A_350 : vector<16xf32>
          tpu.vector_store_idx %arg5[%add3A_341], %max3A_351 : memref<100000xf32, #tpu.memory_space<vmem>>[vector<16xi32>], vector<16xf32>,
          %gather3A_352 = tpu.vector_load_idx %arg5[%add3A_341] : memref<100000xf32, #tpu.memory_space<vmem>>[vector<16xi32>], vector<16xf32>,
          %gt3A_353 = arith.cmpf ogt, %get3A_349, %gather3A_352 : vector<16xf32>
          %convert_element_type3A_354 = arith.extui %gt3A_353 : vector<16xi1> to vector<16xi32>
          %or3A_355 = arith.ori %or3A_338, %convert_element_type3A_354 : vector<16xi32>
          %add3A_356 = arith.constant 3 : i32
          %add3A_357 = vector.broadcast %add3A_356 : i32 to vector<16xi32>
          %add3A_358 = arith.addi %mul3A_307, %add3A_357 : vector<16xi32>
          %mul3A_359 = arith.constant 16 : i32
          %mul3A_360 = arith.muli %scan3A_298, %mul3A_359 : i32
          %get3A_361 = arith.constant 1 : i32
          %get3A_362 = arith.constant 3 : i32
          %get3A_363 = arith.index_cast %get3A_361 : i32 to index
          %get3A_364 = arith.index_cast %get3A_362 : i32 to index
          %get3A_365 = arith.index_cast %mul3A_360 : i32 to index
          %get3A_366 = tpu.vector_load %arg7[%get3A_363, %get3A_364, %get3A_365] {strides = array<i32>} : memref<2x4x2000xf32, #tpu.memory_space<vmem>>, vector<16xf32>,
          %gather3A_367 = tpu.vector_load_idx %arg5[%add3A_358] : memref<100000xf32, #tpu.memory_space<vmem>>[vector<16xi32>], vector<16xf32>,
          %max3A_368 = arith.maximumf %get3A_366, %gather3A_367 : vector<16xf32>
          tpu.vector_store_idx %arg5[%add3A_358], %max3A_368 : memref<100000xf32, #tpu.memory_space<vmem>>[vector<16xi32>], vector<16xf32>,
          %gather3A_369 = tpu.vector_load_idx %arg5[%add3A_358] : memref<100000xf32, #tpu.memory_space<vmem>>[vector<16xi32>], vector<16xf32>,
          %gt3A_370 = arith.cmpf ogt, %get3A_366, %gather3A_369 : vector<16xf32>
          %convert_element_type3A_371 = arith.extui %gt3A_370 : vector<16xi1> to vector<16xi32>
          %or3A_372 = arith.ori %or3A_355, %convert_element_type3A_371 : vector<16xi32>
          scf.yield %or3A_372 : vector<16xi32>
        }
        %scan3A_280 = arith.constant 125 : i32
        %gt3A_281 = arith.constant 0 : i32
        %gt3A_282 = vector.broadcast %gt3A_281 : i32 to vector<16xi32>
        %gt3A_283 = arith.cmpi sgt, %scan3A_279, %gt3A_282 : vector<16xi32>
        %reduce_or3A_284 = arith.constant 1.000000e+00 : f32
        %reduce_or3A_285 = arith.constant 0.000000e+00 : f32
        %reduce_or3A_286 = vector.broadcast %reduce_or3A_284 : f32 to vector<16xf32>
        %reduce_or3A_287 = vector.broadcast %reduce_or3A_285 : f32 to vector<16xf32>
        %reduce_or3A_288 = arith.select %gt3A_283, %reduce_or3A_286, %reduce_or3A_287 : vector<16xi1>, vector<16xf32>
        %reduce_or3A_289 = arith.constant true
        %reduce_or3A_290 = vector.broadcast %reduce_or3A_289 : i1 to vector<16xi1>
        %reduce_or3A_291 = tpu.scan <max>, %reduce_or3A_288 masked %reduce_or3A_290 : vector<16xf32>, vector<16xi1> -> vector<16xf32>
        %reduce_or3A_292 = vector.extract %reduce_or3A_291[15] : f32 from vector<16xf32>
        %reduce_or3A_293 = arith.constant 0.000000e+00 : f32
        %reduce_or3A_294 = arith.cmpf ogt, %reduce_or3A_292, %reduce_or3A_293 : f32
        %convert_element_type3A_295 = arith.extui %reduce_or3A_294 : i1 to i32
        %cond3A_296 = arith.constant 0 : i32
        %cond3A_297 = arith.cmpi ne, %convert_element_type3A_295, %cond3A_296 : i32
        scf.if %cond3A_297 {
          %scan3A_298 = arith.constant 0 : i32
          %scan3A_299 = arith.constant 0 : i32
          %scan3A_300 = arith.constant 125 : i32
          %scan3A_301 = arith.addi %scan3A_299, %scan3A_300 : i32
          %scan3A_302 = arith.constant 1 : i32
          %scan3A_303 = scf.for %scan3A_305 = %scan3A_299 to %scan3A_301 step %scan3A_302 iter_args(%scan3A_306 = %scan3A_298) -> (i32)  : i32 {
            %mul3A_307 = arith.constant 16 : i32
            %mul3A_308 = arith.muli %scan3A_305, %mul3A_307 : i32
            %get3A = arith.constant 1 : i32
            %get3A_309 = arith.index_cast %get3A : i32 to index
            %get3A_310 = arith.index_cast %mul3A_308 : i32 to index
            %get3A_311 = tpu.vector_load %arg6[%get3A_309, %get3A_310] {strides = array<i32>} : memref<2x2000xi32, #tpu.memory_space<vmem>>, vector<16xi32>,
            %mul3A_312 = arith.constant 4 : i32
            %mul3A_313 = vector.broadcast %mul3A_312 : i32 to vector<16xi32>
            %mul3A_314 = arith.muli %get3A_311, %mul3A_313 : vector<16xi32>
            %add3A_315 = arith.constant 0 : i32
            %add3A_316 = vector.broadcast %add3A_315 : i32 to vector<16xi32>
            %add3A_317 = arith.addi %mul3A_314, %add3A_316 : vector<16xi32>
            %mul3A_318 = arith.constant 16 : i32
            %mul3A_319 = arith.muli %scan3A_305, %mul3A_318 : i32
            %get3A_320 = arith.constant 1 : i32
            %get3A_321 = arith.constant 0 : i32
            %get3A_322 = arith.index_cast %get3A_320 : i32 to index
            %get3A_323 = arith.index_cast %get3A_321 : i32 to index
            %get3A_324 = arith.index_cast %mul3A_319 : i32 to index
            %get3A_325 = tpu.vector_load %arg7[%get3A_322, %get3A_323, %get3A_324] {strides = array<i32>} : memref<2x4x2000xf32, #tpu.memory_space<vmem>>, vector<16xf32>,
            %gather3A = tpu.vector_load_idx %arg5[%add3A_317] : memref<100000xf32, #tpu.memory_space<vmem>>[vector<16xi32>], vector<16xf32>,
            %gt3A_326 = arith.cmpf ogt, %get3A_325, %gather3A : vector<16xf32>
            %while3A = scf.while (%while3A_370 = %gt3A_326) : (vector<16xi1>) -> vector<16xi1> {
              %reduce_or3A_371 = arith.constant 1.000000e+00 : f32
              %reduce_or3A_372 = arith.constant 0.000000e+00 : f32
              %reduce_or3A_373 = vector.broadcast %reduce_or3A_371 : f32 to vector<16xf32>
              %reduce_or3A_374 = vector.broadcast %reduce_or3A_372 : f32 to vector<16xf32>
              %reduce_or3A_375 = arith.select %while3A_370, %reduce_or3A_373, %reduce_or3A_374 : vector<16xi1>, vector<16xf32>
              %reduce_or3A_376 = arith.constant true
              %reduce_or3A_377 = vector.broadcast %reduce_or3A_376 : i1 to vector<16xi1>
              %reduce_or3A_378 = tpu.scan <max>, %reduce_or3A_375 masked %reduce_or3A_377 : vector<16xf32>, vector<16xi1> -> vector<16xf32>
              %reduce_or3A_379 = vector.extract %reduce_or3A_378[15] : f32 from vector<16xf32>
              %reduce_or3A_380 = arith.constant 0.000000e+00 : f32
              %reduce_or3A_381 = arith.cmpf ogt, %reduce_or3A_379, %reduce_or3A_380 : f32
              scf.condition(%reduce_or3A_381) %while3A_370 : vector<16xi1>
            } do {
            ^bb0(%while3A_370: vector<16xi1>):
              tpu.vector_store_idx %arg5[%add3A_317], %get3A_325 masked %while3A_370 : memref<100000xf32, #tpu.memory_space<vmem>>[vector<16xi32>], vector<16xf32>, vector<16xi1>
              %gather3A_371 = tpu.vector_load_idx %arg5[%add3A_317] : memref<100000xf32, #tpu.memory_space<vmem>>[vector<16xi32>], vector<16xf32>,
              %gt3A_372 = arith.cmpf ogt, %get3A_325, %gather3A_371 : vector<16xf32>
              scf.yield %gt3A_372 : vector<16xi1>
            }
            %add3A_327 = arith.constant 1 : i32
            %add3A_328 = vector.broadcast %add3A_327 : i32 to vector<16xi32>
            %add3A_329 = arith.addi %mul3A_314, %add3A_328 : vector<16xi32>
            %mul3A_330 = arith.constant 16 : i32
            %mul3A_331 = arith.muli %scan3A_305, %mul3A_330 : i32
            %get3A_332 = arith.constant 1 : i32
            %get3A_333 = arith.constant 1 : i32
            %get3A_334 = arith.index_cast %get3A_332 : i32 to index
            %get3A_335 = arith.index_cast %get3A_333 : i32 to index
            %get3A_336 = arith.index_cast %mul3A_331 : i32 to index
            %get3A_337 = tpu.vector_load %arg7[%get3A_334, %get3A_335, %get3A_336] {strides = array<i32>} : memref<2x4x2000xf32, #tpu.memory_space<vmem>>, vector<16xf32>,
            %gather3A_338 = tpu.vector_load_idx %arg5[%add3A_329] : memref<100000xf32, #tpu.memory_space<vmem>>[vector<16xi32>], vector<16xf32>,
            %gt3A_339 = arith.cmpf ogt, %get3A_337, %gather3A_338 : vector<16xf32>
            %while3A_340 = scf.while (%while3A_370 = %gt3A_339) : (vector<16xi1>) -> vector<16xi1> {
              %reduce_or3A_371 = arith.constant 1.000000e+00 : f32
              %reduce_or3A_372 = arith.constant 0.000000e+00 : f32
              %reduce_or3A_373 = vector.broadcast %reduce_or3A_371 : f32 to vector<16xf32>
              %reduce_or3A_374 = vector.broadcast %reduce_or3A_372 : f32 to vector<16xf32>
              %reduce_or3A_375 = arith.select %while3A_370, %reduce_or3A_373, %reduce_or3A_374 : vector<16xi1>, vector<16xf32>
              %reduce_or3A_376 = arith.constant true
              %reduce_or3A_377 = vector.broadcast %reduce_or3A_376 : i1 to vector<16xi1>
              %reduce_or3A_378 = tpu.scan <max>, %reduce_or3A_375 masked %reduce_or3A_377 : vector<16xf32>, vector<16xi1> -> vector<16xf32>
              %reduce_or3A_379 = vector.extract %reduce_or3A_378[15] : f32 from vector<16xf32>
              %reduce_or3A_380 = arith.constant 0.000000e+00 : f32
              %reduce_or3A_381 = arith.cmpf ogt, %reduce_or3A_379, %reduce_or3A_380 : f32
              scf.condition(%reduce_or3A_381) %while3A_370 : vector<16xi1>
            } do {
            ^bb0(%while3A_370: vector<16xi1>):
              tpu.vector_store_idx %arg5[%add3A_329], %get3A_337 masked %while3A_370 : memref<100000xf32, #tpu.memory_space<vmem>>[vector<16xi32>], vector<16xf32>, vector<16xi1>
              %gather3A_371 = tpu.vector_load_idx %arg5[%add3A_329] : memref<100000xf32, #tpu.memory_space<vmem>>[vector<16xi32>], vector<16xf32>,
              %gt3A_372 = arith.cmpf ogt, %get3A_337, %gather3A_371 : vector<16xf32>
              scf.yield %gt3A_372 : vector<16xi1>
            }
            %add3A_341 = arith.constant 2 : i32
            %add3A_342 = vector.broadcast %add3A_341 : i32 to vector<16xi32>
            %add3A_343 = arith.addi %mul3A_314, %add3A_342 : vector<16xi32>
            %mul3A_344 = arith.constant 16 : i32
            %mul3A_345 = arith.muli %scan3A_305, %mul3A_344 : i32
            %get3A_346 = arith.constant 1 : i32
            %get3A_347 = arith.constant 2 : i32
            %get3A_348 = arith.index_cast %get3A_346 : i32 to index
            %get3A_349 = arith.index_cast %get3A_347 : i32 to index
            %get3A_350 = arith.index_cast %mul3A_345 : i32 to index
            %get3A_351 = tpu.vector_load %arg7[%get3A_348, %get3A_349, %get3A_350] {strides = array<i32>} : memref<2x4x2000xf32, #tpu.memory_space<vmem>>, vector<16xf32>,
            %gather3A_352 = tpu.vector_load_idx %arg5[%add3A_343] : memref<100000xf32, #tpu.memory_space<vmem>>[vector<16xi32>], vector<16xf32>,
            %gt3A_353 = arith.cmpf ogt, %get3A_351, %gather3A_352 : vector<16xf32>
            %while3A_354 = scf.while (%while3A_370 = %gt3A_353) : (vector<16xi1>) -> vector<16xi1> {
              %reduce_or3A_371 = arith.constant 1.000000e+00 : f32
              %reduce_or3A_372 = arith.constant 0.000000e+00 : f32
              %reduce_or3A_373 = vector.broadcast %reduce_or3A_371 : f32 to vector<16xf32>
              %reduce_or3A_374 = vector.broadcast %reduce_or3A_372 : f32 to vector<16xf32>
              %reduce_or3A_375 = arith.select %while3A_370, %reduce_or3A_373, %reduce_or3A_374 : vector<16xi1>, vector<16xf32>
              %reduce_or3A_376 = arith.constant true
              %reduce_or3A_377 = vector.broadcast %reduce_or3A_376 : i1 to vector<16xi1>
              %reduce_or3A_378 = tpu.scan <max>, %reduce_or3A_375 masked %reduce_or3A_377 : vector<16xf32>, vector<16xi1> -> vector<16xf32>
              %reduce_or3A_379 = vector.extract %reduce_or3A_378[15] : f32 from vector<16xf32>
              %reduce_or3A_380 = arith.constant 0.000000e+00 : f32
              %reduce_or3A_381 = arith.cmpf ogt, %reduce_or3A_379, %reduce_or3A_380 : f32
              scf.condition(%reduce_or3A_381) %while3A_370 : vector<16xi1>
            } do {
            ^bb0(%while3A_370: vector<16xi1>):
              tpu.vector_store_idx %arg5[%add3A_343], %get3A_351 masked %while3A_370 : memref<100000xf32, #tpu.memory_space<vmem>>[vector<16xi32>], vector<16xf32>, vector<16xi1>
              %gather3A_371 = tpu.vector_load_idx %arg5[%add3A_343] : memref<100000xf32, #tpu.memory_space<vmem>>[vector<16xi32>], vector<16xf32>,
              %gt3A_372 = arith.cmpf ogt, %get3A_351, %gather3A_371 : vector<16xf32>
              scf.yield %gt3A_372 : vector<16xi1>
            }
            %add3A_355 = arith.constant 3 : i32
            %add3A_356 = vector.broadcast %add3A_355 : i32 to vector<16xi32>
            %add3A_357 = arith.addi %mul3A_314, %add3A_356 : vector<16xi32>
            %mul3A_358 = arith.constant 16 : i32
            %mul3A_359 = arith.muli %scan3A_305, %mul3A_358 : i32
            %get3A_360 = arith.constant 1 : i32
            %get3A_361 = arith.constant 3 : i32
            %get3A_362 = arith.index_cast %get3A_360 : i32 to index
            %get3A_363 = arith.index_cast %get3A_361 : i32 to index
            %get3A_364 = arith.index_cast %mul3A_359 : i32 to index
            %get3A_365 = tpu.vector_load %arg7[%get3A_362, %get3A_363, %get3A_364] {strides = array<i32>} : memref<2x4x2000xf32, #tpu.memory_space<vmem>>, vector<16xf32>,
            %gather3A_366 = tpu.vector_load_idx %arg5[%add3A_357] : memref<100000xf32, #tpu.memory_space<vmem>>[vector<16xi32>], vector<16xf32>,
            %gt3A_367 = arith.cmpf ogt, %get3A_365, %gather3A_366 : vector<16xf32>
            %while3A_368 = scf.while (%while3A_370 = %gt3A_367) : (vector<16xi1>) -> vector<16xi1> {
              %reduce_or3A_371 = arith.constant 1.000000e+00 : f32
              %reduce_or3A_372 = arith.constant 0.000000e+00 : f32
              %reduce_or3A_373 = vector.broadcast %reduce_or3A_371 : f32 to vector<16xf32>
              %reduce_or3A_374 = vector.broadcast %reduce_or3A_372 : f32 to vector<16xf32>
              %reduce_or3A_375 = arith.select %while3A_370, %reduce_or3A_373, %reduce_or3A_374 : vector<16xi1>, vector<16xf32>
              %reduce_or3A_376 = arith.constant true
              %reduce_or3A_377 = vector.broadcast %reduce_or3A_376 : i1 to vector<16xi1>
              %reduce_or3A_378 = tpu.scan <max>, %reduce_or3A_375 masked %reduce_or3A_377 : vector<16xf32>, vector<16xi1> -> vector<16xf32>
              %reduce_or3A_379 = vector.extract %reduce_or3A_378[15] : f32 from vector<16xf32>
              %reduce_or3A_380 = arith.constant 0.000000e+00 : f32
              %reduce_or3A_381 = arith.cmpf ogt, %reduce_or3A_379, %reduce_or3A_380 : f32
              scf.condition(%reduce_or3A_381) %while3A_370 : vector<16xi1>
            } do {
            ^bb0(%while3A_370: vector<16xi1>):
              tpu.vector_store_idx %arg5[%add3A_357], %get3A_365 masked %while3A_370 : memref<100000xf32, #tpu.memory_space<vmem>>[vector<16xi32>], vector<16xf32>, vector<16xi1>
              %gather3A_371 = tpu.vector_load_idx %arg5[%add3A_357] : memref<100000xf32, #tpu.memory_space<vmem>>[vector<16xi32>], vector<16xf32>,
              %gt3A_372 = arith.cmpf ogt, %get3A_365, %gather3A_371 : vector<16xf32>
              scf.yield %gt3A_372 : vector<16xi1>
            }
            %scan3A_369 = arith.constant 0 : i32
            scf.yield %scan3A_369 : i32
          }
          %scan3A_304 = arith.constant 125 : i32
        } else {
        }
      } else {
      }
      %scan3A_201 = arith.constant 0 : i32
      scf.yield %scan3A_201 : i32
    }
    %scan3A_86 = arith.constant 200 : i32
    "tpu.region"() ({
      %run_scoped3A = tpu.sem_alloc : memref<!tpu.dma_semaphore, #tpu.memory_space<semaphore_mem>>
      %dma_start3A_87 = arith.constant 0 : i32
      %dma_start3A_88 = tpu.memref_slice %arg4[%arg0, %arg1, %dma_start3A_87] : memref<2x16x100000xf32, #tpu.memory_space<hbm>> -> memref<1x1x100000xf32, #tpu.memory_space<hbm>>
      %dma_start3A_89 = tpu.memref_squeeze %dma_start3A_88 : memref<1x1x100000xf32, #tpu.memory_space<hbm>> -> memref<100000xf32, #tpu.memory_space<hbm>>
      %dma_start3A_90 = arith.constant 0 : i32
      %dma_start3A_91 = tpu.memref_slice %arg4[%arg0, %arg1, %dma_start3A_90] : memref<2x16x100000xf32, #tpu.memory_space<hbm>> -> memref<1x1x100000xf32, #tpu.memory_space<hbm>>
      %dma_start3A_92 = tpu.memref_squeeze %dma_start3A_91 : memref<1x1x100000xf32, #tpu.memory_space<hbm>> -> memref<100000xf32, #tpu.memory_space<hbm>>
      tpu.enqueue_dma source(%arg5 : memref<100000xf32, #tpu.memory_space<vmem>>) target(%dma_start3A_92 : memref<100000xf32, #tpu.memory_space<hbm>>) target_semaphore(%run_scoped3A : memref<!tpu.dma_semaphore, #tpu.memory_space<semaphore_mem>>)
      %dma_wait3A = arith.constant 0 : i32
      %dma_wait3A_93 = tpu.memref_slice %arg4[%arg0, %arg1, %dma_wait3A] : memref<2x16x100000xf32, #tpu.memory_space<hbm>> -> memref<1x1x100000xf32, #tpu.memory_space<hbm>>
      %dma_wait3A_94 = tpu.memref_squeeze %dma_wait3A_93 : memref<1x1x100000xf32, #tpu.memory_space<hbm>> -> memref<100000xf32, #tpu.memory_space<hbm>>
      %dma_wait3A_95 = arith.constant 0 : i32
      %dma_wait3A_96 = tpu.memref_slice %arg4[%arg0, %arg1, %dma_wait3A_95] : memref<2x16x100000xf32, #tpu.memory_space<hbm>> -> memref<1x1x100000xf32, #tpu.memory_space<hbm>>
      %dma_wait3A_97 = tpu.memref_squeeze %dma_wait3A_96 : memref<1x1x100000xf32, #tpu.memory_space<hbm>> -> memref<100000xf32, #tpu.memory_space<hbm>>
      tpu.wait_dma2 semaphore(%run_scoped3A : memref<!tpu.dma_semaphore, #tpu.memory_space<semaphore_mem>>) src(%arg5 : memref<100000xf32, #tpu.memory_space<vmem>>) dst(%dma_wait3A_97 : memref<100000xf32, #tpu.memory_space<hbm>>)
      tpu.yield
    }) : () -> ()
    return
  }
}

module attributes {stable_mosaic.version = 14 : i64} {
  func.func @_stats1_body(%arg0: i32, %arg1: memref<12800x16xf32, #tpu.memory_space<vmem>>, %arg2: memref<16x32xf32, #tpu.memory_space<vmem>>, %arg3: memref<1x32xf32, #tpu.memory_space<vmem>>, %arg4: memref<8x32xf32, #tpu.memory_space<vmem>>) attributes {dimension_semantics = [#tpu.dimension_semantics<arbitrary>], iteration_bounds = array<i64: 125>, scalar_prefetch = 0 : i64, scratch_operands = 0 : i64, tpu.core_type = #tpu.core_type<tc>, window_params = [{transform_indices = @transform_0, window_bounds = array<i64: 12800, 16>}, {pipeline_mode = #tpu.pipeline_mode<synchronous>, transform_indices = @transform_1, window_bounds = array<i64: 16, 32>}, {pipeline_mode = #tpu.pipeline_mode<synchronous>, transform_indices = @transform_2, window_bounds = array<i64: 1, 32>}, {pipeline_mode = #tpu.pipeline_mode<synchronous>, transform_indices = @transform_3, window_bounds = array<i64: 8, 32>}]} {
    %get3A = arith.constant 0 : index
    %get3A_0 = arith.constant 0 : index
    %get3A_1 = vector.load %arg1[%get3A, %get3A_0] : memref<12800x16xf32, #tpu.memory_space<vmem>>, vector<12800x16xf32>
    %convert_element_type3A = arith.truncf %get3A_1 : vector<12800x16xf32> to vector<12800x16xbf16>
    %get3A_2 = arith.constant 0 : index
    %get3A_3 = arith.constant 0 : index
    %get3A_4 = vector.load %arg2[%get3A_2, %get3A_3] : memref<16x32xf32, #tpu.memory_space<vmem>>, vector<16x32xf32>
    %convert_element_type3A_5 = arith.truncf %get3A_4 : vector<16x32xf32> to vector<16x32xbf16>
    %dot_general3A = arith.constant dense<0.000000e+00> : vector<12800x32xf32>
    %dot_general3A_6 = tpu.matmul %convert_element_type3A, %convert_element_type3A_5, %dot_general3A {dimension_numbers = #tpu.dot_dimension_numbers<[1], [0], [0], [1], [0, 0, 1, 1], [], []>, transpose_lhs_hint = false} : vector<12800x16xbf16>, vector<16x32xbf16>, vector<12800x32xf32> -> vector<12800x32xf32>
    %get3A_7 = arith.constant 0 : index
    %get3A_8 = arith.constant 0 : index
    %get3A_9 = vector.load %arg3[%get3A_7, %get3A_8] : memref<1x32xf32, #tpu.memory_space<vmem>>, vector<1x32xf32>
    %add3A = vector.broadcast %get3A_9 : vector<1x32xf32> to vector<12800x32xf32>
    %add3A_10 = arith.addf %dot_general3A_6, %add3A : vector<12800x32xf32>
    %max3A = arith.constant 0.000000e+00 : f32
    %max3A_11 = vector.broadcast %max3A : f32 to vector<12800x32xf32>
    %max3A_12 = arith.maximumf %add3A_10, %max3A_11 : vector<12800x32xf32>
    %reduce_sum3A = arith.constant dense<0.000000e+00> : vector<32xf32>
    %reduce_sum3A_13 = vector.multi_reduction <add>, %max3A_12, %reduce_sum3A [0] : vector<12800x32xf32> to vector<32xf32>
    %mul3A = arith.mulf %max3A_12, %max3A_12 : vector<12800x32xf32>
    %reduce_sum3A_14 = arith.constant dense<0.000000e+00> : vector<32xf32>
    %reduce_sum3A_15 = vector.multi_reduction <add>, %mul3A, %reduce_sum3A_14 [0] : vector<12800x32xf32> to vector<32xf32>
    %broadcast_in_dim3A = vector.shape_cast %reduce_sum3A_13 : vector<32xf32> to vector<1x32xf32>
    %broadcast_in_dim3A_16 = vector.shape_cast %reduce_sum3A_15 : vector<32xf32> to vector<1x32xf32>
    %broadcast_in_dim3A_17 = arith.constant 0.000000e+00 : f32
    %broadcast_in_dim3A_18 = vector.broadcast %broadcast_in_dim3A_17 : f32 to vector<6x32xf32>
    %concatenate3A = tpu.concatenate %broadcast_in_dim3A, %broadcast_in_dim3A_16, %broadcast_in_dim3A_18 in 0 : vector<1x32xf32>, vector<1x32xf32>, vector<6x32xf32> -> vector<8x32xf32>
    %eq3A = arith.constant 0 : i32
    %eq3A_19 = arith.cmpi eq, %arg0, %eq3A : i32
    %convert_element_type3A_20 = arith.extui %eq3A_19 : i1 to i32
    %cond3A = arith.constant 0 : i32
    %cond3A_21 = arith.cmpi ne, %convert_element_type3A_20, %cond3A : i32
    scf.if %cond3A_21 {
      %broadcast_in_dim3A_28 = arith.constant 0.000000e+00 : f32
      %broadcast_in_dim3A_29 = vector.broadcast %broadcast_in_dim3A_28 : f32 to vector<8x32xf32>
      %swap3A_30 = arith.constant 0 : index
      %swap3A_31 = arith.constant 0 : index
      %swap3A_32 = vector.load %arg4[%swap3A_30, %swap3A_31] : memref<8x32xf32, #tpu.memory_space<vmem>>, vector<8x32xf32>
      tpu.vector_store %arg4[%swap3A_30, %swap3A_31], %broadcast_in_dim3A_29 {strides = array<i32>} : memref<8x32xf32, #tpu.memory_space<vmem>>, vector<8x32xf32>,
    } else {
    }
    %get3A_22 = arith.constant 0 : index
    %get3A_23 = arith.constant 0 : index
    %get3A_24 = vector.load %arg4[%get3A_22, %get3A_23] : memref<8x32xf32, #tpu.memory_space<vmem>>, vector<8x32xf32>
    %add3A_25 = arith.addf %get3A_24, %concatenate3A : vector<8x32xf32>
    %swap3A = arith.constant 0 : index
    %swap3A_26 = arith.constant 0 : index
    %swap3A_27 = vector.load %arg4[%swap3A, %swap3A_26] : memref<8x32xf32, #tpu.memory_space<vmem>>, vector<8x32xf32>
    tpu.vector_store %arg4[%swap3A, %swap3A_26], %add3A_25 {strides = array<i32>} : memref<8x32xf32, #tpu.memory_space<vmem>>, vector<8x32xf32>,
    return
  }
  func.func @transform_0(%arg0: i32) -> (i32, i32) {
    %c0_i32 = arith.constant 0 : i32
    %c0_i32_0 = arith.constant 0 : i32
    return %arg0, %c0_i32 : i32, i32
  }
  func.func @transform_1(%arg0: i32) -> (i32, i32) {
    %c0_i32 = arith.constant 0 : i32
    %c0_i32_0 = arith.constant 0 : i32
    %c0_i32_1 = arith.constant 0 : i32
    return %c0_i32, %c0_i32_0 : i32, i32
  }
  func.func @transform_2(%arg0: i32) -> (i32, i32) {
    %c0_i32 = arith.constant 0 : i32
    %c0_i32_0 = arith.constant 0 : i32
    %c0_i32_1 = arith.constant 0 : i32
    return %c0_i32, %c0_i32_0 : i32, i32
  }
  func.func @transform_3(%arg0: i32) -> (i32, i32) {
    %c0_i32 = arith.constant 0 : i32
    %c0_i32_0 = arith.constant 0 : i32
    %c0_i32_1 = arith.constant 0 : i32
    return %c0_i32, %c0_i32_0 : i32, i32
  }
}

module attributes {stable_mosaic.version = 14 : i64} {
  func.func @_h2_body(%arg0: i32, %arg1: memref<12800x16xf32, #tpu.memory_space<vmem>>, %arg2: memref<16x32xf32, #tpu.memory_space<vmem>>, %arg3: memref<1x32xf32, #tpu.memory_space<vmem>>, %arg4: memref<1x32xf32, #tpu.memory_space<vmem>>, %arg5: memref<1x32xf32, #tpu.memory_space<vmem>>, %arg6: memref<1x32xf32, #tpu.memory_space<vmem>>, %arg7: memref<1x32xf32, #tpu.memory_space<vmem>>, %arg8: memref<32x64xf32, #tpu.memory_space<vmem>>, %arg9: memref<1x64xf32, #tpu.memory_space<vmem>>, %arg10: memref<64x64xf32, #tpu.memory_space<vmem>>, %arg11: memref<64x12800xf32, #tpu.memory_space<vmem>>, %arg12: memref<8x64xf32, #tpu.memory_space<vmem>>) attributes {dimension_semantics = [#tpu.dimension_semantics<arbitrary>], iteration_bounds = array<i64: 125>, scalar_prefetch = 0 : i64, scratch_operands = 0 : i64, tpu.core_type = #tpu.core_type<tc>, window_params = [{transform_indices = @transform_0, window_bounds = array<i64: 12800, 16>}, {pipeline_mode = #tpu.pipeline_mode<synchronous>, transform_indices = @transform_1, window_bounds = array<i64: 16, 32>}, {pipeline_mode = #tpu.pipeline_mode<synchronous>, transform_indices = @transform_2, window_bounds = array<i64: 1, 32>}, {pipeline_mode = #tpu.pipeline_mode<synchronous>, transform_indices = @transform_3, window_bounds = array<i64: 1, 32>}, {pipeline_mode = #tpu.pipeline_mode<synchronous>, transform_indices = @transform_4, window_bounds = array<i64: 1, 32>}, {pipeline_mode = #tpu.pipeline_mode<synchronous>, transform_indices = @transform_5, window_bounds = array<i64: 1, 32>}, {pipeline_mode = #tpu.pipeline_mode<synchronous>, transform_indices = @transform_6, window_bounds = array<i64: 1, 32>}, {pipeline_mode = #tpu.pipeline_mode<synchronous>, transform_indices = @transform_7, window_bounds = array<i64: 32, 64>}, {pipeline_mode = #tpu.pipeline_mode<synchronous>, transform_indices = @transform_8, window_bounds = array<i64: 1, 64>}, {pipeline_mode = #tpu.pipeline_mode<synchronous>, transform_indices = @transform_9, window_bounds = array<i64: 64, 64>}, {transform_indices = @transform_10, window_bounds = array<i64: 64, 12800>}, {pipeline_mode = #tpu.pipeline_mode<synchronous>, transform_indices = @transform_11, window_bounds = array<i64: 8, 64>}]} {
    %get3A = arith.constant 0 : index
    %get3A_0 = arith.constant 0 : index
    %get3A_1 = vector.load %arg1[%get3A, %get3A_0] : memref<12800x16xf32, #tpu.memory_space<vmem>>, vector<12800x16xf32>
    %convert_element_type3A = arith.truncf %get3A_1 : vector<12800x16xf32> to vector<12800x16xbf16>
    %get3A_2 = arith.constant 0 : index
    %get3A_3 = arith.constant 0 : index
    %get3A_4 = vector.load %arg2[%get3A_2, %get3A_3] : memref<16x32xf32, #tpu.memory_space<vmem>>, vector<16x32xf32>
    %convert_element_type3A_5 = arith.truncf %get3A_4 : vector<16x32xf32> to vector<16x32xbf16>
    %dot_general3A = arith.constant dense<0.000000e+00> : vector<12800x32xf32>
    %dot_general3A_6 = tpu.matmul %convert_element_type3A, %convert_element_type3A_5, %dot_general3A {dimension_numbers = #tpu.dot_dimension_numbers<[1], [0], [0], [1], [0, 0, 1, 1], [], []>, transpose_lhs_hint = false} : vector<12800x16xbf16>, vector<16x32xbf16>, vector<12800x32xf32> -> vector<12800x32xf32>
    %get3A_7 = arith.constant 0 : index
    %get3A_8 = arith.constant 0 : index
    %get3A_9 = vector.load %arg3[%get3A_7, %get3A_8] : memref<1x32xf32, #tpu.memory_space<vmem>>, vector<1x32xf32>
    %add3A = vector.broadcast %get3A_9 : vector<1x32xf32> to vector<12800x32xf32>
    %add3A_10 = arith.addf %dot_general3A_6, %add3A : vector<12800x32xf32>
    %max3A = arith.constant 0.000000e+00 : f32
    %max3A_11 = vector.broadcast %max3A : f32 to vector<12800x32xf32>
    %max3A_12 = arith.maximumf %add3A_10, %max3A_11 : vector<12800x32xf32>
    %get3A_13 = arith.constant 0 : index
    %get3A_14 = arith.constant 0 : index
    %get3A_15 = vector.load %arg4[%get3A_13, %get3A_14] : memref<1x32xf32, #tpu.memory_space<vmem>>, vector<1x32xf32>
    %sub3A = vector.broadcast %get3A_15 : vector<1x32xf32> to vector<12800x32xf32>
    %sub3A_16 = arith.subf %max3A_12, %sub3A : vector<12800x32xf32>
    %get3A_17 = arith.constant 0 : index
    %get3A_18 = arith.constant 0 : index
    %get3A_19 = vector.load %arg5[%get3A_17, %get3A_18] : memref<1x32xf32, #tpu.memory_space<vmem>>, vector<1x32xf32>
    %div3A = vector.broadcast %get3A_19 : vector<1x32xf32> to vector<12800x32xf32>
    %div3A_20 = arith.divf %sub3A_16, %div3A : vector<12800x32xf32>
    %get3A_21 = arith.constant 0 : index
    %get3A_22 = arith.constant 0 : index
    %get3A_23 = vector.load %arg6[%get3A_21, %get3A_22] : memref<1x32xf32, #tpu.memory_space<vmem>>, vector<1x32xf32>
    %mul3A = vector.broadcast %get3A_23 : vector<1x32xf32> to vector<12800x32xf32>
    %mul3A_24 = arith.mulf %div3A_20, %mul3A : vector<12800x32xf32>
    %get3A_25 = arith.constant 0 : index
    %get3A_26 = arith.constant 0 : index
    %get3A_27 = vector.load %arg7[%get3A_25, %get3A_26] : memref<1x32xf32, #tpu.memory_space<vmem>>, vector<1x32xf32>
    %add3A_28 = vector.broadcast %get3A_27 : vector<1x32xf32> to vector<12800x32xf32>
    %add3A_29 = arith.addf %mul3A_24, %add3A_28 : vector<12800x32xf32>
    %get3A_30 = arith.constant 0 : index
    %get3A_31 = arith.constant 0 : index
    %get3A_32 = vector.load %arg8[%get3A_30, %get3A_31] : memref<32x64xf32, #tpu.memory_space<vmem>>, vector<32x64xf32>
    %convert_element_type3A_33 = arith.truncf %get3A_32 : vector<32x64xf32> to vector<32x64xbf16>
    %convert_element_type3A_34 = arith.truncf %add3A_29 : vector<12800x32xf32> to vector<12800x32xbf16>
    %dot_general3A_35 = arith.constant dense<0.000000e+00> : vector<12800x64xf32>
    %dot_general3A_36 = tpu.matmul %convert_element_type3A_34, %convert_element_type3A_33, %dot_general3A_35 {dimension_numbers = #tpu.dot_dimension_numbers<[1], [0], [0], [1], [0, 0, 1, 1], [], []>, transpose_lhs_hint = false} : vector<12800x32xbf16>, vector<32x64xbf16>, vector<12800x64xf32> -> vector<12800x64xf32>
    %get3A_37 = arith.constant 0 : index
    %get3A_38 = arith.constant 0 : index
    %get3A_39 = vector.load %arg9[%get3A_37, %get3A_38] : memref<1x64xf32, #tpu.memory_space<vmem>>, vector<1x64xf32>
    %add3A_40 = vector.broadcast %get3A_39 : vector<1x64xf32> to vector<12800x64xf32>
    %add3A_41 = arith.addf %dot_general3A_36, %add3A_40 : vector<12800x64xf32>
    %max3A_42 = arith.constant 0.000000e+00 : f32
    %max3A_43 = vector.broadcast %max3A_42 : f32 to vector<12800x64xf32>
    %max3A_44 = arith.maximumf %add3A_41, %max3A_43 : vector<12800x64xf32>
    %get3A_45 = arith.constant 0 : index
    %get3A_46 = arith.constant 0 : index
    %get3A_47 = vector.load %arg10[%get3A_45, %get3A_46] : memref<64x64xf32, #tpu.memory_space<vmem>>, vector<64x64xf32>
    %dot_general3A_48 = arith.constant dense<0.000000e+00> : vector<64x12800xf32>
    %dot_general3A_49 = tpu.matmul %get3A_47, %max3A_44, %dot_general3A_48 {dimension_numbers = #tpu.dot_dimension_numbers<[1], [1], [0], [0], [0, 0, 1, 0], [], []>, precision = #tpu.contract_precision<fp32>, transpose_lhs_hint = false} : vector<64x64xf32>, vector<12800x64xf32>, vector<64x12800xf32> -> vector<64x12800xf32>
    %swap3A = arith.constant 0 : index
    %swap3A_50 = arith.constant 0 : index
    %swap3A_51 = vector.load %arg11[%swap3A, %swap3A_50] : memref<64x12800xf32, #tpu.memory_space<vmem>>, vector<64x12800xf32>
    tpu.vector_store %arg11[%swap3A, %swap3A_50], %dot_general3A_49 {strides = array<i32>} : memref<64x12800xf32, #tpu.memory_space<vmem>>, vector<64x12800xf32>,
    %reduce_sum3A = arith.constant dense<0.000000e+00> : vector<64xf32>
    %reduce_sum3A_52 = vector.multi_reduction <add>, %max3A_44, %reduce_sum3A [0] : vector<12800x64xf32> to vector<64xf32>
    %mul3A_53 = arith.mulf %max3A_44, %max3A_44 : vector<12800x64xf32>
    %reduce_sum3A_54 = arith.constant dense<0.000000e+00> : vector<64xf32>
    %reduce_sum3A_55 = vector.multi_reduction <add>, %mul3A_53, %reduce_sum3A_54 [0] : vector<12800x64xf32> to vector<64xf32>
    %broadcast_in_dim3A = vector.shape_cast %reduce_sum3A_52 : vector<64xf32> to vector<1x64xf32>
    %broadcast_in_dim3A_56 = vector.shape_cast %reduce_sum3A_55 : vector<64xf32> to vector<1x64xf32>
    %broadcast_in_dim3A_57 = arith.constant 0.000000e+00 : f32
    %broadcast_in_dim3A_58 = vector.broadcast %broadcast_in_dim3A_57 : f32 to vector<6x64xf32>
    %concatenate3A = tpu.concatenate %broadcast_in_dim3A, %broadcast_in_dim3A_56, %broadcast_in_dim3A_58 in 0 : vector<1x64xf32>, vector<1x64xf32>, vector<6x64xf32> -> vector<8x64xf32>
    %eq3A = arith.constant 0 : i32
    %eq3A_59 = arith.cmpi eq, %arg0, %eq3A : i32
    %convert_element_type3A_60 = arith.extui %eq3A_59 : i1 to i32
    %cond3A = arith.constant 0 : i32
    %cond3A_61 = arith.cmpi ne, %convert_element_type3A_60, %cond3A : i32
    scf.if %cond3A_61 {
      %broadcast_in_dim3A_69 = arith.constant 0.000000e+00 : f32
      %broadcast_in_dim3A_70 = vector.broadcast %broadcast_in_dim3A_69 : f32 to vector<8x64xf32>
      %swap3A_71 = arith.constant 0 : index
      %swap3A_72 = arith.constant 0 : index
      %swap3A_73 = vector.load %arg12[%swap3A_71, %swap3A_72] : memref<8x64xf32, #tpu.memory_space<vmem>>, vector<8x64xf32>
      tpu.vector_store %arg12[%swap3A_71, %swap3A_72], %broadcast_in_dim3A_70 {strides = array<i32>} : memref<8x64xf32, #tpu.memory_space<vmem>>, vector<8x64xf32>,
    } else {
    }
    %get3A_62 = arith.constant 0 : index
    %get3A_63 = arith.constant 0 : index
    %get3A_64 = vector.load %arg12[%get3A_62, %get3A_63] : memref<8x64xf32, #tpu.memory_space<vmem>>, vector<8x64xf32>
    %add3A_65 = arith.addf %get3A_64, %concatenate3A : vector<8x64xf32>
    %swap3A_66 = arith.constant 0 : index
    %swap3A_67 = arith.constant 0 : index
    %swap3A_68 = vector.load %arg12[%swap3A_66, %swap3A_67] : memref<8x64xf32, #tpu.memory_space<vmem>>, vector<8x64xf32>
    tpu.vector_store %arg12[%swap3A_66, %swap3A_67], %add3A_65 {strides = array<i32>} : memref<8x64xf32, #tpu.memory_space<vmem>>, vector<8x64xf32>,
    return
  }
  func.func @transform_0(%arg0: i32) -> (i32, i32) {
    %c0_i32 = arith.constant 0 : i32
    %c0_i32_0 = arith.constant 0 : i32
    return %arg0, %c0_i32 : i32, i32
  }
  func.func @transform_1(%arg0: i32) -> (i32, i32) {
    %c0_i32 = arith.constant 0 : i32
    %c0_i32_0 = arith.constant 0 : i32
    %c0_i32_1 = arith.constant 0 : i32
    return %c0_i32, %c0_i32_0 : i32, i32
  }
  func.func @transform_2(%arg0: i32) -> (i32, i32) {
    %c0_i32 = arith.constant 0 : i32
    %c0_i32_0 = arith.constant 0 : i32
    %c0_i32_1 = arith.constant 0 : i32
    return %c0_i32, %c0_i32_0 : i32, i32
  }
  func.func @transform_3(%arg0: i32) -> (i32, i32) {
    %c0_i32 = arith.constant 0 : i32
    %c0_i32_0 = arith.constant 0 : i32
    %c0_i32_1 = arith.constant 0 : i32
    return %c0_i32, %c0_i32_0 : i32, i32
  }
  func.func @transform_4(%arg0: i32) -> (i32, i32) {
    %c0_i32 = arith.constant 0 : i32
    %c0_i32_0 = arith.constant 0 : i32
    %c0_i32_1 = arith.constant 0 : i32
    return %c0_i32, %c0_i32_0 : i32, i32
  }
  func.func @transform_5(%arg0: i32) -> (i32, i32) {
    %c0_i32 = arith.constant 0 : i32
    %c0_i32_0 = arith.constant 0 : i32
    %c0_i32_1 = arith.constant 0 : i32
    return %c0_i32, %c0_i32_0 : i32, i32
  }
  func.func @transform_6(%arg0: i32) -> (i32, i32) {
    %c0_i32 = arith.constant 0 : i32
    %c0_i32_0 = arith.constant 0 : i32
    %c0_i32_1 = arith.constant 0 : i32
    return %c0_i32, %c0_i32_0 : i32, i32
  }
  func.func @transform_7(%arg0: i32) -> (i32, i32) {
    %c0_i32 = arith.constant 0 : i32
    %c0_i32_0 = arith.constant 0 : i32
    %c0_i32_1 = arith.constant 0 : i32
    return %c0_i32, %c0_i32_0 : i32, i32
  }
  func.func @transform_8(%arg0: i32) -> (i32, i32) {
    %c0_i32 = arith.constant 0 : i32
    %c0_i32_0 = arith.constant 0 : i32
    %c0_i32_1 = arith.constant 0 : i32
    return %c0_i32, %c0_i32_0 : i32, i32
  }
  func.func @transform_9(%arg0: i32) -> (i32, i32) {
    %c0_i32 = arith.constant 0 : i32
    %c0_i32_0 = arith.constant 0 : i32
    %c0_i32_1 = arith.constant 0 : i32
    return %c0_i32, %c0_i32_0 : i32, i32
  }
  func.func @transform_10(%arg0: i32) -> (i32, i32) {
    %c0_i32 = arith.constant 0 : i32
    %c0_i32_0 = arith.constant 0 : i32
    return %c0_i32, %arg0 : i32, i32
  }
  func.func @transform_11(%arg0: i32) -> (i32, i32) {
    %c0_i32 = arith.constant 0 : i32
    %c0_i32_0 = arith.constant 0 : i32
    %c0_i32_1 = arith.constant 0 : i32
    return %c0_i32, %c0_i32_0 : i32, i32
  }
}

module attributes {stable_mosaic.version = 14 : i64} {
  func.func @_final_mm_body(%arg0: i32, %arg1: memref<5000x64xf32, #tpu.memory_space<vmem>>, %arg2: memref<5000x64xf32, #tpu.memory_space<vmem>>, %arg3: memref<1x64xf32, #tpu.memory_space<vmem>>, %arg4: memref<1x64xf32, #tpu.memory_space<vmem>>, %arg5: memref<1x64xf32, #tpu.memory_space<vmem>>, %arg6: memref<1x64xf32, #tpu.memory_space<vmem>>, %arg7: memref<64x64xf32, #tpu.memory_space<vmem>>, %arg8: memref<1x64xf32, #tpu.memory_space<vmem>>, %arg9: memref<5000x64xf32, #tpu.memory_space<vmem>>, %arg10: memref<8x64xf32, #tpu.memory_space<vmem>>) attributes {dimension_semantics = [#tpu.dimension_semantics<arbitrary>], iteration_bounds = array<i64: 5>, scalar_prefetch = 0 : i64, scratch_operands = 0 : i64, tpu.core_type = #tpu.core_type<tc>, window_params = [{transform_indices = @transform_0, window_bounds = array<i64: 5000, 64>}, {transform_indices = @transform_1, window_bounds = array<i64: 5000, 64>}, {pipeline_mode = #tpu.pipeline_mode<synchronous>, transform_indices = @transform_2, window_bounds = array<i64: 1, 64>}, {pipeline_mode = #tpu.pipeline_mode<synchronous>, transform_indices = @transform_3, window_bounds = array<i64: 1, 64>}, {pipeline_mode = #tpu.pipeline_mode<synchronous>, transform_indices = @transform_4, window_bounds = array<i64: 1, 64>}, {pipeline_mode = #tpu.pipeline_mode<synchronous>, transform_indices = @transform_5, window_bounds = array<i64: 1, 64>}, {pipeline_mode = #tpu.pipeline_mode<synchronous>, transform_indices = @transform_6, window_bounds = array<i64: 64, 64>}, {pipeline_mode = #tpu.pipeline_mode<synchronous>, transform_indices = @transform_7, window_bounds = array<i64: 1, 64>}, {transform_indices = @transform_8, window_bounds = array<i64: 5000, 64>}, {pipeline_mode = #tpu.pipeline_mode<synchronous>, transform_indices = @transform_9, window_bounds = array<i64: 8, 64>}]} {
    %get3A = arith.constant 0 : index
    %get3A_0 = arith.constant 0 : index
    %get3A_1 = vector.load %arg1[%get3A, %get3A_0] : memref<5000x64xf32, #tpu.memory_space<vmem>>, vector<5000x64xf32>
    %get3A_2 = arith.constant 0 : index
    %get3A_3 = arith.constant 0 : index
    %get3A_4 = vector.load %arg2[%get3A_2, %get3A_3] : memref<5000x64xf32, #tpu.memory_space<vmem>>, vector<5000x64xf32>
    %max3A = arith.maximumf %get3A_1, %get3A_4 : vector<5000x64xf32>
    %get3A_5 = arith.constant 0 : index
    %get3A_6 = arith.constant 0 : index
    %get3A_7 = vector.load %arg3[%get3A_5, %get3A_6] : memref<1x64xf32, #tpu.memory_space<vmem>>, vector<1x64xf32>
    %sub3A = vector.broadcast %get3A_7 : vector<1x64xf32> to vector<5000x64xf32>
    %sub3A_8 = arith.subf %max3A, %sub3A : vector<5000x64xf32>
    %get3A_9 = arith.constant 0 : index
    %get3A_10 = arith.constant 0 : index
    %get3A_11 = vector.load %arg4[%get3A_9, %get3A_10] : memref<1x64xf32, #tpu.memory_space<vmem>>, vector<1x64xf32>
    %div3A = vector.broadcast %get3A_11 : vector<1x64xf32> to vector<5000x64xf32>
    %div3A_12 = arith.divf %sub3A_8, %div3A : vector<5000x64xf32>
    %get3A_13 = arith.constant 0 : index
    %get3A_14 = arith.constant 0 : index
    %get3A_15 = vector.load %arg5[%get3A_13, %get3A_14] : memref<1x64xf32, #tpu.memory_space<vmem>>, vector<1x64xf32>
    %mul3A = vector.broadcast %get3A_15 : vector<1x64xf32> to vector<5000x64xf32>
    %mul3A_16 = arith.mulf %div3A_12, %mul3A : vector<5000x64xf32>
    %get3A_17 = arith.constant 0 : index
    %get3A_18 = arith.constant 0 : index
    %get3A_19 = vector.load %arg6[%get3A_17, %get3A_18] : memref<1x64xf32, #tpu.memory_space<vmem>>, vector<1x64xf32>
    %add3A = vector.broadcast %get3A_19 : vector<1x64xf32> to vector<5000x64xf32>
    %add3A_20 = arith.addf %mul3A_16, %add3A : vector<5000x64xf32>
    %max3A_21 = arith.constant 0.000000e+00 : f32
    %max3A_22 = vector.broadcast %max3A_21 : f32 to vector<5000x64xf32>
    %max3A_23 = arith.maximumf %add3A_20, %max3A_22 : vector<5000x64xf32>
    %convert_element_type3A = arith.truncf %max3A_23 : vector<5000x64xf32> to vector<5000x64xbf16>
    %get3A_24 = arith.constant 0 : index
    %get3A_25 = arith.constant 0 : index
    %get3A_26 = vector.load %arg7[%get3A_24, %get3A_25] : memref<64x64xf32, #tpu.memory_space<vmem>>, vector<64x64xf32>
    %convert_element_type3A_27 = arith.truncf %get3A_26 : vector<64x64xf32> to vector<64x64xbf16>
    %dot_general3A = arith.constant dense<0.000000e+00> : vector<5000x64xf32>
    %dot_general3A_28 = tpu.matmul %convert_element_type3A, %convert_element_type3A_27, %dot_general3A {dimension_numbers = #tpu.dot_dimension_numbers<[1], [0], [0], [1], [0, 0, 1, 1], [], []>, transpose_lhs_hint = false} : vector<5000x64xbf16>, vector<64x64xbf16>, vector<5000x64xf32> -> vector<5000x64xf32>
    %get3A_29 = arith.constant 0 : index
    %get3A_30 = arith.constant 0 : index
    %get3A_31 = vector.load %arg8[%get3A_29, %get3A_30] : memref<1x64xf32, #tpu.memory_space<vmem>>, vector<1x64xf32>
    %add3A_32 = vector.broadcast %get3A_31 : vector<1x64xf32> to vector<5000x64xf32>
    %add3A_33 = arith.addf %dot_general3A_28, %add3A_32 : vector<5000x64xf32>
    %max3A_34 = arith.constant 0.000000e+00 : f32
    %max3A_35 = vector.broadcast %max3A_34 : f32 to vector<5000x64xf32>
    %max3A_36 = arith.maximumf %add3A_33, %max3A_35 : vector<5000x64xf32>
    %swap3A = arith.constant 0 : index
    %swap3A_37 = arith.constant 0 : index
    %swap3A_38 = vector.load %arg9[%swap3A, %swap3A_37] : memref<5000x64xf32, #tpu.memory_space<vmem>>, vector<5000x64xf32>
    tpu.vector_store %arg9[%swap3A, %swap3A_37], %max3A_36 {strides = array<i32>} : memref<5000x64xf32, #tpu.memory_space<vmem>>, vector<5000x64xf32>,
    %reduce_sum3A = arith.constant dense<0.000000e+00> : vector<64xf32>
    %reduce_sum3A_39 = vector.multi_reduction <add>, %max3A_36, %reduce_sum3A [0] : vector<5000x64xf32> to vector<64xf32>
    %mul3A_40 = arith.mulf %max3A_36, %max3A_36 : vector<5000x64xf32>
    %reduce_sum3A_41 = arith.constant dense<0.000000e+00> : vector<64xf32>
    %reduce_sum3A_42 = vector.multi_reduction <add>, %mul3A_40, %reduce_sum3A_41 [0] : vector<5000x64xf32> to vector<64xf32>
    %broadcast_in_dim3A = vector.shape_cast %reduce_sum3A_39 : vector<64xf32> to vector<1x64xf32>
    %broadcast_in_dim3A_43 = vector.shape_cast %reduce_sum3A_42 : vector<64xf32> to vector<1x64xf32>
    %broadcast_in_dim3A_44 = arith.constant 0.000000e+00 : f32
    %broadcast_in_dim3A_45 = vector.broadcast %broadcast_in_dim3A_44 : f32 to vector<6x64xf32>
    %concatenate3A = tpu.concatenate %broadcast_in_dim3A, %broadcast_in_dim3A_43, %broadcast_in_dim3A_45 in 0 : vector<1x64xf32>, vector<1x64xf32>, vector<6x64xf32> -> vector<8x64xf32>
    %eq3A = arith.constant 0 : i32
    %eq3A_46 = arith.cmpi eq, %arg0, %eq3A : i32
    %convert_element_type3A_47 = arith.extui %eq3A_46 : i1 to i32
    %cond3A = arith.constant 0 : i32
    %cond3A_48 = arith.cmpi ne, %convert_element_type3A_47, %cond3A : i32
    scf.if %cond3A_48 {
      %broadcast_in_dim3A_56 = arith.constant 0.000000e+00 : f32
      %broadcast_in_dim3A_57 = vector.broadcast %broadcast_in_dim3A_56 : f32 to vector<8x64xf32>
      %swap3A_58 = arith.constant 0 : index
      %swap3A_59 = arith.constant 0 : index
      %swap3A_60 = vector.load %arg10[%swap3A_58, %swap3A_59] : memref<8x64xf32, #tpu.memory_space<vmem>>, vector<8x64xf32>
      tpu.vector_store %arg10[%swap3A_58, %swap3A_59], %broadcast_in_dim3A_57 {strides = array<i32>} : memref<8x64xf32, #tpu.memory_space<vmem>>, vector<8x64xf32>,
    } else {
    }
    %get3A_49 = arith.constant 0 : index
    %get3A_50 = arith.constant 0 : index
    %get3A_51 = vector.load %arg10[%get3A_49, %get3A_50] : memref<8x64xf32, #tpu.memory_space<vmem>>, vector<8x64xf32>
    %add3A_52 = arith.addf %get3A_51, %concatenate3A : vector<8x64xf32>
    %swap3A_53 = arith.constant 0 : index
    %swap3A_54 = arith.constant 0 : index
    %swap3A_55 = vector.load %arg10[%swap3A_53, %swap3A_54] : memref<8x64xf32, #tpu.memory_space<vmem>>, vector<8x64xf32>
    tpu.vector_store %arg10[%swap3A_53, %swap3A_54], %add3A_52 {strides = array<i32>} : memref<8x64xf32, #tpu.memory_space<vmem>>, vector<8x64xf32>,
    return
  }
  func.func @transform_0(%arg0: i32) -> (i32, i32) {
    %c0_i32 = arith.constant 0 : i32
    %c0_i32_0 = arith.constant 0 : i32
    return %arg0, %c0_i32 : i32, i32
  }
  func.func @transform_1(%arg0: i32) -> (i32, i32) {
    %c0_i32 = arith.constant 0 : i32
    %c0_i32_0 = arith.constant 0 : i32
    return %arg0, %c0_i32 : i32, i32
  }
  func.func @transform_2(%arg0: i32) -> (i32, i32) {
    %c0_i32 = arith.constant 0 : i32
    %c0_i32_0 = arith.constant 0 : i32
    %c0_i32_1 = arith.constant 0 : i32
    return %c0_i32, %c0_i32_0 : i32, i32
  }
  func.func @transform_3(%arg0: i32) -> (i32, i32) {
    %c0_i32 = arith.constant 0 : i32
    %c0_i32_0 = arith.constant 0 : i32
    %c0_i32_1 = arith.constant 0 : i32
    return %c0_i32, %c0_i32_0 : i32, i32
  }
  func.func @transform_4(%arg0: i32) -> (i32, i32) {
    %c0_i32 = arith.constant 0 : i32
    %c0_i32_0 = arith.constant 0 : i32
    %c0_i32_1 = arith.constant 0 : i32
    return %c0_i32, %c0_i32_0 : i32, i32
  }
  func.func @transform_5(%arg0: i32) -> (i32, i32) {
    %c0_i32 = arith.constant 0 : i32
    %c0_i32_0 = arith.constant 0 : i32
    %c0_i32_1 = arith.constant 0 : i32
    return %c0_i32, %c0_i32_0 : i32, i32
  }
  func.func @transform_6(%arg0: i32) -> (i32, i32) {
    %c0_i32 = arith.constant 0 : i32
    %c0_i32_0 = arith.constant 0 : i32
    %c0_i32_1 = arith.constant 0 : i32
    return %c0_i32, %c0_i32_0 : i32, i32
  }
  func.func @transform_7(%arg0: i32) -> (i32, i32) {
    %c0_i32 = arith.constant 0 : i32
    %c0_i32_0 = arith.constant 0 : i32
    %c0_i32_1 = arith.constant 0 : i32
    return %c0_i32, %c0_i32_0 : i32, i32
  }
  func.func @transform_8(%arg0: i32) -> (i32, i32) {
    %c0_i32 = arith.constant 0 : i32
    %c0_i32_0 = arith.constant 0 : i32
    return %arg0, %c0_i32 : i32, i32
  }
  func.func @transform_9(%arg0: i32) -> (i32, i32) {
    %c0_i32 = arith.constant 0 : i32
    %c0_i32_0 = arith.constant 0 : i32
    %c0_i32_1 = arith.constant 0 : i32
    return %c0_i32, %c0_i32_0 : i32, i32
  }
}

module attributes {stable_mosaic.version = 14 : i64} {
  func.func @_final_norm_body(%arg0: i32, %arg1: memref<5000x64xf32, #tpu.memory_space<vmem>>, %arg2: memref<1x64xf32, #tpu.memory_space<vmem>>, %arg3: memref<1x64xf32, #tpu.memory_space<vmem>>, %arg4: memref<1x64xf32, #tpu.memory_space<vmem>>, %arg5: memref<1x64xf32, #tpu.memory_space<vmem>>, %arg6: memref<5000x64xf32, #tpu.memory_space<vmem>>) attributes {dimension_semantics = [#tpu.dimension_semantics<arbitrary>], iteration_bounds = array<i64: 5>, scalar_prefetch = 0 : i64, scratch_operands = 0 : i64, tpu.core_type = #tpu.core_type<tc>, window_params = [{transform_indices = @transform_0, window_bounds = array<i64: 5000, 64>}, {pipeline_mode = #tpu.pipeline_mode<synchronous>, transform_indices = @transform_1, window_bounds = array<i64: 1, 64>}, {pipeline_mode = #tpu.pipeline_mode<synchronous>, transform_indices = @transform_2, window_bounds = array<i64: 1, 64>}, {pipeline_mode = #tpu.pipeline_mode<synchronous>, transform_indices = @transform_3, window_bounds = array<i64: 1, 64>}, {pipeline_mode = #tpu.pipeline_mode<synchronous>, transform_indices = @transform_4, window_bounds = array<i64: 1, 64>}, {transform_indices = @transform_5, window_bounds = array<i64: 5000, 64>}]} {
    %get3A = arith.constant 0 : index
    %get3A_0 = arith.constant 0 : index
    %get3A_1 = vector.load %arg1[%get3A, %get3A_0] : memref<5000x64xf32, #tpu.memory_space<vmem>>, vector<5000x64xf32>
    %get3A_2 = arith.constant 0 : index
    %get3A_3 = arith.constant 0 : index
    %get3A_4 = vector.load %arg2[%get3A_2, %get3A_3] : memref<1x64xf32, #tpu.memory_space<vmem>>, vector<1x64xf32>
    %sub3A = vector.broadcast %get3A_4 : vector<1x64xf32> to vector<5000x64xf32>
    %sub3A_5 = arith.subf %get3A_1, %sub3A : vector<5000x64xf32>
    %get3A_6 = arith.constant 0 : index
    %get3A_7 = arith.constant 0 : index
    %get3A_8 = vector.load %arg3[%get3A_6, %get3A_7] : memref<1x64xf32, #tpu.memory_space<vmem>>, vector<1x64xf32>
    %div3A = vector.broadcast %get3A_8 : vector<1x64xf32> to vector<5000x64xf32>
    %div3A_9 = arith.divf %sub3A_5, %div3A : vector<5000x64xf32>
    %get3A_10 = arith.constant 0 : index
    %get3A_11 = arith.constant 0 : index
    %get3A_12 = vector.load %arg4[%get3A_10, %get3A_11] : memref<1x64xf32, #tpu.memory_space<vmem>>, vector<1x64xf32>
    %mul3A = vector.broadcast %get3A_12 : vector<1x64xf32> to vector<5000x64xf32>
    %mul3A_13 = arith.mulf %div3A_9, %mul3A : vector<5000x64xf32>
    %get3A_14 = arith.constant 0 : index
    %get3A_15 = arith.constant 0 : index
    %get3A_16 = vector.load %arg5[%get3A_14, %get3A_15] : memref<1x64xf32, #tpu.memory_space<vmem>>, vector<1x64xf32>
    %add3A = vector.broadcast %get3A_16 : vector<1x64xf32> to vector<5000x64xf32>
    %add3A_17 = arith.addf %mul3A_13, %add3A : vector<5000x64xf32>
    %swap3A = arith.constant 0 : index
    %swap3A_18 = arith.constant 0 : index
    %swap3A_19 = vector.load %arg6[%swap3A, %swap3A_18] : memref<5000x64xf32, #tpu.memory_space<vmem>>, vector<5000x64xf32>
    tpu.vector_store %arg6[%swap3A, %swap3A_18], %add3A_17 {strides = array<i32>} : memref<5000x64xf32, #tpu.memory_space<vmem>>, vector<5000x64xf32>,
    return
  }
  func.func @transform_0(%arg0: i32) -> (i32, i32) {
    %c0_i32 = arith.constant 0 : i32
    %c0_i32_0 = arith.constant 0 : i32
    return %arg0, %c0_i32 : i32, i32
  }
  func.func @transform_1(%arg0: i32) -> (i32, i32) {
    %c0_i32 = arith.constant 0 : i32
    %c0_i32_0 = arith.constant 0 : i32
    %c0_i32_1 = arith.constant 0 : i32
    return %c0_i32, %c0_i32_0 : i32, i32
  }
  func.func @transform_2(%arg0: i32) -> (i32, i32) {
    %c0_i32 = arith.constant 0 : i32
    %c0_i32_0 = arith.constant 0 : i32
    %c0_i32_1 = arith.constant 0 : i32
    return %c0_i32, %c0_i32_0 : i32, i32
  }
  func.func @transform_3(%arg0: i32) -> (i32, i32) {
    %c0_i32 = arith.constant 0 : i32
    %c0_i32_0 = arith.constant 0 : i32
    %c0_i32_1 = arith.constant 0 : i32
    return %c0_i32, %c0_i32_0 : i32, i32
  }
  func.func @transform_4(%arg0: i32) -> (i32, i32) {
    %c0_i32 = arith.constant 0 : i32
    %c0_i32_0 = arith.constant 0 : i32
    %c0_i32_1 = arith.constant 0 : i32
    return %c0_i32, %c0_i32_0 : i32, i32
  }
  func.func @transform_5(%arg0: i32) -> (i32, i32) {
    %c0_i32 = arith.constant 0 : i32
    %c0_i32_0 = arith.constant 0 : i32
    return %arg0, %c0_i32 : i32, i32
  }
}

</mosaic_0001>

<sc_bundles>
// kernel: kernel.11.cloned.1.call-start
scs
__scs_entry_jumppad:
0x0: {  	(pc) =	sbr.rel $0x88, $3  }
0x1: {  	(tag) =	ssettag $0x0;
	lr =	simm.s32 $0x1  }
0x2: {  	[smem:$0x3F91] =	sst lr;
	_ =	strace $0xD0000000  }
0x3: {  	_ = 	snop  }
0x4: {  	_ = 	snop  }
0x5: {  	_ = 	snop  }
0x6: {  	_ = 	snop  }
0x7: {  	_ = 	snop  }
__scs_overlays_trampoline_lowered:
0x8: {  	[smem:$0x3FA0] =	sst s0  }
0x9: {  	[smem:$0x3FA1] =	sst s1  }
0xa: {  	[smem:$0x3FA2] =	sst s2  }
0xb: {  	[smem:$0x3FA3] =	sst s3  }
0xc: {  	[smem:$0x3FA4] =	sst s4  }
0xd: {  	[smem:$0x3FA5] =	sst s5  }
0xe: {  	[smem:$0x3FA6] =	sst s6  }
0xf: {  	[smem:$0x3FA7] =	sst s7  }
0x10: {  	[smem:$0x3FA8] =	sst s8  }
0x11: {  	[smem:$0x3FA9] =	sst s9;
	s0 =	simm.s32 @!p0 $0x0  }
0x12: {  	s1 =	sld [smem:$0x3F8F];
	s0 =	simm.s32 @p0 $0x1  }
0x13: {  	[smem:$0x3FAA] =	sst s0;
	s0 =	simm.s32 @!p1 $0x0  }
0x14: {  	s2 =	sld [smem:$0x3F8E];
	s0 =	simm.s32 @p1 $0x1  }
0x15: {  	[smem:$0x3FAB] =	sst s0;
	s0 =	simm.s32 @!p2 $0x0  }
0x16: {  	s3 =	sld [smem:$0x3FDB];
	s0 =	simm.s32 @p2 $0x1  }
0x17: {  	s4 =	simm.s32 $0x1BF5;
	[smem:$0x3FAD] =	sst s0  }
0x18: {  	s0 =	sld [smem:$0x3F90];
	_ =	swait.ge [sflag:s4], $0x0  }
0x19: {  	s7 =	sld [smem:$0x3F91]  }
0x1a: {  	s8 =	sadd.s32 $0xFFFFE003, lr  }
0x1b: {  	s9 =	sadd.s32 $0xFFFFFEF7, lr;
	s5 =	simm.s32 $0xFFFFFFFF;
	p2 =	slt.u32 s8, $0xFFFFF086  }
0x1c: {  	p1 =	slt.u32 s9, $0xF7A;
	s5 =	simm.s32 @!p2 $0x0  }
0x1d: {  	s5 =	simm.s32 @p1 $0x1;
	p0 =	seq.s32 s7, s2  }
0x1e: {  	s7 =	smul.u32 @!p0 $0xF7A, s2;
	p2 =	seq.s32 @!p0 s5, $0x0  }
0x1f: {  	s9 =	smul.u32 $0xF7A, s1;
	s8 =	simm.s32 @!p0 $0x1BF5;
	p2 =	por !p2, p0  }
0x20: {  	[sflag:s8] =	ssyncset.s32 @!p0 $0xFFFFF086;
	s6 =	sadd.s32 @!p0 s3, s7;
	s7 =	simm.s32 @!p0 $0x108  }
0x21: {  	s3 =	sadd.s32 s3, s9;
	s6 =	sadd.s32 @!p0 $0x88, s6;
	s7 =	simm.s32 @p2 $0x1082  }
0x22: {  	[simem:s7], [sflag:s8] =	dma.local @!p0 [hbm:s6], $0xF7A  }
0x23: {  	s9 =	sor.u32 $0xD0000000, s2;
	s6 =	simm.s32 $0x108;
	_ =	swait.ge @!p0 [sflag:s8], $0x0  }
0x24: {  	s3 =	sadd.s32 $0x88, s3;
	s6 =	simm.s32 @!p1 $0x1082;
	[sflag:s4] =	ssyncset.s32 $0xFFFFF086  }
0x25: {  	[simem:s6], [sflag:s4] =	dma.local [hbm:s3], $0xF7A  }
0x26: {  	[smem:$0x3F91] =	sst s1;
	(tag) =	ssettag s2;
	_ =	strace s9  }
0x27: {  	s1 =	sld [smem:$0x3FA1]  }
0x28: {  	s2 =	sld [smem:$0x3FA2]  }
0x29: {  	s4 =	sld [smem:$0x3FA4]  }
0x2a: {  	p0 =	seq.s32 s5, $0x0;
	s5 =	sld [smem:$0x3FA5]  }
0x2b: {  	s6 =	sld [smem:$0x3FA6]  }
0x2c: {  	s7 =	sld [smem:$0x3FA7]  }
0x2d: {  	s3 =	simm.s32 $0x108;
	s8 =	sld [smem:$0x3FA8]  }
0x2e: {  	s3 =	simm.s32 @!p0 $0x1082;
	s9 =	sld [smem:$0x3FA9]  }
0x2f: {  	lr =	sadd.s32 s0, s3;
	s0 =	sld [smem:$0x3FA0]  }
0x30: {  	s3 =	sld [smem:$0x3FA3]  }
0x31: {  	[smem:$0x3FAC] =	sst s10  }
0x32: {  	s10 =	sld [smem:$0x3FAA];
	_ =	sdelay $0x3  }
0x33: {  	p0 =	seq.s32 s10, $0x1;
	s10 =	sld [smem:$0x3FAC];
	_ =	sdelay $0x3  }
0x34: {  	[smem:$0x3FAC] =	sst s10  }
0x35: {  	s10 =	sld [smem:$0x3FAB];
	_ =	sdelay $0x3  }
0x36: {  	p1 =	seq.s32 s10, $0x1;
	s10 =	sld [smem:$0x3FAC];
	_ =	sdelay $0x3  }
0x37: {  	[smem:$0x3FAC] =	sst s10  }
0x38: {  	s10 =	sld [smem:$0x3FAD]  }
0x39: {  	_ = 	snop;
	(pc) =	sbr.ind lr, $3  }
0x3a: {  	_ = 	snop  }
0x3b: {  	_ = 	snop  }
0x3c: {  	p2 =	seq.s32 s10, $0x1;
	s10 =	sld [smem:$0x3FAC]  }
0x3d: {  	_ =	shalt  }
0x3e: {  	_ =	shalt  }
0x3f: {  	_ =	shalt  }
0x40: {  	_ =	shalt  }
0x41: {  	_ =	shalt  }
0x42: {  	_ =	shalt  }
0x43: {  	_ =	shalt  }
0x44: {  	_ =	shalt  }
0x45: {  	_ =	shalt  }
0x46: {  	_ =	shalt  }
0x47: {  	_ =	shalt  }
0x48: {  	_ =	shalt  }
0x49: {  	_ =	shalt  }
0x4a: {  	_ =	shalt  }
0x4b: {  	_ =	shalt  }
0x4c: {  	_ =	shalt  }
0x4d: {  	_ =	shalt  }
0x4e: {  	_ =	shalt  }
0x4f: {  	_ =	shalt  }
0x50: {  	_ =	shalt  }
0x51: {  	_ =	shalt  }
0x52: {  	_ =	shalt  }
0x53: {  	_ =	shalt  }
0x54: {  	_ =	shalt  }
0x55: {  	_ =	shalt  }
0x56: {  	_ =	shalt  }
0x57: {  	_ =	shalt  }
0x58: {  	_ =	shalt  }
0x59: {  	_ =	shalt  }
0x5a: {  	_ =	shalt  }
0x5b: {  	_ =	shalt  }
0x5c: {  	_ =	shalt  }
0x5d: {  	_ =	shalt  }
0x5e: {  	_ =	shalt  }
0x5f: {  	_ =	shalt  }
0x60: {  	_ =	shalt  }
0x61: {  	_ =	shalt  }
0x62: {  	_ =	shalt  }
0x63: {  	_ =	shalt  }
0x64: {  	_ =	shalt  }
0x65: {  	_ =	shalt  }
0x66: {  	_ =	shalt  }
0x67: {  	_ =	shalt  }
0x68: {  	_ =	shalt  }
0x69: {  	_ =	shalt  }
0x6a: {  	_ =	shalt  }
0x6b: {  	_ =	shalt  }
0x6c: {  	_ =	shalt  }
0x6d: {  	_ =	shalt  }
0x6e: {  	_ =	shalt  }
0x6f: {  	_ =	shalt  }
0x70: {  	_ =	shalt  }
0x71: {  	_ =	shalt  }
0x72: {  	_ =	shalt  }
0x73: {  	_ =	shalt  }
0x74: {  	_ =	shalt  }
0x75: {  	_ =	shalt  }
0x76: {  	_ =	shalt  }
0x77: {  	_ =	shalt  }
0x78: {  	_ =	shalt  }
0x79: {  	_ =	shalt  }
0x7a: {  	_ =	shalt  }
0x7b: {  	_ =	shalt  }
0x7c: {  	_ =	shalt  }
0x7d: {  	_ =	shalt  }
0x7e: {  	_ =	shalt  }
0x7f: {  	_ =	shalt  }
0x80: {  	_ =	shalt  }
0x81: {  	_ =	shalt  }
0x82: {  	_ =	shalt  }
0x83: {  	_ =	shalt  }
0x84: {  	_ =	shalt  }
0x85: {  	_ =	shalt  }
0x86: {  	_ =	shalt  }
0x87: {  	_ =	shalt  }
.Lfunc_end0:
.L_simem_size_0:
called_computation.1_lowered:
.L_overlay_start_0:
0x88: {  	s2 =	sld [smem:$0x3FD9]  }
0x89: {  	s3 =	sld [smem:$0x3FFE];
	_ =	sdelay $0x1  }
0x8a: {  	s1 =	srdreg.scid  }
0x8b: {  	s0 =	sand.u32 $0x1, s1  }
0x8c: {  	s16 =	sshll.u32 s0, $0xA;
	s2 =	sadd.s32 s3, s2  }
0x8d: {  	s2 =	sadd.s32 s2, s16  }
0x8e: {  	[smem:$0x3FB8] =	sst s2  }
0x8f: {  	_ = 	snop  }
0x90: {  	(tm) =	ssettm $0x1  }
0x91: {  	s17 =	sld [smem:$0x3FFB];
	_ =	sdelay $0x3  }
0x92: {  	_ =	strace s17  }
0x93: {  	s2 =	sld [smem:$0x3FFC];
	_ =	sdelay $0x3  }
0x94: {  	_ =	strace s2  }
0x95: {  	s2 =	sld [smem:$0x3FFD];
	_ =	sdelay $0x3  }
0x96: {  	_ =	strace s2  }
0x97: {  	_ =	strace $0x8FFFFFFF  }
0x98: {  	s18 =	sld [smem:$0x3FDB];
	_ =	sdelay $0x1  }
0x99: {  	s19 =	simm.s32 $_scs_section_size  }
0x9a: {  	s4 =	simm.s32 $_size__tile_overlayer_lowered;
	s5 =	simm.s32 $_tile_overlayer_lowered  }
0x9b: {  	s22 =	simm.s32 $0x1BFF;
	s21 =	sshll.u32 s5, $0x1;
	s2 =	sadd.s32 s19, s18  }
0x9c: {  	s6 =	simm.s32 $0x0;
	s20 =	sshll.u32 s4, $0x1;
	s4 =	sadd.s32 s21, s2  }
0x9d: {  	[timem:s6], [sflag:s22] =	dma.local [hbm:s4], s20  }
0x9e: {  	_ =	swait.ge [sflag:s22], s20  }
0x9f: {  	s3 =	ssub.s32 $0x0, s20;
	[sflag:s22] =	ssyncset.done $0x0  }
0xa0: {  	[sflag:s22] =	ssyncadd.s32 s3;
	_ =	sdelay $0x1  }
0xa1: {  	s23 =	simm.s32 $0x1B8B  }
0xa2: {  	_ =	swait.ge [sflag:s23], $0x1  }
0xa3: {  	[sflag:s23] =	ssyncset.done $0x0  }
0xa4: {  	s25 =	simm.s32 $0x1B8E;
	s24 =	sld [smem:$0x3FFE];
	[sflag:s23] =	ssyncadd.s32 $0xFFFFFFFF  }
0xa5: {  	s26 =	simm.s32 $execute0_lowered;
	[smem:$0x3FD2] =	sst s25  }
0xa6: {  	s4 =	sshll.u32 s26, $0x1;
	_ =	strace $0x80000049;
	[dreg:$0x1] =	wrdreg $0xFFFFFFFF  }
0xa7: {  	s28 =	simm.s32 $_size_execute0_lowered;
	s2 =	sadd.s32 s2, s4;
	[dreg:$0x0] =	wrdreg $0x0  }
0xa8: {  	s4 =	sshll.u32 s28, $0x1;
	[dreg:$0x2] =	wrdreg s2  }
0xa9: {  	[dreg:$0x3] =	wrdreg s4  }
0xaa: {  	[dreg:$0x4] =	wrdreg $0xC0  }
0xab: {  	_ =	task [dreg:s6], $0x5FFFF  }
0xac: {  	[dreg:$0x1] =	wrdreg $0xFFFFFFFF  }
0xad: {  	[dreg:$0x0] =	wrdreg $0x60  }
0xae: {  	[dreg:$0x2] =	wrdreg s24  }
0xaf: {  	[dreg:$0x3] =	wrdreg $0x9  }
0xb0: {  	_ =	task.clear_ibuf [dreg:s6], $0x4FFFF;
	_ =	strace $0x90000049  }
0xb1: {  	s29 =	simm.s32 $0x9;
	_ =	strace $0x8000004B  }
0xb2: {  	_ =	swait.ge [sflag:s29], $0x1  }
0xb3: {  	[sflag:s29] =	ssyncadd.s32 $0xFFFFFFFF  }
0xb4: {  	_ =	strace $0x9000004B  }
0xb5: {  	_ =	sfence  }
0xb6: {  	s30 =	sld [smem:$0x0];
	_ =	sdelay $0x2  }
0xb7: {  	s31 =	sshll.u32 s1, $0xD;
	s1 =	sshrl.u32 s1, $0x2  }
0xb8: {  	s3 =	sand.u32 $0x4000, s31;
	s1 =	sadd.s32 s1, s30  }
0xb9: {  	s0 =	sor.u32 s3, s0;
	s1 =	sshll.u32 s1, $0x11  }
0xba: {  	s0 =	sor.u32 s1, s0  }
0xbb: {  	s0 =	sadd.s32 $0x8F2B, s0  }
0xbc: {  	[sflag:s0] =	ssyncadd.remote.s32 $0x1  }
0xbd: {  	_ =	sfence.sel $0xFFFF  }
0xbe: {  	[dreg:$0x0] =	wrdreg $0xFFFFFFFF;
	(pc) =	sbr.abs _section_cstart, $3  }
0xbf: {  	[dreg:$0x1] =	wrdreg $0xFFFFFFFF  }
0xc0: {  	_ =	task.clear_ibuf [dreg:s6], $0x2FFFF;
	_ =	strace $0x9FFFFFFF  }
0xc1: {  	(tm) =	ssettm $0x7FFFFFFF  }
tec
execute0_lowered:
.L_overlay_start_1:
0x0: {  	(tag) =	ssettag $0x1  }
0x1: {  	s0 =	rddreg [dreg:$0x0];
	s1 =	srdreg.scid  }
0x2: {  	s2 =	simm.s32 $0x0;
	s7 =	stileid.u32;
	s23 =	simm.s32 $0x18E70  }
0x3: {  	s24 =	simm.s32 $0x1B580;
	s28 =	simm.s32 $0x1CCF0;
	s29 =	simm.s32 $0x1  }
0x4: {  	s30 =	simm.s32 $0x2;
	s1 =	sand.u32 $0x1, s1;
	s5 =	smul.u32 $0x186A0, s7  }
0x5: {  	s31 =	simm.s32 $0x3;
	[smem:$0x7FF] =	sst s2;
	s4 =	smul.u32 $0x186A00, s1  }
0x6: {  	s3 =	sadd.s32 $0x37E000, s0;
	s15 =	smul.u32 $0xC3500, s1;
	s1 =	ssub.s32 $0x2, s1  }
0x7: {  	_ =	strace $0x8000004A;
	s25 =	sshrl.u32 s1, $0x1;
	s4 =	sadd.s32 s5, s4  }
0x8: {  	s5 =	sadd.s32 $0x33A00, s0;
	s1 =	ssub.s32 s1, s25;
	s26 =	sshrl.u32 s15, $0x3  }
0x9: {  	s14 =	sadd.s32 $0x7D0, s15;
	s6 =	sshrl.u32 s4, $0x3;
	s4 =	smul.u32 $0x61A800, s7  }
0xa: {  	s25 =	simm.s32 $0x1BD50;
	s17 =	smax.u32 s1, $0x1;
	s0 =	sadd.s32 s6, s0  }
0xb: {  	s6 =	sadd.s32 s5, s26;
	s26 =	simm.s32 $0x1C520;
	s9 =	sadd.s32 $0x30D400, s4  }
0xc: {  	s7 =	sadd.s32 s15, s4;
	s10 =	sadd.s32 $0x493E00, s4;
	s16 =	sadd.s32 $0x64800, s0  }
.Ltmp0:
0xd: {  	s0 =	simm.s32 $0x0;
	s8 =	sshrl.u32 s7, $0x3;
	(pc) =	sbr.rel .LBB2_1-.Ltmp0, $4  }
0xe: {  	s7 =	sadd.s32 $0x186A00, s4;
	s12 =	sadd.s32 s15, s9;
	s13 =	sadd.s32 s15, s10  }
0xf: {  	s8 =	sadd.s32 s3, s8;
	s11 =	sadd.s32 s15, s7;
	s12 =	sshrl.u32 s12, $0x3  }
0x10: {  	s13 =	sshrl.u32 s13, $0x3;
	s15 =	sadd.s32 $0xFA0, s15;
	s11 =	sshrl.u32 s11, $0x3  }
0x11: {  	v0 =	vimm.f32 $0.0e+00;
	v1 =	vimm.s32 $0x0;
	s12 =	sadd.s32 s3, s12;
	s13 =	sadd.s32 s3, s13;
	s11 =	sadd.s32 s3, s11  }
.LBB2_29:
0x12: {  	s0 =	sadd.s32 $0x1, s0  }
0x13: {  	p0 =	sne.s32 s0, s17  }
.Ltmp1:
0x14: {  	_ = 	snop;
	(pc) =	sbr.rel @!p0 .LBB2_30-.Ltmp1, $4  }
0x15: {  	[hbm4b:s16+s2] =	stream.linear.scatter [tilespmem:s2], [sflag:$0x3], $0x186A0, $0x38;
	[tilespmem:$0x1D4C0] =	vst v63  }
0x16: {  	_ =	swait.ge [sflag:s31], $0x186A0  }
0x17: {  	[sflag:s31] =	ssyncset.done $0x0  }
0x18: {  	[sflag:s31] =	ssyncadd.s32 $0xFFFE7960  }
.LBB2_1:
0x19: {  	s1 =	simm.s32 $0x40;
	s18 =	simm.s32 $0x0  }
.LBB2_2:
0x1a: {  	p0 =	sne.s32 s1, $0x61A40;
	[tilespmem:s18+$0x0] =	vst v0;
	s18 =	smov.u32 s1;
	s1 =	sadd.s32 $0x40, s1  }
.Ltmp2:
0x1b: {  	(pc) =	sbr.rel @p0 .LBB2_2-.Ltmp2, $2  }
0x1c: {  	_ =	sdelay $0x2  }
0x1d: {  	s18 =	sshra.s32 s18, $0x2  }
0x1e: {  	[tilespmem:s18+$0x0] =	vst v0;
	s1 =	simm.s32 $0x0;
	s22 =	simm.s32 $0x186A0  }
0x1f: {  	[tilespmem:s22], [sflag:$0x1] =	stream.linear.gather [hbm4b:s6+s1], $0x7D0, $0x38;
	[tilespmem:$0x1D4C0] =	vst v63  }
0x20: {  	s19 =	simm.s32 $0x19640  }
0x21: {  	[tilespmem:s19], [sflag:$0x1] =	stream.linear.gather [hbm4b:s8+s1], $0x7D0, $0x38;
	[tilespmem:$0x1D4C0] =	vst v63  }
0x22: {  	s20 =	simm.s32 $0x19E10  }
0x23: {  	[tilespmem:s20], [sflag:$0x1] =	stream.linear.gather [hbm4b:s11+s1], $0x7D0, $0x38;
	[tilespmem:$0x1D4C0] =	vst v63  }
.Ltmp3:
0x24: {  	_ = 	snop;
	(pc) =	sbr.rel .LBB2_4-.Ltmp3, $4  }
0x25: {  	s21 =	simm.s32 $0x1A5E0  }
0x26: {  	[tilespmem:s21], [sflag:$0x1] =	stream.linear.gather [hbm4b:s12+s1], $0x7D0, $0x38;
	[tilespmem:$0x1D4C0] =	vst v63  }
0x27: {  	s18 =	simm.s32 $0x0;
	s22 =	simm.s32 $0x1ADB0  }
0x28: {  	[tilespmem:s22], [sflag:$0x1] =	stream.linear.gather [hbm4b:s13+s1], $0x7D0, $0x38;
	[tilespmem:$0x1D4C0] =	vst v63  }
.LBB2_28:
0x29: {  	s18 =	sadd.s32 $0x1, s18  }
0x2a: {  	p0 =	sne.s32 s18, $0xC8  }
.Ltmp4:
0x2b: {  	_ = 	snop;
	(pc) =	sbr.rel @!p0 .LBB2_29-.Ltmp4, $1  }
0x2c: {  	_ =	sdelay $0x3  }
.LBB2_4:
0x2d: {  	s19 =	smul.u32 $0xFA0, s18;
	_ =	sdelay $0x1  }
0x2e: {  	s20 =	sadd.s32 s19, s14  }
0x2f: {  	s21 =	sshrl.u32 s20, $0x3  }
0x30: {  	s22 =	sadd.s32 s4, s20;
	s21 =	sadd.s32 s5, s21  }
0x31: {  	[tilespmem:s23], [sflag:$0x2] =	stream.linear.gather [hbm4b:s21+s1], $0x7D0, $0x38;
	[tilespmem:$0x1D4C0] =	vst v63  }
0x32: {  	s21 =	sshrl.u32 s22, $0x3  }
0x33: {  	s22 =	sadd.s32 s7, s20;
	s21 =	sadd.s32 s3, s21  }
0x34: {  	[tilespmem:s24], [sflag:$0x2] =	stream.linear.gather [hbm4b:s21+s1], $0x7D0, $0x38;
	[tilespmem:$0x1D4C0] =	vst v63  }
0x35: {  	s21 =	sshrl.u32 s22, $0x3  }
0x36: {  	s22 =	sadd.s32 s9, s20;
	s21 =	sadd.s32 s3, s21  }
0x37: {  	[tilespmem:s25], [sflag:$0x2] =	stream.linear.gather [hbm4b:s21+s1], $0x7D0, $0x38;
	[tilespmem:$0x1D4C0] =	vst v63  }
0x38: {  	s20 =	sadd.s32 s10, s20;
	s21 =	sshrl.u32 s22, $0x3  }
0x39: {  	s20 =	sshrl.u32 s20, $0x3;
	s21 =	sadd.s32 s3, s21  }
0x3a: {  	[tilespmem:s26], [sflag:$0x2] =	stream.linear.gather [hbm4b:s21+s1], $0x7D0, $0x38;
	[tilespmem:$0x1D4C0] =	vst v63  }
0x3b: {  	s20 =	sadd.s32 s3, s20  }
0x3c: {  	[tilespmem:s28], [sflag:$0x2] =	stream.linear.gather [hbm4b:s20+s1], $0x7D0, $0x38;
	[tilespmem:$0x1D4C0] =	vst v63  }
0x3d: {  	_ =	swait.ge [sflag:s29], $0x7D0  }
0x3e: {  	[sflag:s29] =	ssyncset.done $0x0  }
0x3f: {  	[sflag:s29] =	ssyncadd.s32 $0xFFFFF830  }
0x40: {  	_ =	swait.ge [sflag:s29], $0x7D0  }
0x41: {  	[sflag:s29] =	ssyncset.done $0x0  }
0x42: {  	[sflag:s29] =	ssyncadd.s32 $0xFFFFF830  }
0x43: {  	_ =	swait.ge [sflag:s29], $0x7D0  }
0x44: {  	[sflag:s29] =	ssyncset.done $0x0  }
0x45: {  	[sflag:s29] =	ssyncadd.s32 $0xFFFFF830  }
0x46: {  	_ =	swait.ge [sflag:s29], $0x7D0  }
0x47: {  	[sflag:s29] =	ssyncset.done $0x0  }
0x48: {  	[sflag:s29] =	ssyncadd.s32 $0xFFFFF830  }
0x49: {  	_ =	swait.ge [sflag:s29], $0x7D0  }
0x4a: {  	[sflag:s29] =	ssyncset.done $0x0  }
0x4b: {  	s22 =	simm.s32 $0x0;
	[sflag:s29] =	ssyncadd.s32 $0xFFFFF830  }
0x4c: {  	v2 =	vld [tilespmem:s22+$0x186A0];
	_ =	sdelay $0x4  }
0x4d: {  	v2 =	vshll.u32 v2, $0x2;
	_ =	sdelay $0x3  }
0x4e: {  	v4 =	vld [tilespmem:s22+$0x19640]  }
0x4f: {  	v3 =	vld.idx.msk [tilespmem:v2+s2+$0x0], $0xffff;
	_ =	sdelay $0x1  }
0x50: {  	v5 =	vor.u32 $0x1, v2;
	_ =	sdelay $0x2  }
0x51: {  	v3 =	vmax.f32 v4, v3  }
0x52: {  	[tilespmem:v2+s2+$0x0] =	vst.idx.msk $0xffff, v3  }
0x53: {  	v3 =	vld.idx.msk [tilespmem:v5+s2+$0x0], $0xffff  }
0x54: {  	v6 =	vld [tilespmem:s22+$0x19E10];
	_ =	sdelay $0x1  }
0x55: {  	v7 =	vor.u32 $0x2, v2;
	_ =	sdelay $0x2  }
0x56: {  	v3 =	vmax.f32 v6, v3  }
0x57: {  	v8 =	vld.idx.msk [tilespmem:v2+s2+$0x0], $0xffff;
	[tilespmem:v5+s2+$0x0] =	vst.idx.msk $0xffff, v3  }
0x58: {  	v3 =	vld.idx.msk [tilespmem:v7+s2+$0x0], $0xffff  }
0x59: {  	v9 =	vld [tilespmem:s22+$0x1A5E0];
	_ =	sdelay $0x1  }
0x5a: {  	v2 =	vor.u32 $0x3, v2;
	_ =	sdelay $0x2  }
0x5b: {  	v3 =	vmax.f32 v9, v3  }
0x5c: {  	v5 =	vld.idx.msk [tilespmem:v5+s2+$0x0], $0xffff;
	[tilespmem:v7+s2+$0x0] =	vst.idx.msk $0xffff, v3  }
0x5d: {  	v3 =	vld.idx.msk [tilespmem:v2+s2+$0x0], $0xffff  }
0x5e: {  	v10 =	vld [tilespmem:s22+$0x1ADB0];
	_ =	sdelay $0x4  }
0x5f: {  	v3 =	vmax.f32 v10, v3  }
0x60: {  	s20 =	simm.s32 $0x10;
	v7 =	vld.idx.msk [tilespmem:v7+s2+$0x0], $0xffff;
	[tilespmem:v2+s2+$0x0] =	vst.idx.msk $0xffff, v3  }
0x61: {  	v3 =	vld [tilespmem:s20+$0x186A0];
	_ =	sdelay $0x1  }
0x62: {  	v2 =	vld.idx.msk [tilespmem:v2+s2+$0x0], $0xffff;
	_ =	sdelay $0x2  }
0x63: {  	vm0 =	vgt.f32 v4, v8;
	vm1 =	vgt.f32 v6, v5;
	v3 =	vshll.u32 v3, $0x2  }
0x64: {  	vm0 =	vmor vm0, vm1;
	vm2 =	vgt.f32 v9, v7  }
0x65: {  	vm0 =	vmor vm0, vm2;
	vm1 =	vgt.f32 v10, v2  }
0x66: {  	s21 =	simm.s32 $0x80;
	v2 =	vimm.s32 $0x0;
	vm0 =	vmor vm0, vm1  }
.LBB2_5:
0x67: {  	p0 =	sne.s32 s21, $0x1F00;
	v4 =	vsel vm0, $0x1, v1;
	s22 =	smov.u32 s21;
	s21 =	sadd.s32 $0x40, s21  }
0x68: {  	v5 =	vld.idx.msk [tilespmem:v3+s2+$0x0], $0xffff;
	v2 =	vor.u32 v4, v2  }
0x69: {  	v4 =	vld [tilespmem:s20+$0x19640];
	_ =	sdelay $0x1  }
0x6a: {  	v6 =	vor.u32 $0x1, v3;
	_ =	sdelay $0x2  }
0x6b: {  	v5 =	vmax.f32 v4, v5  }
0x6c: {  	[tilespmem:v3+s2+$0x0] =	vst.idx.msk $0xffff, v5  }
0x6d: {  	v5 =	vld.idx.msk [tilespmem:v6+s2+$0x0], $0xffff  }
0x6e: {  	v7 =	vld [tilespmem:s20+$0x19E10];
	_ =	sdelay $0x1  }
0x6f: {  	v8 =	vor.u32 $0x2, v3;
	_ =	sdelay $0x2  }
0x70: {  	v9 =	vld.idx.msk [tilespmem:v3+s2+$0x0], $0xffff;
	v5 =	vmax.f32 v7, v5  }
0x71: {  	[tilespmem:v6+s2+$0x0] =	vst.idx.msk $0xffff, v5  }
0x72: {  	v5 =	vld.idx.msk [tilespmem:v8+s2+$0x0], $0xffff  }
0x73: {  	v10 =	vld [tilespmem:s20+$0x1A5E0];
	_ =	sdelay $0x1  }
0x74: {  	v3 =	vor.u32 $0x3, v3  }
0x75: {  	vm0 =	vgt.f32 v4, v9;
	_ =	sdelay $0x1  }
0x76: {  	v4 =	vld.idx.msk [tilespmem:v6+s2+$0x0], $0xffff;
	v5 =	vmax.f32 v10, v5  }
0x77: {  	[tilespmem:v8+s2+$0x0] =	vst.idx.msk $0xffff, v5  }
0x78: {  	v5 =	vld.idx.msk [tilespmem:v3+s2+$0x0], $0xffff  }
0x79: {  	v6 =	vld [tilespmem:s20+$0x1ADB0]  }
0x7a: {  	v8 =	vld.idx.msk [tilespmem:v8+s2+$0x0], $0xffff;
	_ =	sdelay $0x1  }
0x7b: {  	vm1 =	vgt.f32 v7, v4;
	_ =	sdelay $0x1  }
0x7c: {  	v4 =	vmax.f32 v6, v5  }
0x7d: {  	s20 =	sshra.s32 s22, $0x2;
	[tilespmem:v3+s2+$0x0] =	vst.idx.msk $0xffff, v4  }
0x7e: {  	vm2 =	vgt.f32 v10, v8;
	v4 =	vld [tilespmem:s20+$0x186A0]  }
0x7f: {  	v5 =	vld.idx.msk [tilespmem:v3+s2+$0x0], $0xffff;
	_ =	sdelay $0x2  }
.Ltmp5:
0x80: {  	(pc) =	sbr.rel @p0 .LBB2_5-.Ltmp5, $4  }
0x81: {  	vm0 =	vmor vm0, vm1;
	v3 =	vshll.u32 v4, $0x2  }
0x82: {  	vm0 =	vmor vm0, vm2  }
0x83: {  	vm1 =	vgt.f32 v6, v5  }
0x84: {  	vm0 =	vmor vm0, vm1  }
0x85: {  	_ =	sdelay $0x3  }
0x86: {  	v4 =	vld.idx.msk [tilespmem:v3+s2+$0x0], $0xffff  }
0x87: {  	v5 =	vld [tilespmem:s20+$0x19640];
	_ =	sdelay $0x1  }
0x88: {  	v6 =	vor.u32 $0x1, v3;
	_ =	sdelay $0x2  }
0x89: {  	v4 =	vmax.f32 v5, v4  }
0x8a: {  	[tilespmem:v3+s2+$0x0] =	vst.idx.msk $0xffff, v4  }
0x8b: {  	v4 =	vld.idx.msk [tilespmem:v6+s2+$0x0], $0xffff  }
0x8c: {  	v7 =	vld [tilespmem:s20+$0x19E10];
	_ =	sdelay $0x1  }
0x8d: {  	v8 =	vor.u32 $0x2, v3;
	_ =	sdelay $0x2  }
0x8e: {  	v4 =	vmax.f32 v7, v4  }
0x8f: {  	v9 =	vld.idx.msk [tilespmem:v3+s2+$0x0], $0xffff;
	[tilespmem:v6+s2+$0x0] =	vst.idx.msk $0xffff, v4  }
0x90: {  	v4 =	vld.idx.msk [tilespmem:v8+s2+$0x0], $0xffff  }
0x91: {  	v10 =	vld [tilespmem:s20+$0x1A5E0];
	_ =	sdelay $0x1  }
0x92: {  	v3 =	vor.u32 $0x3, v3;
	_ =	sdelay $0x2  }
0x93: {  	v4 =	vmax.f32 v10, v4  }
0x94: {  	v6 =	vld.idx.msk [tilespmem:v6+s2+$0x0], $0xffff;
	[tilespmem:v8+s2+$0x0] =	vst.idx.msk $0xffff, v4  }
0x95: {  	v4 =	vld.idx.msk [tilespmem:v3+s2+$0x0], $0xffff  }
0x96: {  	v11 =	vld [tilespmem:s20+$0x1ADB0];
	_ =	sdelay $0x4  }
0x97: {  	v4 =	vmax.f32 v11, v4  }
0x98: {  	v8 =	vld.idx.msk [tilespmem:v8+s2+$0x0], $0xffff;
	[tilespmem:v3+s2+$0x0] =	vst.idx.msk $0xffff, v4  }
0x99: {  	v3 =	vld.idx.msk [tilespmem:v3+s2+$0x0], $0xffff;
	_ =	sdelay $0x2  }
0x9a: {  	vm1 =	vgt.f32 v5, v9;
	vm2 =	vgt.f32 v7, v6  }
0x9b: {  	vm1 =	vmor vm1, vm2;
	vm12 =	vgt.f32 v10, v8  }
0x9c: {  	vm1 =	vmor vm1, vm12;
	vm13 =	vgt.f32 v11, v3  }
0x9d: {  	v3 =	vsel vm0, $0x1, v1;
	vm14 =	vmor vm1, vm13  }
0x9e: {  	v2 =	vor.u32 v3, v2;
	v3 =	vsel vm14, $0x1, v1  }
0x9f: {  	v2 =	vor.u32 v3, v2  }
0xa0: {  	vm15 =	vgt.s32 v2, $0x0  }
0xa1: {  	v2 =	vsel vm15, $0x3F800000, v0  }
0xa2: {  	(xrf0) =	vmax.scan.msk.f32 $0xffff, v2;
	_ =	sdelay $0x5  }
0xa3: {  	v2, _, _ =	vpop (xrf0)  }
0xa4: {  	(v2sf) =	vpush v2, $0xF;
	_ =	sdelay $0xe  }
0xa5: {  	s22 =	spop (v2sf)  }
0xa6: {  	p0 =	sgt.f32 s22, $0.0e+00  }
.Ltmp6:
0xa7: {  	_ = 	snop;
	(pc) =	sbr.rel @p0 .LBB2_7-.Ltmp6, $2  }
0xa8: {  	_ =	sdelay $0x2  }
0xa9: {  	s20 =	simm.s32 $0x0  }
.LBB2_16:
0xaa: {  	p0 =	seq.s32 s18, $0xC7  }
0xab: {  	s19 =	sadd.s32 @!p0 s19, s15  }
0xac: {  	s20 =	sshrl.u32 @!p0 s19, $0x3  }
0xad: {  	s21 =	simm.s32 @!p0 $0x0;
	s22 =	simm.s32 @!p0 $0x186A0;
	s20 =	sadd.s32 @!p0 s5, s20  }
0xae: {  	[tilespmem:s22], [sflag:$0x1] =	stream.linear.gather @!p0 [hbm4b:s20+s21], $0x7D0, $0x38;
	[tilespmem:$0x1D4C0] =	vst v63  }
0xaf: {  	s20 =	sadd.s32 @!p0 s4, s19  }
0xb0: {  	s20 =	sshrl.u32 @!p0 s20, $0x3  }
0xb1: {  	s22 =	simm.s32 @!p0 $0x19640;
	s20 =	sadd.s32 @!p0 s3, s20  }
0xb2: {  	[tilespmem:s22], [sflag:$0x1] =	stream.linear.gather @!p0 [hbm4b:s20+s21], $0x7D0, $0x38;
	[tilespmem:$0x1D4C0] =	vst v63  }
0xb3: {  	s20 =	sadd.s32 @!p0 s7, s19  }
0xb4: {  	s20 =	sshrl.u32 @!p0 s20, $0x3  }
0xb5: {  	s22 =	simm.s32 @!p0 $0x19E10;
	s20 =	sadd.s32 @!p0 s3, s20  }
0xb6: {  	[tilespmem:s22], [sflag:$0x1] =	stream.linear.gather @!p0 [hbm4b:s20+s21], $0x7D0, $0x38;
	[tilespmem:$0x1D4C0] =	vst v63  }
0xb7: {  	s20 =	sadd.s32 @!p0 s9, s19  }
0xb8: {  	s19 =	sadd.s32 @!p0 s10, s19;
	s20 =	sshrl.u32 @!p0 s20, $0x3  }
0xb9: {  	s22 =	simm.s32 @!p0 $0x1A5E0;
	s19 =	sshrl.u32 @!p0 s19, $0x3;
	s20 =	sadd.s32 @!p0 s3, s20  }
0xba: {  	[tilespmem:s22], [sflag:$0x1] =	stream.linear.gather @!p0 [hbm4b:s20+s21], $0x7D0, $0x38;
	[tilespmem:$0x1D4C0] =	vst v63  }
0xbb: {  	s19 =	sadd.s32 @!p0 s3, s19;
	s20 =	simm.s32 @!p0 $0x1ADB0  }
0xbc: {  	[tilespmem:s20], [sflag:$0x1] =	stream.linear.gather @!p0 [hbm4b:s19+s21], $0x7D0, $0x38;
	[tilespmem:$0x1D4C0] =	vst v63  }
0xbd: {  	_ =	swait.ge [sflag:s30], $0x7D0  }
0xbe: {  	[sflag:s30] =	ssyncset.done $0x0  }
0xbf: {  	[sflag:s30] =	ssyncadd.s32 $0xFFFFF830  }
0xc0: {  	_ =	swait.ge [sflag:s30], $0x7D0  }
0xc1: {  	[sflag:s30] =	ssyncset.done $0x0  }
0xc2: {  	[sflag:s30] =	ssyncadd.s32 $0xFFFFF830  }
0xc3: {  	_ =	swait.ge [sflag:s30], $0x7D0  }
0xc4: {  	[sflag:s30] =	ssyncset.done $0x0  }
0xc5: {  	[sflag:s30] =	ssyncadd.s32 $0xFFFFF830  }
0xc6: {  	_ =	swait.ge [sflag:s30], $0x7D0  }
0xc7: {  	[sflag:s30] =	ssyncset.done $0x0  }
0xc8: {  	[sflag:s30] =	ssyncadd.s32 $0xFFFFF830  }
0xc9: {  	_ =	swait.ge [sflag:s30], $0x7D0  }
0xca: {  	[sflag:s30] =	ssyncset.done $0x0  }
0xcb: {  	s22 =	simm.s32 $0x0;
	[sflag:s30] =	ssyncadd.s32 $0xFFFFF830  }
0xcc: {  	v2 =	vld [tilespmem:s22+$0x18E70];
	_ =	sdelay $0x4  }
0xcd: {  	v2 =	vshll.u32 v2, $0x2;
	_ =	sdelay $0x3  }
0xce: {  	v4 =	vld [tilespmem:s22+$0x1B580]  }
0xcf: {  	v3 =	vld.idx.msk [tilespmem:v2+s2+$0x0], $0xffff;
	_ =	sdelay $0x1  }
0xd0: {  	v5 =	vor.u32 $0x1, v2;
	_ =	sdelay $0x2  }
0xd1: {  	v3 =	vmax.f32 v4, v3  }
0xd2: {  	[tilespmem:v2+s2+$0x0] =	vst.idx.msk $0xffff, v3  }
0xd3: {  	v3 =	vld.idx.msk [tilespmem:v5+s2+$0x0], $0xffff  }
0xd4: {  	v6 =	vld [tilespmem:s22+$0x1BD50];
	_ =	sdelay $0x1  }
0xd5: {  	v7 =	vor.u32 $0x2, v2;
	_ =	sdelay $0x2  }
0xd6: {  	v3 =	vmax.f32 v6, v3  }
0xd7: {  	v8 =	vld.idx.msk [tilespmem:v2+s2+$0x0], $0xffff;
	[tilespmem:v5+s2+$0x0] =	vst.idx.msk $0xffff, v3  }
0xd8: {  	v3 =	vld.idx.msk [tilespmem:v7+s2+$0x0], $0xffff  }
0xd9: {  	v9 =	vld [tilespmem:s22+$0x1C520];
	_ =	sdelay $0x1  }
0xda: {  	v2 =	vor.u32 $0x3, v2;
	_ =	sdelay $0x2  }
0xdb: {  	v3 =	vmax.f32 v9, v3  }
0xdc: {  	v5 =	vld.idx.msk [tilespmem:v5+s2+$0x0], $0xffff;
	[tilespmem:v7+s2+$0x0] =	vst.idx.msk $0xffff, v3  }
0xdd: {  	v3 =	vld.idx.msk [tilespmem:v2+s2+$0x0], $0xffff  }
0xde: {  	v10 =	vld [tilespmem:s22+$0x1CCF0];
	_ =	sdelay $0x4  }
0xdf: {  	v3 =	vmax.f32 v10, v3  }
0xe0: {  	s19 =	simm.s32 $0x10;
	v7 =	vld.idx.msk [tilespmem:v7+s2+$0x0], $0xffff;
	[tilespmem:v2+s2+$0x0] =	vst.idx.msk $0xffff, v3  }
0xe1: {  	v3 =	vld [tilespmem:s19+$0x18E70];
	_ =	sdelay $0x1  }
0xe2: {  	v2 =	vld.idx.msk [tilespmem:v2+s2+$0x0], $0xffff;
	_ =	sdelay $0x2  }
0xe3: {  	vm0 =	vgt.f32 v4, v8;
	vm1 =	vgt.f32 v6, v5;
	v3 =	vshll.u32 v3, $0x2  }
0xe4: {  	vm0 =	vmor vm0, vm1;
	vm2 =	vgt.f32 v9, v7  }
0xe5: {  	vm0 =	vmor vm0, vm2;
	vm1 =	vgt.f32 v10, v2  }
0xe6: {  	s20 =	simm.s32 $0x80;
	v2 =	vimm.s32 $0x0;
	vm0 =	vmor vm0, vm1  }
.LBB2_17:
0xe7: {  	p0 =	sne.s32 s20, $0x1F00;
	v4 =	vsel vm0, $0x1, v1;
	s21 =	smov.u32 s20;
	s20 =	sadd.s32 $0x40, s20  }
0xe8: {  	v5 =	vld.idx.msk [tilespmem:v3+s2+$0x0], $0xffff;
	v2 =	vor.u32 v4, v2  }
0xe9: {  	v4 =	vld [tilespmem:s19+$0x1B580];
	_ =	sdelay $0x1  }
0xea: {  	v6 =	vor.u32 $0x1, v3;
	_ =	sdelay $0x2  }
0xeb: {  	v5 =	vmax.f32 v4, v5  }
0xec: {  	[tilespmem:v3+s2+$0x0] =	vst.idx.msk $0xffff, v5  }
0xed: {  	v5 =	vld.idx.msk [tilespmem:v6+s2+$0x0], $0xffff  }
0xee: {  	v7 =	vld [tilespmem:s19+$0x1BD50];
	_ =	sdelay $0x1  }
0xef: {  	v8 =	vor.u32 $0x2, v3;
	_ =	sdelay $0x2  }
0xf0: {  	v9 =	vld.idx.msk [tilespmem:v3+s2+$0x0], $0xffff;
	v5 =	vmax.f32 v7, v5  }
0xf1: {  	[tilespmem:v6+s2+$0x0] =	vst.idx.msk $0xffff, v5  }
0xf2: {  	v5 =	vld.idx.msk [tilespmem:v8+s2+$0x0], $0xffff  }
0xf3: {  	v10 =	vld [tilespmem:s19+$0x1C520];
	_ =	sdelay $0x1  }
0xf4: {  	v3 =	vor.u32 $0x3, v3  }
0xf5: {  	vm0 =	vgt.f32 v4, v9;
	_ =	sdelay $0x1  }
0xf6: {  	v4 =	vld.idx.msk [tilespmem:v6+s2+$0x0], $0xffff;
	v5 =	vmax.f32 v10, v5  }
0xf7: {  	[tilespmem:v8+s2+$0x0] =	vst.idx.msk $0xffff, v5  }
0xf8: {  	v5 =	vld.idx.msk [tilespmem:v3+s2+$0x0], $0xffff  }
0xf9: {  	v6 =	vld [tilespmem:s19+$0x1CCF0]  }
0xfa: {  	v8 =	vld.idx.msk [tilespmem:v8+s2+$0x0], $0xffff;
	_ =	sdelay $0x1  }
0xfb: {  	vm1 =	vgt.f32 v7, v4;
	_ =	sdelay $0x1  }
0xfc: {  	v4 =	vmax.f32 v6, v5  }
0xfd: {  	s19 =	sshra.s32 s21, $0x2;
	[tilespmem:v3+s2+$0x0] =	vst.idx.msk $0xffff, v4  }
0xfe: {  	vm2 =	vgt.f32 v10, v8;
	v4 =	vld [tilespmem:s19+$0x18E70]  }
0xff: {  	v5 =	vld.idx.msk [tilespmem:v3+s2+$0x0], $0xffff;
	_ =	sdelay $0x2  }
.Ltmp7:
0x100: {  	(pc) =	sbr.rel @p0 .LBB2_17-.Ltmp7, $4  }
0x101: {  	vm0 =	vmor vm0, vm1;
	v3 =	vshll.u32 v4, $0x2  }
0x102: {  	vm0 =	vmor vm0, vm2  }
0x103: {  	vm1 =	vgt.f32 v6, v5  }
0x104: {  	vm0 =	vmor vm0, vm1  }
0x105: {  	_ =	sdelay $0x3  }
0x106: {  	v4 =	vld.idx.msk [tilespmem:v3+s2+$0x0], $0xffff  }
0x107: {  	v5 =	vld [tilespmem:s19+$0x1B580];
	_ =	sdelay $0x1  }
0x108: {  	v6 =	vor.u32 $0x1, v3;
	_ =	sdelay $0x2  }
0x109: {  	v4 =	vmax.f32 v5, v4  }
0x10a: {  	[tilespmem:v3+s2+$0x0] =	vst.idx.msk $0xffff, v4  }
0x10b: {  	v4 =	vld.idx.msk [tilespmem:v6+s2+$0x0], $0xffff  }
0x10c: {  	v7 =	vld [tilespmem:s19+$0x1BD50];
	_ =	sdelay $0x1  }
0x10d: {  	v8 =	vor.u32 $0x2, v3;
	_ =	sdelay $0x2  }
0x10e: {  	v4 =	vmax.f32 v7, v4  }
0x10f: {  	v9 =	vld.idx.msk [tilespmem:v3+s2+$0x0], $0xffff;
	[tilespmem:v6+s2+$0x0] =	vst.idx.msk $0xffff, v4  }
0x110: {  	v4 =	vld.idx.msk [tilespmem:v8+s2+$0x0], $0xffff  }
0x111: {  	v10 =	vld [tilespmem:s19+$0x1C520];
	_ =	sdelay $0x1  }
0x112: {  	v3 =	vor.u32 $0x3, v3;
	_ =	sdelay $0x2  }
0x113: {  	v4 =	vmax.f32 v10, v4  }
0x114: {  	v6 =	vld.idx.msk [tilespmem:v6+s2+$0x0], $0xffff;
	[tilespmem:v8+s2+$0x0] =	vst.idx.msk $0xffff, v4  }
0x115: {  	v4 =	vld.idx.msk [tilespmem:v3+s2+$0x0], $0xffff  }
0x116: {  	v11 =	vld [tilespmem:s19+$0x1CCF0];
	_ =	sdelay $0x4  }
0x117: {  	v4 =	vmax.f32 v11, v4  }
0x118: {  	v8 =	vld.idx.msk [tilespmem:v8+s2+$0x0], $0xffff;
	[tilespmem:v3+s2+$0x0] =	vst.idx.msk $0xffff, v4  }
0x119: {  	v3 =	vld.idx.msk [tilespmem:v3+s2+$0x0], $0xffff;
	_ =	sdelay $0x2  }
0x11a: {  	vm1 =	vgt.f32 v5, v9;
	vm2 =	vgt.f32 v7, v6  }
0x11b: {  	vm1 =	vmor vm1, vm2;
	vm12 =	vgt.f32 v10, v8  }
0x11c: {  	vm1 =	vmor vm1, vm12;
	vm13 =	vgt.f32 v11, v3  }
0x11d: {  	v3 =	vsel vm0, $0x1, v1;
	vm14 =	vmor vm1, vm13  }
0x11e: {  	v2 =	vor.u32 v3, v2;
	v3 =	vsel vm14, $0x1, v1  }
0x11f: {  	v2 =	vor.u32 v3, v2  }
0x120: {  	vm15 =	vgt.s32 v2, $0x0  }
0x121: {  	v2 =	vsel vm15, $0x3F800000, v0  }
0x122: {  	(xrf0) =	vmax.scan.msk.f32 $0xffff, v2;
	_ =	sdelay $0x5  }
0x123: {  	v2, _, _ =	vpop (xrf0)  }
0x124: {  	(v2sf) =	vpush v2, $0xF;
	_ =	sdelay $0xe  }
0x125: {  	s22 =	spop (v2sf)  }
0x126: {  	p0 =	sgt.f32 s22, $0.0e+00  }
.Ltmp8:
0x127: {  	_ = 	snop;
	(pc) =	sbr.rel @!p0 .LBB2_28-.Ltmp8, $4  }
.Ltmp9:
0x128: {  	_ = 	snop;
	(pc) =	sbr.rel @p0 .LBB2_19-.Ltmp9, $4  }
0x129: {  	_ = 	snop  }
0x12a: {  	_ = 	snop  }
0x12b: {  	s19 =	simm.s32 $0x0  }
0x12c: {  	_ = 	snop  }
.LBB2_15:
0x12d: {  	s20 =	sadd.s32 $0x1, s20  }
0x12e: {  	p0 =	sne.s32 s20, $0x7D  }
.Ltmp10:
0x12f: {  	_ = 	snop;
	(pc) =	sbr.rel @!p0 .LBB2_16-.Ltmp10, $1  }
0x130: {  	_ =	sdelay $0x3  }
.LBB2_7:
0x131: {  	s21 =	sshll.u32 s20, $0x4  }
0x132: {  	v2 =	vld [tilespmem:s21+$0x186A0];
	_ =	sdelay $0x4  }
0x133: {  	v2 =	vshll.u32 v2, $0x2;
	_ =	sdelay $0x3  }
0x134: {  	v3 =	vld [tilespmem:s21+$0x19640]  }
0x135: {  	v4 =	vld.idx.msk [tilespmem:v2+s2+$0x0], $0xffff;
	_ =	sdelay $0x4  }
0x136: {  	vm0 =	vgt.f32 v3, v4  }
0x137: {  	v4 =	vsel vm0, $0x3F800000, v0  }
0x138: {  	(xrf0) =	vmax.scan.msk.f32 $0xffff, v4;
	_ =	sdelay $0x5  }
0x139: {  	v4, _, _ =	vpop (xrf0)  }
0x13a: {  	(v2sf) =	vpush v4, $0xF;
	_ =	sdelay $0xe  }
0x13b: {  	s22 =	spop (v2sf)  }
0x13c: {  	p0 =	sgt.f32 s22, $0.0e+00  }
.Ltmp11:
0x13d: {  	_ = 	snop;
	(pc) =	sbr.rel @!p0 .LBB2_9-.Ltmp11, $1  }
0x13e: {  	_ =	sdelay $0x3  }
.LBB2_8:
0x13f: {  	[tilespmem:v2+s2+$0x0] =	vst.idx.msk vm0, v3  }
0x140: {  	v4 =	vld.idx.msk [tilespmem:v2+s2+$0x0], $0xffff;
	_ =	sdelay $0x4  }
0x141: {  	vm0 =	vgt.f32 v3, v4  }
0x142: {  	v4 =	vsel vm0, $0x3F800000, v0  }
0x143: {  	(xrf0) =	vmax.scan.msk.f32 $0xffff, v4;
	_ =	sdelay $0x5  }
0x144: {  	v4, _, _ =	vpop (xrf0)  }
0x145: {  	(v2sf) =	vpush v4, $0xF;
	_ =	sdelay $0xe  }
0x146: {  	s22 =	spop (v2sf)  }
0x147: {  	p0 =	sgt.f32 s22, $0.0e+00  }
.Ltmp12:
0x148: {  	_ = 	snop;
	(pc) =	sbr.rel @p0 .LBB2_8-.Ltmp12, $1  }
0x149: {  	_ =	sdelay $0x3  }
.LBB2_9:
0x14a: {  	v3 =	vor.u32 $0x1, v2;
	_ =	sdelay $0x3  }
0x14b: {  	v4 =	vld [tilespmem:s21+$0x19E10]  }
0x14c: {  	v5 =	vld.idx.msk [tilespmem:v3+s2+$0x0], $0xffff;
	_ =	sdelay $0x4  }
0x14d: {  	vm0 =	vgt.f32 v4, v5  }
0x14e: {  	v5 =	vsel vm0, $0x3F800000, v0  }
0x14f: {  	(xrf0) =	vmax.scan.msk.f32 $0xffff, v5;
	_ =	sdelay $0x5  }
0x150: {  	v5, _, _ =	vpop (xrf0)  }
0x151: {  	(v2sf) =	vpush v5, $0xF;
	_ =	sdelay $0xe  }
0x152: {  	s22 =	spop (v2sf)  }
0x153: {  	p0 =	sgt.f32 s22, $0.0e+00  }
.Ltmp13:
0x154: {  	_ = 	snop;
	(pc) =	sbr.rel @!p0 .LBB2_11-.Ltmp13, $1  }
0x155: {  	_ =	sdelay $0x3  }
.LBB2_10:
0x156: {  	[tilespmem:v3+s2+$0x0] =	vst.idx.msk vm0, v4  }
0x157: {  	v5 =	vld.idx.msk [tilespmem:v3+s2+$0x0], $0xffff;
	_ =	sdelay $0x4  }
0x158: {  	vm0 =	vgt.f32 v4, v5  }
0x159: {  	v5 =	vsel vm0, $0x3F800000, v0  }
0x15a: {  	(xrf0) =	vmax.scan.msk.f32 $0xffff, v5;
	_ =	sdelay $0x5  }
0x15b: {  	v5, _, _ =	vpop (xrf0)  }
0x15c: {  	(v2sf) =	vpush v5, $0xF;
	_ =	sdelay $0xe  }
0x15d: {  	s22 =	spop (v2sf)  }
0x15e: {  	p0 =	sgt.f32 s22, $0.0e+00  }
.Ltmp14:
0x15f: {  	_ = 	snop;
	(pc) =	sbr.rel @p0 .LBB2_10-.Ltmp14, $1  }
0x160: {  	_ =	sdelay $0x3  }
.LBB2_11:
0x161: {  	v3 =	vor.u32 $0x2, v2;
	_ =	sdelay $0x3  }
0x162: {  	v4 =	vld [tilespmem:s21+$0x1A5E0]  }
0x163: {  	v5 =	vld.idx.msk [tilespmem:v3+s2+$0x0], $0xffff;
	_ =	sdelay $0x4  }
0x164: {  	vm0 =	vgt.f32 v4, v5  }
0x165: {  	v5 =	vsel vm0, $0x3F800000, v0  }
0x166: {  	(xrf0) =	vmax.scan.msk.f32 $0xffff, v5;
	_ =	sdelay $0x5  }
0x167: {  	v5, _, _ =	vpop (xrf0)  }
0x168: {  	(v2sf) =	vpush v5, $0xF;
	_ =	sdelay $0xe  }
0x169: {  	s22 =	spop (v2sf)  }
0x16a: {  	p0 =	sgt.f32 s22, $0.0e+00  }
.Ltmp15:
0x16b: {  	_ = 	snop;
	(pc) =	sbr.rel @!p0 .LBB2_13-.Ltmp15, $1  }
0x16c: {  	_ =	sdelay $0x3  }
.LBB2_12:
0x16d: {  	[tilespmem:v3+s2+$0x0] =	vst.idx.msk vm0, v4  }
0x16e: {  	v5 =	vld.idx.msk [tilespmem:v3+s2+$0x0], $0xffff;
	_ =	sdelay $0x4  }
0x16f: {  	vm0 =	vgt.f32 v4, v5  }
0x170: {  	v5 =	vsel vm0, $0x3F800000, v0  }
0x171: {  	(xrf0) =	vmax.scan.msk.f32 $0xffff, v5;
	_ =	sdelay $0x5  }
0x172: {  	v5, _, _ =	vpop (xrf0)  }
0x173: {  	(v2sf) =	vpush v5, $0xF;
	_ =	sdelay $0xe  }
0x174: {  	s22 =	spop (v2sf)  }
0x175: {  	p0 =	sgt.f32 s22, $0.0e+00  }
.Ltmp16:
0x176: {  	_ = 	snop;
	(pc) =	sbr.rel @p0 .LBB2_12-.Ltmp16, $1  }
0x177: {  	_ =	sdelay $0x3  }
.LBB2_13:
0x178: {  	v2 =	vor.u32 $0x3, v2;
	_ =	sdelay $0x3  }
0x179: {  	v3 =	vld [tilespmem:s21+$0x1ADB0]  }
0x17a: {  	v4 =	vld.idx.msk [tilespmem:v2+s2+$0x0], $0xffff;
	_ =	sdelay $0x4  }
0x17b: {  	vm0 =	vgt.f32 v3, v4  }
0x17c: {  	v4 =	vsel vm0, $0x3F800000, v0  }
0x17d: {  	(xrf0) =	vmax.scan.msk.f32 $0xffff, v4;
	_ =	sdelay $0x5  }
0x17e: {  	v4, _, _ =	vpop (xrf0)  }
0x17f: {  	(v2sf) =	vpush v4, $0xF;
	_ =	sdelay $0xe  }
0x180: {  	s22 =	spop (v2sf)  }
0x181: {  	p0 =	sgt.f32 s22, $0.0e+00  }
.Ltmp17:
0x182: {  	_ = 	snop;
	(pc) =	sbr.rel @!p0 .LBB2_15-.Ltmp17, $1  }
0x183: {  	_ =	sdelay $0x3  }
.LBB2_14:
0x184: {  	[tilespmem:v2+s2+$0x0] =	vst.idx.msk vm0, v3  }
0x185: {  	v4 =	vld.idx.msk [tilespmem:v2+s2+$0x0], $0xffff;
	_ =	sdelay $0x4  }
0x186: {  	vm0 =	vgt.f32 v3, v4  }
0x187: {  	v4 =	vsel vm0, $0x3F800000, v0  }
0x188: {  	(xrf0) =	vmax.scan.msk.f32 $0xffff, v4;
	_ =	sdelay $0x5  }
0x189: {  	v4, _, _ =	vpop (xrf0)  }
0x18a: {  	(v2sf) =	vpush v4, $0xF;
	_ =	sdelay $0xe  }
0x18b: {  	s21 =	spop (v2sf)  }
0x18c: {  	p0 =	sgt.f32 s21, $0.0e+00  }
.Ltmp18:
0x18d: {  	_ = 	snop;
	(pc) =	sbr.rel @p0 .LBB2_14-.Ltmp18, $1  }
0x18e: {  	_ =	sdelay $0x3  }
.Ltmp19:
0x18f: {  	_ = 	snop;
	(pc) =	sbr.rel .LBB2_15-.Ltmp19, $1  }
0x190: {  	_ =	sdelay $0x3  }
.LBB2_27:
0x191: {  	s19 =	sadd.s32 $0x1, s19  }
0x192: {  	p0 =	sne.s32 s19, $0x7D  }
.Ltmp20:
0x193: {  	_ = 	snop;
	(pc) =	sbr.rel @!p0 .LBB2_28-.Ltmp20, $1  }
0x194: {  	_ =	sdelay $0x3  }
.LBB2_19:
0x195: {  	s20 =	sshll.u32 s19, $0x4  }
0x196: {  	v2 =	vld [tilespmem:s20+$0x18E70];
	_ =	sdelay $0x4  }
0x197: {  	v2 =	vshll.u32 v2, $0x2;
	_ =	sdelay $0x3  }
0x198: {  	v3 =	vld [tilespmem:s20+$0x1B580]  }
0x199: {  	v4 =	vld.idx.msk [tilespmem:v2+s2+$0x0], $0xffff;
	_ =	sdelay $0x4  }
0x19a: {  	vm0 =	vgt.f32 v3, v4  }
0x19b: {  	v4 =	vsel vm0, $0x3F800000, v0  }
0x19c: {  	(xrf0) =	vmax.scan.msk.f32 $0xffff, v4;
	_ =	sdelay $0x5  }
0x19d: {  	v4, _, _ =	vpop (xrf0)  }
0x19e: {  	(v2sf) =	vpush v4, $0xF;
	_ =	sdelay $0xe  }
0x19f: {  	s21 =	spop (v2sf)  }
0x1a0: {  	p0 =	sgt.f32 s21, $0.0e+00  }
.Ltmp21:
0x1a1: {  	_ = 	snop;
	(pc) =	sbr.rel @!p0 .LBB2_21-.Ltmp21, $1  }
0x1a2: {  	_ =	sdelay $0x3  }
.LBB2_20:
0x1a3: {  	[tilespmem:v2+s2+$0x0] =	vst.idx.msk vm0, v3  }
0x1a4: {  	v4 =	vld.idx.msk [tilespmem:v2+s2+$0x0], $0xffff;
	_ =	sdelay $0x4  }
0x1a5: {  	vm0 =	vgt.f32 v3, v4  }
0x1a6: {  	v4 =	vsel vm0, $0x3F800000, v0  }
0x1a7: {  	(xrf0) =	vmax.scan.msk.f32 $0xffff, v4;
	_ =	sdelay $0x5  }
0x1a8: {  	v4, _, _ =	vpop (xrf0)  }
0x1a9: {  	(v2sf) =	vpush v4, $0xF;
	_ =	sdelay $0xe  }
0x1aa: {  	s21 =	spop (v2sf)  }
0x1ab: {  	p0 =	sgt.f32 s21, $0.0e+00  }
.Ltmp22:
0x1ac: {  	_ = 	snop;
	(pc) =	sbr.rel @p0 .LBB2_20-.Ltmp22, $1  }
0x1ad: {  	_ =	sdelay $0x3  }
.LBB2_21:
0x1ae: {  	v3 =	vor.u32 $0x1, v2;
	_ =	sdelay $0x3  }
0x1af: {  	v4 =	vld [tilespmem:s20+$0x1BD50]  }
0x1b0: {  	v5 =	vld.idx.msk [tilespmem:v3+s2+$0x0], $0xffff;
	_ =	sdelay $0x4  }
0x1b1: {  	vm0 =	vgt.f32 v4, v5  }
0x1b2: {  	v5 =	vsel vm0, $0x3F800000, v0  }
0x1b3: {  	(xrf0) =	vmax.scan.msk.f32 $0xffff, v5;
	_ =	sdelay $0x5  }
0x1b4: {  	v5, _, _ =	vpop (xrf0)  }
0x1b5: {  	(v2sf) =	vpush v5, $0xF;
	_ =	sdelay $0xe  }
0x1b6: {  	s21 =	spop (v2sf)  }
0x1b7: {  	p0 =	sgt.f32 s21, $0.0e+00  }
.Ltmp23:
0x1b8: {  	_ = 	snop;
	(pc) =	sbr.rel @!p0 .LBB2_23-.Ltmp23, $1  }
0x1b9: {  	_ =	sdelay $0x3  }
.LBB2_22:
0x1ba: {  	[tilespmem:v3+s2+$0x0] =	vst.idx.msk vm0, v4  }
0x1bb: {  	v5 =	vld.idx.msk [tilespmem:v3+s2+$0x0], $0xffff;
	_ =	sdelay $0x4  }
0x1bc: {  	vm0 =	vgt.f32 v4, v5  }
0x1bd: {  	v5 =	vsel vm0, $0x3F800000, v0  }
0x1be: {  	(xrf0) =	vmax.scan.msk.f32 $0xffff, v5;
	_ =	sdelay $0x5  }
0x1bf: {  	v5, _, _ =	vpop (xrf0)  }
0x1c0: {  	(v2sf) =	vpush v5, $0xF;
	_ =	sdelay $0xe  }
0x1c1: {  	s21 =	spop (v2sf)  }
0x1c2: {  	p0 =	sgt.f32 s21, $0.0e+00  }
.Ltmp24:
0x1c3: {  	_ = 	snop;
	(pc) =	sbr.rel @p0 .LBB2_22-.Ltmp24, $1  }
0x1c4: {  	_ =	sdelay $0x3  }
.LBB2_23:
0x1c5: {  	v3 =	vor.u32 $0x2, v2;
	_ =	sdelay $0x3  }
0x1c6: {  	v4 =	vld [tilespmem:s20+$0x1C520]  }
0x1c7: {  	v5 =	vld.idx.msk [tilespmem:v3+s2+$0x0], $0xffff;
	_ =	sdelay $0x4  }
0x1c8: {  	vm0 =	vgt.f32 v4, v5  }
0x1c9: {  	v5 =	vsel vm0, $0x3F800000, v0  }
0x1ca: {  	(xrf0) =	vmax.scan.msk.f32 $0xffff, v5;
	_ =	sdelay $0x5  }
0x1cb: {  	v5, _, _ =	vpop (xrf0)  }
0x1cc: {  	(v2sf) =	vpush v5, $0xF;
	_ =	sdelay $0xe  }
0x1cd: {  	s21 =	spop (v2sf)  }
0x1ce: {  	p0 =	sgt.f32 s21, $0.0e+00  }
.Ltmp25:
0x1cf: {  	_ = 	snop;
	(pc) =	sbr.rel @!p0 .LBB2_25-.Ltmp25, $1  }
0x1d0: {  	_ =	sdelay $0x3  }
.LBB2_24:
0x1d1: {  	[tilespmem:v3+s2+$0x0] =	vst.idx.msk vm0, v4  }
0x1d2: {  	v5 =	vld.idx.msk [tilespmem:v3+s2+$0x0], $0xffff;
	_ =	sdelay $0x4  }
0x1d3: {  	vm0 =	vgt.f32 v4, v5  }
0x1d4: {  	v5 =	vsel vm0, $0x3F800000, v0  }
0x1d5: {  	(xrf0) =	vmax.scan.msk.f32 $0xffff, v5;
	_ =	sdelay $0x5  }
0x1d6: {  	v5, _, _ =	vpop (xrf0)  }
0x1d7: {  	(v2sf) =	vpush v5, $0xF;
	_ =	sdelay $0xe  }
0x1d8: {  	s21 =	spop (v2sf)  }
0x1d9: {  	p0 =	sgt.f32 s21, $0.0e+00  }
.Ltmp26:
0x1da: {  	_ = 	snop;
	(pc) =	sbr.rel @p0 .LBB2_24-.Ltmp26, $1  }
0x1db: {  	_ =	sdelay $0x3  }
.LBB2_25:
0x1dc: {  	v2 =	vor.u32 $0x3, v2;
	_ =	sdelay $0x3  }
0x1dd: {  	v3 =	vld [tilespmem:s20+$0x1CCF0]  }
0x1de: {  	v4 =	vld.idx.msk [tilespmem:v2+s2+$0x0], $0xffff;
	_ =	sdelay $0x4  }
0x1df: {  	vm0 =	vgt.f32 v3, v4  }
0x1e0: {  	v4 =	vsel vm0, $0x3F800000, v0  }
0x1e1: {  	(xrf0) =	vmax.scan.msk.f32 $0xffff, v4;
	_ =	sdelay $0x5  }
0x1e2: {  	v4, _, _ =	vpop (xrf0)  }
0x1e3: {  	(v2sf) =	vpush v4, $0xF;
	_ =	sdelay $0xe  }
0x1e4: {  	s22 =	spop (v2sf)  }
0x1e5: {  	p0 =	sgt.f32 s22, $0.0e+00  }
.Ltmp27:
0x1e6: {  	_ = 	snop;
	(pc) =	sbr.rel @!p0 .LBB2_27-.Ltmp27, $1  }
0x1e7: {  	_ =	sdelay $0x3  }
.LBB2_26:
0x1e8: {  	[tilespmem:v2+s2+$0x0] =	vst.idx.msk vm0, v3  }
0x1e9: {  	v4 =	vld.idx.msk [tilespmem:v2+s2+$0x0], $0xffff;
	_ =	sdelay $0x4  }
0x1ea: {  	vm0 =	vgt.f32 v3, v4  }
0x1eb: {  	v4 =	vsel vm0, $0x3F800000, v0  }
0x1ec: {  	(xrf0) =	vmax.scan.msk.f32 $0xffff, v4;
	_ =	sdelay $0x5  }
0x1ed: {  	v4, _, _ =	vpop (xrf0)  }
0x1ee: {  	(v2sf) =	vpush v4, $0xF;
	_ =	sdelay $0xe  }
0x1ef: {  	s20 =	spop (v2sf)  }
0x1f0: {  	p0 =	sgt.f32 s20, $0.0e+00  }
.Ltmp28:
0x1f1: {  	_ = 	snop;
	(pc) =	sbr.rel @p0 .LBB2_26-.Ltmp28, $1  }
0x1f2: {  	_ =	sdelay $0x3  }
.Ltmp29:
0x1f3: {  	_ = 	snop;
	(pc) =	sbr.rel .LBB2_27-.Ltmp29, $1  }
0x1f4: {  	_ =	sdelay $0x3  }
.LBB2_30:
0x1f5: {  	_ =	sfence.sel $0x180000  }
0x1f6: {  	[bflag:$0x0] =	sbarrier.arrive $0xFFFF  }
0x1f7: {  	_ =	strace $0x9000004A  }
0x1f8: {  	s0 =	stileid.u32;
	[bflag:$0x2] =	sbarrier.arrive $0xFFFF  }
0x1f9: {  	p0 =	sne.s32 s0, $0x0;
	s0 =	rddreg [dreg:$0x1]  }
0x1fa: {  	s0 =	sadd.s32 @!p0 $0x100000, s0  }
0x1fb: {  	[sflag:s0] =	ssyncadd.tile.s32 @!p0 $0x1;
	_ =	shalt  }
.Lfunc_end2:
_tile_overlayer_lowered:
.L_overlay_start_2:
0x1fc: {  	(tag) =	ssettag $0x2  }
0x1fd: {  	s0 =	rddreg [dreg:$0x0];
	s2 =	stileid.u32  }
0x1fe: {  	s1 =	rddreg [dreg:$0x1];
	p0 =	sne.s32 s2, $0x0  }
0x1ff: {  	s3 =	rddreg [dreg:$0x2];
	[bflag:$0x3] =	sbarrier.arrive $0xFFFF;
	s2 =	simm.s32 @!p0 $0x1C03  }
0x200: {  	[timem:s3], [sflag:s2] =	dma.local @!p0 [hbm:s0], s1  }
0x201: {  	s0 =	simm.s32 @!p0 $0x3  }
0x202: {  	_ =	swait.ge @!p0 [sflag:s0], s1  }
0x203: {  	s1 =	ssub.s32 @!p0 $0x0, s1;
	[sflag:s0] =	ssyncset.done @!p0 $0x0  }
0x204: {  	[sflag:s0] =	ssyncadd.s32 @!p0 s1  }
0x205: {  	[bflag:$0x3] =	sbarrier.arrive $0xFFFF  }
0x206: {  	_ =	shalt  }

// kernel: kernel.8.cloned.1.call-start
scs
__scs_entry_jumppad:
0x0: {  	(pc) =	sbr.rel $0x88, $3  }
0x1: {  	(tag) =	ssettag $0x0;
	lr =	simm.s32 $0x1  }
0x2: {  	[smem:$0x3F91] =	sst lr;
	_ =	strace $0xD0000000  }
0x3: {  	_ = 	snop  }
0x4: {  	_ = 	snop  }
0x5: {  	_ = 	snop  }
0x6: {  	_ = 	snop  }
0x7: {  	_ = 	snop  }
__scs_overlays_trampoline_lowered:
0x8: {  	[smem:$0x3FA0] =	sst s0  }
0x9: {  	[smem:$0x3FA1] =	sst s1  }
0xa: {  	[smem:$0x3FA2] =	sst s2  }
0xb: {  	[smem:$0x3FA3] =	sst s3  }
0xc: {  	[smem:$0x3FA4] =	sst s4  }
0xd: {  	[smem:$0x3FA5] =	sst s5  }
0xe: {  	[smem:$0x3FA6] =	sst s6  }
0xf: {  	[smem:$0x3FA7] =	sst s7  }
0x10: {  	[smem:$0x3FA8] =	sst s8  }
0x11: {  	[smem:$0x3FA9] =	sst s9;
	s0 =	simm.s32 @!p0 $0x0  }
0x12: {  	s1 =	sld [smem:$0x3F8F];
	s0 =	simm.s32 @p0 $0x1  }
0x13: {  	[smem:$0x3FAA] =	sst s0;
	s0 =	simm.s32 @!p1 $0x0  }
0x14: {  	s2 =	sld [smem:$0x3F8E];
	s0 =	simm.s32 @p1 $0x1  }
0x15: {  	[smem:$0x3FAB] =	sst s0;
	s0 =	simm.s32 @!p2 $0x0  }
0x16: {  	s3 =	sld [smem:$0x3FDB];
	s0 =	simm.s32 @p2 $0x1  }
0x17: {  	s4 =	simm.s32 $0x1BF5;
	[smem:$0x3FAD] =	sst s0  }
0x18: {  	s0 =	sld [smem:$0x3F90];
	_ =	swait.ge [sflag:s4], $0x0  }
0x19: {  	s7 =	sld [smem:$0x3F91]  }
0x1a: {  	s8 =	sadd.s32 $0xFFFFE003, lr  }
0x1b: {  	s9 =	sadd.s32 $0xFFFFFEF7, lr;
	s5 =	simm.s32 $0xFFFFFFFF;
	p2 =	slt.u32 s8, $0xFFFFF086  }
0x1c: {  	p1 =	slt.u32 s9, $0xF7A;
	s5 =	simm.s32 @!p2 $0x0  }
0x1d: {  	s5 =	simm.s32 @p1 $0x1;
	p0 =	seq.s32 s7, s2  }
0x1e: {  	s7 =	smul.u32 @!p0 $0xF7A, s2;
	p2 =	seq.s32 @!p0 s5, $0x0  }
0x1f: {  	s9 =	smul.u32 $0xF7A, s1;
	s8 =	simm.s32 @!p0 $0x1BF5;
	p2 =	por !p2, p0  }
0x20: {  	[sflag:s8] =	ssyncset.s32 @!p0 $0xFFFFF086;
	s6 =	sadd.s32 @!p0 s3, s7;
	s7 =	simm.s32 @!p0 $0x108  }
0x21: {  	s3 =	sadd.s32 s3, s9;
	s6 =	sadd.s32 @!p0 $0x88, s6;
	s7 =	simm.s32 @p2 $0x1082  }
0x22: {  	[simem:s7], [sflag:s8] =	dma.local @!p0 [hbm:s6], $0xF7A  }
0x23: {  	s9 =	sor.u32 $0xD0000000, s2;
	s6 =	simm.s32 $0x108;
	_ =	swait.ge @!p0 [sflag:s8], $0x0  }
0x24: {  	s3 =	sadd.s32 $0x88, s3;
	s6 =	simm.s32 @!p1 $0x1082;
	[sflag:s4] =	ssyncset.s32 $0xFFFFF086  }
0x25: {  	[simem:s6], [sflag:s4] =	dma.local [hbm:s3], $0xF7A  }
0x26: {  	[smem:$0x3F91] =	sst s1;
	(tag) =	ssettag s2;
	_ =	strace s9  }
0x27: {  	s1 =	sld [smem:$0x3FA1]  }
0x28: {  	s2 =	sld [smem:$0x3FA2]  }
0x29: {  	s4 =	sld [smem:$0x3FA4]  }
0x2a: {  	p0 =	seq.s32 s5, $0x0;
	s5 =	sld [smem:$0x3FA5]  }
0x2b: {  	s6 =	sld [smem:$0x3FA6]  }
0x2c: {  	s7 =	sld [smem:$0x3FA7]  }
0x2d: {  	s3 =	simm.s32 $0x108;
	s8 =	sld [smem:$0x3FA8]  }
0x2e: {  	s3 =	simm.s32 @!p0 $0x1082;
	s9 =	sld [smem:$0x3FA9]  }
0x2f: {  	lr =	sadd.s32 s0, s3;
	s0 =	sld [smem:$0x3FA0]  }
0x30: {  	s3 =	sld [smem:$0x3FA3]  }
0x31: {  	[smem:$0x3FAC] =	sst s10  }
0x32: {  	s10 =	sld [smem:$0x3FAA];
	_ =	sdelay $0x3  }
0x33: {  	p0 =	seq.s32 s10, $0x1;
	s10 =	sld [smem:$0x3FAC];
	_ =	sdelay $0x3  }
0x34: {  	[smem:$0x3FAC] =	sst s10  }
0x35: {  	s10 =	sld [smem:$0x3FAB];
	_ =	sdelay $0x3  }
0x36: {  	p1 =	seq.s32 s10, $0x1;
	s10 =	sld [smem:$0x3FAC];
	_ =	sdelay $0x3  }
0x37: {  	[smem:$0x3FAC] =	sst s10  }
0x38: {  	s10 =	sld [smem:$0x3FAD]  }
0x39: {  	_ = 	snop;
	(pc) =	sbr.ind lr, $3  }
0x3a: {  	_ = 	snop  }
0x3b: {  	_ = 	snop  }
0x3c: {  	p2 =	seq.s32 s10, $0x1;
	s10 =	sld [smem:$0x3FAC]  }
0x3d: {  	_ =	shalt  }
0x3e: {  	_ =	shalt  }
0x3f: {  	_ =	shalt  }
0x40: {  	_ =	shalt  }
0x41: {  	_ =	shalt  }
0x42: {  	_ =	shalt  }
0x43: {  	_ =	shalt  }
0x44: {  	_ =	shalt  }
0x45: {  	_ =	shalt  }
0x46: {  	_ =	shalt  }
0x47: {  	_ =	shalt  }
0x48: {  	_ =	shalt  }
0x49: {  	_ =	shalt  }
0x4a: {  	_ =	shalt  }
0x4b: {  	_ =	shalt  }
0x4c: {  	_ =	shalt  }
0x4d: {  	_ =	shalt  }
0x4e: {  	_ =	shalt  }
0x4f: {  	_ =	shalt  }
0x50: {  	_ =	shalt  }
0x51: {  	_ =	shalt  }
0x52: {  	_ =	shalt  }
0x53: {  	_ =	shalt  }
0x54: {  	_ =	shalt  }
0x55: {  	_ =	shalt  }
0x56: {  	_ =	shalt  }
0x57: {  	_ =	shalt  }
0x58: {  	_ =	shalt  }
0x59: {  	_ =	shalt  }
0x5a: {  	_ =	shalt  }
0x5b: {  	_ =	shalt  }
0x5c: {  	_ =	shalt  }
0x5d: {  	_ =	shalt  }
0x5e: {  	_ =	shalt  }
0x5f: {  	_ =	shalt  }
0x60: {  	_ =	shalt  }
0x61: {  	_ =	shalt  }
0x62: {  	_ =	shalt  }
0x63: {  	_ =	shalt  }
0x64: {  	_ =	shalt  }
0x65: {  	_ =	shalt  }
0x66: {  	_ =	shalt  }
0x67: {  	_ =	shalt  }
0x68: {  	_ =	shalt  }
0x69: {  	_ =	shalt  }
0x6a: {  	_ =	shalt  }
0x6b: {  	_ =	shalt  }
0x6c: {  	_ =	shalt  }
0x6d: {  	_ =	shalt  }
0x6e: {  	_ =	shalt  }
0x6f: {  	_ =	shalt  }
0x70: {  	_ =	shalt  }
0x71: {  	_ =	shalt  }
0x72: {  	_ =	shalt  }
0x73: {  	_ =	shalt  }
0x74: {  	_ =	shalt  }
0x75: {  	_ =	shalt  }
0x76: {  	_ =	shalt  }
0x77: {  	_ =	shalt  }
0x78: {  	_ =	shalt  }
0x79: {  	_ =	shalt  }
0x7a: {  	_ =	shalt  }
0x7b: {  	_ =	shalt  }
0x7c: {  	_ =	shalt  }
0x7d: {  	_ =	shalt  }
0x7e: {  	_ =	shalt  }
0x7f: {  	_ =	shalt  }
0x80: {  	_ =	shalt  }
0x81: {  	_ =	shalt  }
0x82: {  	_ =	shalt  }
0x83: {  	_ =	shalt  }
0x84: {  	_ =	shalt  }
0x85: {  	_ =	shalt  }
0x86: {  	_ =	shalt  }
0x87: {  	_ =	shalt  }
.Lfunc_end0:
.L_simem_size_0:
called_computation_lowered:
.L_overlay_start_0:
0x88: {  	s2 =	sld [smem:$0x3FD9]  }
0x89: {  	s3 =	sld [smem:$0x3FFE];
	_ =	sdelay $0x1  }
0x8a: {  	s1 =	srdreg.scid  }
0x8b: {  	s0 =	sand.u32 $0x1, s1  }
0x8c: {  	s17 =	sshll.u32 s0, $0xA;
	s2 =	sadd.s32 s3, s2  }
0x8d: {  	s2 =	sadd.s32 s2, s17  }
0x8e: {  	[smem:$0x3FB8] =	sst s2  }
0x8f: {  	_ = 	snop  }
0x90: {  	s2 =	sld [smem:$0x3FD0];
	(tm) =	ssettm $0x1  }
0x91: {  	s18 =	sld [smem:$0x3FFB];
	_ =	sdelay $0x3  }
0x92: {  	_ =	strace s18  }
0x93: {  	s3 =	sld [smem:$0x3FFC];
	_ =	sdelay $0x3  }
0x94: {  	_ =	strace s3  }
0x95: {  	s3 =	sld [smem:$0x3FFD];
	_ =	sdelay $0x3  }
0x96: {  	_ =	strace s3  }
0x97: {  	_ =	strace $0x8FFFFFFF  }
0x98: {  	s19 =	sld [smem:$0x3FDB];
	_ =	sdelay $0x1  }
0x99: {  	s4 =	simm.s32 $_scs_section_size  }
0x9a: {  	s5 =	simm.s32 $_size__tile_overlayer_lowered;
	s6 =	simm.s32 $_tile_overlayer_lowered  }
0x9b: {  	s22 =	simm.s32 $0x1BFF;
	s21 =	sshll.u32 s6, $0x1;
	s3 =	sadd.s32 s4, s19  }
0x9c: {  	s7 =	simm.s32 $0x0;
	s20 =	sshll.u32 s5, $0x1;
	s5 =	sadd.s32 s21, s3  }
0x9d: {  	[timem:s7], [sflag:s22] =	dma.local [hbm:s5], s20  }
0x9e: {  	_ =	swait.ge [sflag:s22], s20  }
0x9f: {  	s4 =	ssub.s32 $0x0, s20;
	[sflag:s22] =	ssyncset.done $0x0  }
0xa0: {  	[sflag:s22] =	ssyncadd.s32 s4;
	_ =	sdelay $0x1  }
0xa1: {  	s23 =	simm.s32 $0x1B8B  }
0xa2: {  	_ =	swait.ge [sflag:s23], $0x1  }
0xa3: {  	[sflag:s23] =	ssyncset.done $0x0  }
0xa4: {  	s25 =	simm.s32 $0x1B8E;
	s24 =	sld [smem:$0x3FFE];
	[sflag:s23] =	ssyncadd.s32 $0xFFFFFFFF  }
0xa5: {  	s26 =	simm.s32 $execute0_lowered;
	[smem:$0x3FD2] =	sst s25  }
0xa6: {  	s5 =	sshll.u32 s26, $0x1;
	_ =	strace $0x80000046;
	[dreg:$0x1] =	wrdreg $0xFFFFFFFF  }
0xa7: {  	s28 =	simm.s32 $_size_execute0_lowered;
	s3 =	sadd.s32 s3, s5;
	[dreg:$0x0] =	wrdreg $0x0  }
0xa8: {  	s5 =	sshll.u32 s28, $0x1;
	[dreg:$0x2] =	wrdreg s3  }
0xa9: {  	[dreg:$0x3] =	wrdreg s5  }
0xaa: {  	[dreg:$0x4] =	wrdreg $0xC0  }
0xab: {  	_ =	task [dreg:s7], $0x5FFFF  }
0xac: {  	[dreg:$0x1] =	wrdreg $0xFFFFFFFF  }
0xad: {  	[dreg:$0x0] =	wrdreg $0x60  }
0xae: {  	[dreg:$0x2] =	wrdreg s2  }
0xaf: {  	[dreg:$0x3] =	wrdreg s24  }
0xb0: {  	[dreg:$0x4] =	wrdreg $0x9  }
0xb1: {  	_ =	task.clear_ibuf [dreg:s7], $0x5FFFF;
	_ =	strace $0x90000046  }
0xb2: {  	s29 =	simm.s32 $0x9;
	_ =	strace $0x80000048  }
0xb3: {  	_ =	swait.ge [sflag:s29], $0x1  }
0xb4: {  	[sflag:s29] =	ssyncadd.s32 $0xFFFFFFFF  }
0xb5: {  	_ =	strace $0x90000048  }
0xb6: {  	_ =	sfence  }
0xb7: {  	s30 =	sld [smem:$0x0];
	_ =	sdelay $0x2  }
0xb8: {  	s31 =	sshll.u32 s1, $0xD;
	s1 =	sshrl.u32 s1, $0x2  }
0xb9: {  	s3 =	sand.u32 $0x4000, s31;
	s1 =	sadd.s32 s1, s30  }
0xba: {  	s0 =	sor.u32 s3, s0;
	s1 =	sshll.u32 s1, $0x11  }
0xbb: {  	s0 =	sor.u32 s1, s0  }
0xbc: {  	s0 =	sadd.s32 $0x8F2B, s0  }
0xbd: {  	[sflag:s0] =	ssyncadd.remote.s32 $0x1  }
0xbe: {  	_ =	sfence.sel $0xFFFF  }
0xbf: {  	[dreg:$0x0] =	wrdreg $0xFFFFFFFF;
	(pc) =	sbr.abs _section_cstart, $3  }
0xc0: {  	[dreg:$0x1] =	wrdreg $0xFFFFFFFF  }
0xc1: {  	_ =	task.clear_ibuf [dreg:s7], $0x2FFFF;
	_ =	strace $0x9FFFFFFF  }
0xc2: {  	(tm) =	ssettm $0x7FFFFFFF  }
0xc3: {  	_ =	shalt  }
tec
execute0_lowered:
.L_overlay_start_1:
0x0: {  	(tag) =	ssettag $0x1  }
0x1: {  	s2 =	rddreg [dreg:$0x0]  }
0x2: {  	s5 =	rddreg [dreg:$0x1]  }
0x3: {  	s0 =	rddreg [dreg:$0x2];
	s1 =	stileid.u32  }
0x4: {  	s4 =	srdreg.scid;
	s3 =	simm.s32 $0x0;
	s7 =	smul.u32 $0x186A0, s1  }
0x5: {  	s12 =	simm.s32 $0x1;
	s6 =	sand.u32 $0x1, s4;
	s9 =	smul.u32 $0x30D40, s1  }
0x6: {  	s13 =	simm.s32 $0x0;
	[smem:$0x7FF] =	sst s3;
	s8 =	smul.u32 $0xC350, s6  }
0x7: {  	s4 =	sadd.s32 $0x64800, s5;
	s30 =	ssub.s32 $0x2, s6;
	s6 =	smul.u32 $0x186A0, s6  }
0x8: {  	_ =	strace $0x80000047;
	s9 =	sadd.s32 s9, s5;
	s10 =	sshrl.u32 s30, $0x1  }
0x9: {  	s7 =	sadd.s32 s8, s7;
	s31 =	ssub.s32 s30, s10;
	s6 =	sadd.s32 s6, s9  }
0xa: {  	s9 =	simm.s32 $0x2;
	s10 =	simm.s32 $0x7D0;
	s7 =	sshrl.u32 s7, $0x3  }
0xb: {  	s6 =	sadd.s32 $0x70C00, s6;
	s11 =	sadd.s32 s7, s5;
	s5 =	smax.u32 s31, $0x1  }
0xc: {  	s7 =	sadd.s32 $0x33A00, s11;
	s8 =	sadd.s32 $0x2C00, s11;
	s11 =	simm.s32 $0xFA0  }
.LBB2_1:
0xd: {  	s14 =	sadd.s32 $0x0, s8  }
0xe: {  	[tilespmem:s3], [sflag:$0x2] =	stream.linear.gather [hbm4b:s14+s3], $0x7D0, $0x38;
	[tilespmem:$0x8CA0] =	vst v63  }
0xf: {  	_ =	swait.ge [sflag:s9], $0x7D0  }
0x10: {  	[sflag:s9] =	ssyncset.done $0x0  }
0x11: {  	s31 =	sadd.s32 $0x0, s7;
	[sflag:s9] =	ssyncadd.s32 $0xFFFFF830  }
0x12: {  	[tilespmem:s10], [sflag:$0x2] =	stream.linear.gather [hbm4b:s31+s3], $0x7D0, $0x38;
	[tilespmem:$0x8CA0] =	vst v63  }
0x13: {  	_ =	swait.ge [sflag:s9], $0x7D0  }
0x14: {  	[sflag:s9] =	ssyncset.done $0x0  }
0x15: {  	[sflag:s9] =	ssyncadd.s32 $0xFFFFF830  }
0x16: {  	[tilespmem:s11], [sflag:$0x1] =	stream.indirect.gather [hbm4b:s2+s10], $0x10, s3, s10, $0xb8;
	[tilespmem:$0x8CA0] =	vst v63  }
0x17: {  	_ =	swait.ge [sflag:s12], $0x7D00  }
0x18: {  	[sflag:s12] =	ssyncset.done $0x0  }
0x19: {  	[sflag:s12] =	ssyncadd.s32 $0xFFFF8300  }
0x1a: {  	[tilespmem:s11], [sflag:$0x2] =	stream.indirect.gather.add.f32 [hbm:s4], $0x10, s10, s10, $0xb8;
	[tilespmem:$0x8CA0] =	vst v63  }
0x1b: {  	_ =	swait.ge [sflag:s9], $0x7D00  }
0x1c: {  	[sflag:s9] =	ssyncset.done $0x0  }
0x1d: {  	[sflag:s9] =	ssyncadd.s32 $0xFFFF8300  }
0x1e: {  	[hbm4b:s6+s3] =	stream.linear.scatter [tilespmem:s11], [sflag:$0x2], $0x7D00, $0x38;
	[tilespmem:$0x8CA0] =	vst v63  }
0x1f: {  	s15 =	simm.s32 $0xFA;
	_ =	swait.ge [sflag:s9], $0x7D00  }
0x20: {  	s16 =	simm.s32 $0x1F4;
	s14 =	sadd.s32 $0xFA0, s6;
	[sflag:s9] =	ssyncset.done $0x0  }
.LBB2_2:
0x21: {  	s17 =	sadd.s32 s15, s8  }
0x22: {  	[sflag:s9] =	ssyncadd.s32 $0xFFFF8300;
	s18 =	smov.u32 s16;
	s19 =	sadd.s32 $0xFA, s16  }
0x23: {  	[tilespmem:s3], [sflag:$0x2] =	stream.linear.gather [hbm4b:s17+s3], $0x7D0, $0x38;
	[tilespmem:$0x8CA0] =	vst v63  }
0x24: {  	p0 =	sne.s32 s16, $0x1770;
	_ =	swait.ge [sflag:s9], $0x7D0  }
0x25: {  	[sflag:s9] =	ssyncset.done $0x0  }
0x26: {  	s16 =	sadd.s32 s15, s7;
	s15 =	smov.u32 s18;
	[sflag:s9] =	ssyncadd.s32 $0xFFFFF830  }
0x27: {  	[tilespmem:s10], [sflag:$0x2] =	stream.linear.gather [hbm4b:s16+s3], $0x7D0, $0x38;
	[tilespmem:$0x8CA0] =	vst v63  }
0x28: {  	_ =	swait.ge [sflag:s9], $0x7D0  }
0x29: {  	[sflag:s9] =	ssyncset.done $0x0  }
0x2a: {  	[sflag:s9] =	ssyncadd.s32 $0xFFFFF830  }
0x2b: {  	[tilespmem:s11], [sflag:$0x1] =	stream.indirect.gather [hbm4b:s2+s10], $0x10, s3, s10, $0xb8;
	[tilespmem:$0x8CA0] =	vst v63  }
0x2c: {  	_ =	swait.ge [sflag:s12], $0x7D00  }
0x2d: {  	[sflag:s12] =	ssyncset.done $0x0  }
0x2e: {  	[sflag:s12] =	ssyncadd.s32 $0xFFFF8300  }
0x2f: {  	[tilespmem:s11], [sflag:$0x2] =	stream.indirect.gather.add.f32 [hbm:s4], $0x10, s10, s10, $0xb8;
	[tilespmem:$0x8CA0] =	vst v63  }
0x30: {  	_ =	swait.ge [sflag:s9], $0x7D00  }
.Ltmp0:
0x31: {  	[sflag:s9] =	ssyncset.done $0x0;
	(pc) =	sbr.rel @p0 .LBB2_2-.Ltmp0, $4  }
0x32: {  	[sflag:s9] =	ssyncadd.s32 $0xFFFF8300  }
0x33: {  	[hbm4b:s14+s3] =	stream.linear.scatter [tilespmem:s11], [sflag:$0x2], $0x7D00, $0x38;
	[tilespmem:$0x8CA0] =	vst v63  }
0x34: {  	_ =	swait.ge [sflag:s9], $0x7D00  }
0x35: {  	s16 =	smov.u32 s19;
	s14 =	sadd.s32 $0xFA0, s14;
	[sflag:s9] =	ssyncset.done $0x0  }
0x36: {  	s16 =	sadd.s32 s15, s8;
	[sflag:s9] =	ssyncadd.s32 $0xFFFF8300  }
0x37: {  	[tilespmem:s3], [sflag:$0x2] =	stream.linear.gather [hbm4b:s16+s3], $0x7D0, $0x38;
	[tilespmem:$0x8CA0] =	vst v63  }
0x38: {  	_ =	swait.ge [sflag:s9], $0x7D0  }
0x39: {  	[sflag:s9] =	ssyncset.done $0x0  }
0x3a: {  	s31 =	sadd.s32 s15, s7;
	[sflag:s9] =	ssyncadd.s32 $0xFFFFF830  }
0x3b: {  	[tilespmem:s10], [sflag:$0x2] =	stream.linear.gather [hbm4b:s31+s3], $0x7D0, $0x38;
	[tilespmem:$0x8CA0] =	vst v63  }
0x3c: {  	_ =	swait.ge [sflag:s9], $0x7D0  }
0x3d: {  	[sflag:s9] =	ssyncset.done $0x0  }
0x3e: {  	[sflag:s9] =	ssyncadd.s32 $0xFFFFF830  }
0x3f: {  	[tilespmem:s11], [sflag:$0x1] =	stream.indirect.gather [hbm4b:s2+s10], $0x10, s3, s10, $0xb8;
	[tilespmem:$0x8CA0] =	vst v63  }
0x40: {  	_ =	swait.ge [sflag:s12], $0x7D00  }
0x41: {  	[sflag:s12] =	ssyncset.done $0x0  }
0x42: {  	[sflag:s12] =	ssyncadd.s32 $0xFFFF8300  }
0x43: {  	[tilespmem:s11], [sflag:$0x2] =	stream.indirect.gather.add.f32 [hbm:s4], $0x10, s10, s10, $0xb8;
	[tilespmem:$0x8CA0] =	vst v63  }
0x44: {  	s13 =	sadd.s32 $0x1, s13;
	_ =	swait.ge [sflag:s9], $0x7D00  }
0x45: {  	p0 =	sne.s32 s13, s5;
	[sflag:s9] =	ssyncset.done $0x0  }
.Ltmp1:
0x46: {  	[sflag:s9] =	ssyncadd.s32 $0xFFFF8300;
	(pc) =	sbr.rel @p0 .LBB2_1-.Ltmp1, $4  }
0x47: {  	[hbm4b:s14+s3] =	stream.linear.scatter [tilespmem:s11], [sflag:$0x2], $0x7D00, $0x38;
	[tilespmem:$0x8CA0] =	vst v63  }
0x48: {  	_ =	swait.ge [sflag:s9], $0x7D00  }
0x49: {  	[sflag:s9] =	ssyncset.done $0x0  }
0x4a: {  	[sflag:s9] =	ssyncadd.s32 $0xFFFF8300  }
0x4b: {  	_ =	sfence.sel $0x180000  }
0x4c: {  	[bflag:$0x0] =	sbarrier.arrive $0xFFFF  }
0x4d: {  	p0 =	sne.s32 s1, $0x0;
	_ =	strace $0x90000047  }
0x4e: {  	s0 =	sadd.s32 @!p0 $0x100000, s0;
	[bflag:$0x2] =	sbarrier.arrive $0xFFFF  }
0x4f: {  	[sflag:s0] =	ssyncadd.tile.s32 @!p0 $0x1;
	_ =	shalt  }
.Lfunc_end2:
_tile_overlayer_lowered:
.L_overlay_start_2:
0x50: {  	(tag) =	ssettag $0x2  }
0x51: {  	s0 =	rddreg [dreg:$0x0];
	s2 =	stileid.u32  }
0x52: {  	s1 =	rddreg [dreg:$0x1];
	p0 =	sne.s32 s2, $0x0  }
0x53: {  	s3 =	rddreg [dreg:$0x2];
	[bflag:$0x3] =	sbarrier.arrive $0xFFFF;
	s2 =	simm.s32 @!p0 $0x1C02  }
0x54: {  	[timem:s3], [sflag:s2] =	dma.local @!p0 [hbm:s0], s1  }
0x55: {  	s0 =	simm.s32 @!p0 $0x2  }
0x56: {  	_ =	swait.ge @!p0 [sflag:s0], s1  }
0x57: {  	s1 =	ssub.s32 @!p0 $0x0, s1;
	[sflag:s0] =	ssyncset.done @!p0 $0x0  }
0x58: {  	[sflag:s0] =	ssyncadd.s32 @!p0 s1  }
0x59: {  	[bflag:$0x3] =	sbarrier.arrive $0xFFFF  }
0x5a: {  	_ =	shalt  }

</sc_bundles>
